<compile_context>
chip_gen: v7x
topology: tpu7x:2x2x1
jax: 0.10.2.dev20260603
libtpu: 0.0.44.dev20260713+nightly
codegen_flags: <defaults>
</compile_context>

<pallas_src>
import functools

import jax
import jax.numpy as jnp
from jax import lax
from jax.experimental import pallas as pl
from jax.experimental.pallas import tpu as pltpu
from jax.experimental.pallas import tpu_sc as plsc

_B = 4096
_L = 50
_HIDDEN = 128
_CODE = 128
_R = _B * _L

_S = 5
_RS = _R // _S

_NC = 2
_NS = 16
_NW = _NC * _NS
_R_PER_W = _RS // _NW
_CHUNK = 320
_NCHUNK = _R_PER_W // _CHUNK


def _sc_gather(src_idx, emb_table):
    mesh = plsc.VectorSubcoreMesh(core_axis_name="c", subcore_axis_name="s")

    @functools.partial(
        pl.kernel,
        mesh=mesh,
        out_type=jax.ShapeDtypeStruct((_RS, _HIDDEN), jnp.float32),
        scratch_types=[
            pltpu.VMEM((_R_PER_W,), jnp.int32),
            pltpu.VMEM((_CHUNK, _HIDDEN), jnp.float32),
            pltpu.VMEM((_CHUNK, _HIDDEN), jnp.float32),
            pltpu.VMEM((_CHUNK, _HIDDEN), jnp.float32),
            pltpu.SemaphoreType.DMA,
            pltpu.SemaphoreType.DMA,
            pltpu.SemaphoreType.DMA,
            pltpu.SemaphoreType.DMA,
            pltpu.SemaphoreType.DMA,
            pltpu.SemaphoreType.DMA,
        ],
    )
    def gather_kernel(idx_hbm, table_hbm, out_hbm, idx_v,
                      r0, r1, r2, g0, g1, g2, s0, s1, s2):
        wid = lax.axis_index("s") * _NC + lax.axis_index("c")
        base = wid * _R_PER_W
        pltpu.sync_copy(idx_hbm.at[pl.ds(base, _R_PER_W)], idx_v)

        bufs = (r0, r1, r2)
        gsem = (g0, g1, g2)
        ssem = (s0, s1, s2)
        n = _NCHUNK

        def g_copy(c):
            return pltpu.make_async_copy(
                table_hbm.at[idx_v.at[pl.ds(c * _CHUNK, _CHUNK)]],
                bufs[c % 3],
                gsem[c % 3],
            )

        def s_copy(c):
            return pltpu.make_async_copy(
                bufs[c % 3],
                out_hbm.at[pl.ds(base + c * _CHUNK, _CHUNK)],
                ssem[c % 3],
            )

        for c in range(min(3, n)):
            g_copy(c).start()
        for c in range(n):
            g_copy(c).wait()
            s_copy(c).start()
            if c >= 1 and c + 2 < n:
                s_copy(c - 1).wait()
                g_copy(c + 2).start()
        for c in range(max(0, n - 3), n):
            s_copy(c).wait()

    return gather_kernel(src_idx, emb_table)


_BLK = 2048


def _mlp_body(x_ref, w1_ref, b1_ref, w2_ref, b2_ref, o_ref):
    x = x_ref[...].astype(jnp.bfloat16)
    w1 = w1_ref[...].astype(jnp.bfloat16)
    w2 = w2_ref[...].astype(jnp.bfloat16)
    h = jnp.dot(x, w1, preferred_element_type=jnp.float32)
    h = jnp.maximum(h + b1_ref[...], 0.0).astype(jnp.bfloat16)
    o = jnp.dot(h, w2, preferred_element_type=jnp.float32)
    o_ref[...] = jnp.maximum(o + b2_ref[...], 0.0)


def _mlp_body_upd(buf_ref, x_ref, w1_ref, b1_ref, w2_ref, b2_ref, o_ref):
    del buf_ref
    _mlp_body(x_ref, w1_ref, b1_ref, w2_ref, b2_ref, o_ref)


def _tc_mlp_slice(s, buf, enc, W1, b1, W2, b2):
    nblk = _RS // _BLK
    w_specs = [
        pl.BlockSpec((_HIDDEN, _HIDDEN), lambda i: (0, 0)),
        pl.BlockSpec((1, _HIDDEN), lambda i: (0, 0)),
        pl.BlockSpec((_HIDDEN, _CODE), lambda i: (0, 0)),
        pl.BlockSpec((1, _CODE), lambda i: (0, 0)),
    ]
    x_spec = pl.BlockSpec((_BLK, _HIDDEN), lambda i: (i, 0))
    out_spec = pl.BlockSpec((_BLK, _CODE), lambda i, s=s: (i + s * nblk, 0))
    out_shape = jax.ShapeDtypeStruct((_R, _CODE), jnp.float32)
    args = (enc, W1, b1[None, :], W2, b2[None, :])
    if s == 0:
        return pl.pallas_call(
            _mlp_body,
            grid=(nblk,),
            in_specs=[x_spec] + w_specs,
            out_specs=out_spec,
            out_shape=out_shape,
        )(*args)
    return pl.pallas_call(
        _mlp_body_upd,
        grid=(nblk,),
        in_specs=[pl.BlockSpec(memory_space=pl.ANY), x_spec] + w_specs,
        out_specs=out_spec,
        out_shape=out_shape,
        input_output_aliases={0: 0},
    )(buf, *args)


def kernel(src_seq, emb_table, W1, b1, W2, b2):
    idx = src_seq.T.reshape(_R).astype(jnp.int32)
    encs = [
        _sc_gather(lax.slice(idx, (s * _RS,), ((s + 1) * _RS,)), emb_table)
        for s in range(_S)
    ]
    out = None
    for s in range(_S):
        out = _tc_mlp_slice(s, out, encs[s], W1, b1, W2, b2)
    return out.reshape(_L, _B, _CODE).transpose(1, 0, 2)

# --- scband reference (transcript-rebuilt; emitter-appended) ---
"""Pipeline reference for scband-encoder-17746804867928 (READ-ONLY COPY).

The authoritative reference and input builder live on the scoring server;
editing this copy changes nothing except your own understanding.
"""

import jax, jax.numpy as jnp
import numpy as np

N_SYMBOL = 100000
HIDDEN = 128
CODE = 128
B = 4096
L = 50

def setup_inputs(seed: int = 0) -> dict:
    key = jax.random.key(seed)
    k_idx, k_emb, k_w1, k_b1, k_w2, k_b2 = jax.random.split(key, 6)
    src_seq = jax.random.randint(k_idx, (B, L), 0, N_SYMBOL, dtype=jnp.int64 if jax.config.jax_enable_x64 else jnp.int32)
    emb_table = jax.random.normal(k_emb, (N_SYMBOL, HIDDEN), dtype=jnp.float32)
    W1 = jax.random.normal(k_w1, (HIDDEN, HIDDEN), dtype=jnp.float32) * (1.0 / np.sqrt(HIDDEN))
    b1 = jax.random.normal(k_b1, (HIDDEN,), dtype=jnp.float32) * 0.01
    W2 = jax.random.normal(k_w2, (HIDDEN, CODE), dtype=jnp.float32) * (1.0 / np.sqrt(HIDDEN))
    b2 = jax.random.normal(k_b2, (CODE,), dtype=jnp.float32) * 0.01
    return {"src_seq": src_seq, "emb_table": emb_table, "W1": W1, "b1": b1, "W2": W2, "b2": b2}

def reference(src_seq, emb_table, W1, b1, W2, b2):
    # Embedding lookup (gather)
    enc = jnp.take(emb_table, src_seq, axis=0)  # [B, L, HIDDEN]
    # fc_sd1 + ReLU
    h = jax.nn.relu(jnp.einsum('bld,dk->blk', enc, W1) + b1)
    # fc_sd2 + ReLU
    out = jax.nn.relu(jnp.einsum('bld,dk->blk', h, W2) + b2)
    return out

if __name__ == "__main__":
    import jax
    _d = setup_inputs()
    print(jax.jit(kernel)(*tuple(_d.values())))

</pallas_src>

<mosaic_0001>
#map = affine_map<(d0, d1) -> (0)>
#map1 = affine_map<(d0, d1) -> (0, 0)>
module attributes {stable_mosaic.version = 14 : i64} {
  func.func @gather_kernel(%arg0: i32, %arg1: i32, %arg2: memref<40960xi32, #tpu.memory_space<hbm>>, %arg3: memref<100000x128xf32, #tpu.memory_space<hbm>>, %arg4: memref<40960x128xf32, #tpu.memory_space<hbm>>, %arg5: memref<1280xi32, #tpu.memory_space<vmem>>, %arg6: memref<320x128xf32, #tpu.memory_space<vmem>>, %arg7: memref<320x128xf32, #tpu.memory_space<vmem>>, %arg8: memref<320x128xf32, #tpu.memory_space<vmem>>, %arg9: memref<!tpu.dma_semaphore, #tpu.memory_space<semaphore_mem>>, %arg10: memref<!tpu.dma_semaphore, #tpu.memory_space<semaphore_mem>>, %arg11: memref<!tpu.dma_semaphore, #tpu.memory_space<semaphore_mem>>, %arg12: memref<!tpu.dma_semaphore, #tpu.memory_space<semaphore_mem>>, %arg13: memref<!tpu.dma_semaphore, #tpu.memory_space<semaphore_mem>>, %arg14: memref<!tpu.dma_semaphore, #tpu.memory_space<semaphore_mem>>) attributes {dimension_semantics = [#tpu.dimension_semantics<core_parallel>, #tpu.dimension_semantics<subcore_parallel>], iteration_bounds = array<i64: 2, 16>, scalar_prefetch = 0 : i64, scratch_operands = 10 : i64, tpu.core_type = #tpu.core_type<sc_vector_subcore>, window_params = [{transform_indices = #map}, {transform_indices = #map1}, {transform_indices = #map1}]} {
    %mul3A = arith.constant 2 : i32
    %mul3A_0 = arith.muli %arg1, %mul3A : i32
    %add3A = arith.addi %mul3A_0, %arg0 : i32
    %mul3A_1 = arith.constant 1280 : i32
    %mul3A_2 = arith.muli %add3A, %mul3A_1 : i32
    "tpu.region"() ({
      %run_scoped3A = tpu.sem_alloc : memref<!tpu.dma_semaphore, #tpu.memory_space<semaphore_mem>>
      %dma_start3A_89 = tpu.memref_slice %arg2[%mul3A_2] : memref<40960xi32, #tpu.memory_space<hbm>> -> memref<1280xi32, #tpu.memory_space<hbm>>
      %dma_start3A_90 = tpu.memref_slice %arg2[%mul3A_2] : memref<40960xi32, #tpu.memory_space<hbm>> -> memref<1280xi32, #tpu.memory_space<hbm>>
      tpu.enqueue_dma source(%dma_start3A_90 : memref<1280xi32, #tpu.memory_space<hbm>>) target(%arg5 : memref<1280xi32, #tpu.memory_space<vmem>>) target_semaphore(%run_scoped3A : memref<!tpu.dma_semaphore, #tpu.memory_space<semaphore_mem>>)
      %dma_wait3A_91 = tpu.memref_slice %arg2[%mul3A_2] : memref<40960xi32, #tpu.memory_space<hbm>> -> memref<1280xi32, #tpu.memory_space<hbm>>
      %dma_wait3A_92 = tpu.memref_slice %arg2[%mul3A_2] : memref<40960xi32, #tpu.memory_space<hbm>> -> memref<1280xi32, #tpu.memory_space<hbm>>
      tpu.wait_dma2 semaphore(%run_scoped3A : memref<!tpu.dma_semaphore, #tpu.memory_space<semaphore_mem>>) src(%dma_wait3A_92 : memref<1280xi32, #tpu.memory_space<hbm>>) dst(%arg5 : memref<1280xi32, #tpu.memory_space<vmem>>)
      tpu.yield
    }) : () -> ()
    %dma_start3A = arith.constant 0 : i32
    %dma_start3A_3 = tpu.memref_slice %arg5[%dma_start3A] : memref<1280xi32, #tpu.memory_space<vmem>> -> memref<320xi32, #tpu.memory_space<vmem>>
    %dma_start3A_4 = arith.constant 0 : i32
    %dma_start3A_5 = arith.constant 0 : i32
    %dma_start3A_6 = tpu.memref_slice %arg3[%dma_start3A_4, %dma_start3A_5] : memref<100000x128xf32, #tpu.memory_space<hbm>> -> memref<100000x128xf32, #tpu.memory_space<hbm>>
    tpu.enqueue_indirect_dma source(%dma_start3A_6 : memref<100000x128xf32, #tpu.memory_space<hbm>>) target(%arg6 : memref<320x128xf32, #tpu.memory_space<vmem>>) offsets(%dma_start3A_3 : memref<320xi32, #tpu.memory_space<vmem>>) semaphore(%arg9 : memref<!tpu.dma_semaphore, #tpu.memory_space<semaphore_mem>>)
    %dma_start3A_7 = arith.constant 320 : i32
    %dma_start3A_8 = tpu.memref_slice %arg5[%dma_start3A_7] : memref<1280xi32, #tpu.memory_space<vmem>> -> memref<320xi32, #tpu.memory_space<vmem>>
    %dma_start3A_9 = arith.constant 0 : i32
    %dma_start3A_10 = arith.constant 0 : i32
    %dma_start3A_11 = tpu.memref_slice %arg3[%dma_start3A_9, %dma_start3A_10] : memref<100000x128xf32, #tpu.memory_space<hbm>> -> memref<100000x128xf32, #tpu.memory_space<hbm>>
    tpu.enqueue_indirect_dma source(%dma_start3A_11 : memref<100000x128xf32, #tpu.memory_space<hbm>>) target(%arg7 : memref<320x128xf32, #tpu.memory_space<vmem>>) offsets(%dma_start3A_8 : memref<320xi32, #tpu.memory_space<vmem>>) semaphore(%arg10 : memref<!tpu.dma_semaphore, #tpu.memory_space<semaphore_mem>>)
    %dma_start3A_12 = arith.constant 640 : i32
    %dma_start3A_13 = tpu.memref_slice %arg5[%dma_start3A_12] : memref<1280xi32, #tpu.memory_space<vmem>> -> memref<320xi32, #tpu.memory_space<vmem>>
    %dma_start3A_14 = arith.constant 0 : i32
    %dma_start3A_15 = arith.constant 0 : i32
    %dma_start3A_16 = tpu.memref_slice %arg3[%dma_start3A_14, %dma_start3A_15] : memref<100000x128xf32, #tpu.memory_space<hbm>> -> memref<100000x128xf32, #tpu.memory_space<hbm>>
    tpu.enqueue_indirect_dma source(%dma_start3A_16 : memref<100000x128xf32, #tpu.memory_space<hbm>>) target(%arg8 : memref<320x128xf32, #tpu.memory_space<vmem>>) offsets(%dma_start3A_13 : memref<320xi32, #tpu.memory_space<vmem>>) semaphore(%arg11 : memref<!tpu.dma_semaphore, #tpu.memory_space<semaphore_mem>>)
    %dma_wait3A = arith.constant 0 : i32
    %dma_wait3A_17 = tpu.memref_slice %arg5[%dma_wait3A] : memref<1280xi32, #tpu.memory_space<vmem>> -> memref<320xi32, #tpu.memory_space<vmem>>
    %dma_wait3A_18 = arith.constant 0 : i32
    %dma_wait3A_19 = arith.constant 0 : i32
    %dma_wait3A_20 = tpu.memref_slice %arg3[%dma_wait3A_18, %dma_wait3A_19] : memref<100000x128xf32, #tpu.memory_space<hbm>> -> memref<100000x128xf32, #tpu.memory_space<hbm>>
    tpu.wait_indirect_dma semaphore(%arg9 : memref<!tpu.dma_semaphore, #tpu.memory_space<semaphore_mem>>) src(%dma_wait3A_20 : memref<100000x128xf32, #tpu.memory_space<hbm>>) dst(%arg6 : memref<320x128xf32, #tpu.memory_space<vmem>>)
    %add3A_21 = arith.constant 0 : i32
    %add3A_22 = arith.addi %mul3A_2, %add3A_21 : i32
    %dma_start3A_23 = arith.constant 0 : i32
    %dma_start3A_24 = tpu.memref_slice %arg4[%add3A_22, %dma_start3A_23] : memref<40960x128xf32, #tpu.memory_space<hbm>> -> memref<320x128xf32, #tpu.memory_space<hbm>>
    %dma_start3A_25 = arith.constant 0 : i32
    %dma_start3A_26 = tpu.memref_slice %arg4[%add3A_22, %dma_start3A_25] : memref<40960x128xf32, #tpu.memory_space<hbm>> -> memref<320x128xf32, #tpu.memory_space<hbm>>
    tpu.enqueue_dma source(%arg6 : memref<320x128xf32, #tpu.memory_space<vmem>>) target(%dma_start3A_26 : memref<320x128xf32, #tpu.memory_space<hbm>>) target_semaphore(%arg12 : memref<!tpu.dma_semaphore, #tpu.memory_space<semaphore_mem>>)
    %dma_wait3A_27 = arith.constant 320 : i32
    %dma_wait3A_28 = tpu.memref_slice %arg5[%dma_wait3A_27] : memref<1280xi32, #tpu.memory_space<vmem>> -> memref<320xi32, #tpu.memory_space<vmem>>
    %dma_wait3A_29 = arith.constant 0 : i32
    %dma_wait3A_30 = arith.constant 0 : i32
    %dma_wait3A_31 = tpu.memref_slice %arg3[%dma_wait3A_29, %dma_wait3A_30] : memref<100000x128xf32, #tpu.memory_space<hbm>> -> memref<100000x128xf32, #tpu.memory_space<hbm>>
    tpu.wait_indirect_dma semaphore(%arg10 : memref<!tpu.dma_semaphore, #tpu.memory_space<semaphore_mem>>) src(%dma_wait3A_31 : memref<100000x128xf32, #tpu.memory_space<hbm>>) dst(%arg7 : memref<320x128xf32, #tpu.memory_space<vmem>>)
    %add3A_32 = arith.constant 320 : i32
    %add3A_33 = arith.addi %mul3A_2, %add3A_32 : i32
    %dma_start3A_34 = arith.constant 0 : i32
    %dma_start3A_35 = tpu.memref_slice %arg4[%add3A_33, %dma_start3A_34] : memref<40960x128xf32, #tpu.memory_space<hbm>> -> memref<320x128xf32, #tpu.memory_space<hbm>>
    %dma_start3A_36 = arith.constant 0 : i32
    %dma_start3A_37 = tpu.memref_slice %arg4[%add3A_33, %dma_start3A_36] : memref<40960x128xf32, #tpu.memory_space<hbm>> -> memref<320x128xf32, #tpu.memory_space<hbm>>
    tpu.enqueue_dma source(%arg7 : memref<320x128xf32, #tpu.memory_space<vmem>>) target(%dma_start3A_37 : memref<320x128xf32, #tpu.memory_space<hbm>>) target_semaphore(%arg13 : memref<!tpu.dma_semaphore, #tpu.memory_space<semaphore_mem>>)
    %add3A_38 = arith.constant 0 : i32
    %add3A_39 = arith.addi %mul3A_2, %add3A_38 : i32
    %dma_wait3A_40 = arith.constant 0 : i32
    %dma_wait3A_41 = tpu.memref_slice %arg4[%add3A_39, %dma_wait3A_40] : memref<40960x128xf32, #tpu.memory_space<hbm>> -> memref<320x128xf32, #tpu.memory_space<hbm>>
    %dma_wait3A_42 = arith.constant 0 : i32
    %dma_wait3A_43 = tpu.memref_slice %arg4[%add3A_39, %dma_wait3A_42] : memref<40960x128xf32, #tpu.memory_space<hbm>> -> memref<320x128xf32, #tpu.memory_space<hbm>>
    tpu.wait_dma2 semaphore(%arg12 : memref<!tpu.dma_semaphore, #tpu.memory_space<semaphore_mem>>) src(%arg6 : memref<320x128xf32, #tpu.memory_space<vmem>>) dst(%dma_wait3A_43 : memref<320x128xf32, #tpu.memory_space<hbm>>)
    %dma_start3A_44 = arith.constant 960 : i32
    %dma_start3A_45 = tpu.memref_slice %arg5[%dma_start3A_44] : memref<1280xi32, #tpu.memory_space<vmem>> -> memref<320xi32, #tpu.memory_space<vmem>>
    %dma_start3A_46 = arith.constant 0 : i32
    %dma_start3A_47 = arith.constant 0 : i32
    %dma_start3A_48 = tpu.memref_slice %arg3[%dma_start3A_46, %dma_start3A_47] : memref<100000x128xf32, #tpu.memory_space<hbm>> -> memref<100000x128xf32, #tpu.memory_space<hbm>>
    tpu.enqueue_indirect_dma source(%dma_start3A_48 : memref<100000x128xf32, #tpu.memory_space<hbm>>) target(%arg6 : memref<320x128xf32, #tpu.memory_space<vmem>>) offsets(%dma_start3A_45 : memref<320xi32, #tpu.memory_space<vmem>>) semaphore(%arg9 : memref<!tpu.dma_semaphore, #tpu.memory_space<semaphore_mem>>)
    %dma_wait3A_49 = arith.constant 640 : i32
    %dma_wait3A_50 = tpu.memref_slice %arg5[%dma_wait3A_49] : memref<1280xi32, #tpu.memory_space<vmem>> -> memref<320xi32, #tpu.memory_space<vmem>>
    %dma_wait3A_51 = arith.constant 0 : i32
    %dma_wait3A_52 = arith.constant 0 : i32
    %dma_wait3A_53 = tpu.memref_slice %arg3[%dma_wait3A_51, %dma_wait3A_52] : memref<100000x128xf32, #tpu.memory_space<hbm>> -> memref<100000x128xf32, #tpu.memory_space<hbm>>
    tpu.wait_indirect_dma semaphore(%arg11 : memref<!tpu.dma_semaphore, #tpu.memory_space<semaphore_mem>>) src(%dma_wait3A_53 : memref<100000x128xf32, #tpu.memory_space<hbm>>) dst(%arg8 : memref<320x128xf32, #tpu.memory_space<vmem>>)
    %add3A_54 = arith.constant 640 : i32
    %add3A_55 = arith.addi %mul3A_2, %add3A_54 : i32
    %dma_start3A_56 = arith.constant 0 : i32
    %dma_start3A_57 = tpu.memref_slice %arg4[%add3A_55, %dma_start3A_56] : memref<40960x128xf32, #tpu.memory_space<hbm>> -> memref<320x128xf32, #tpu.memory_space<hbm>>
    %dma_start3A_58 = arith.constant 0 : i32
    %dma_start3A_59 = tpu.memref_slice %arg4[%add3A_55, %dma_start3A_58] : memref<40960x128xf32, #tpu.memory_space<hbm>> -> memref<320x128xf32, #tpu.memory_space<hbm>>
    tpu.enqueue_dma source(%arg8 : memref<320x128xf32, #tpu.memory_space<vmem>>) target(%dma_start3A_59 : memref<320x128xf32, #tpu.memory_space<hbm>>) target_semaphore(%arg14 : memref<!tpu.dma_semaphore, #tpu.memory_space<semaphore_mem>>)
    %dma_wait3A_60 = arith.constant 960 : i32
    %dma_wait3A_61 = tpu.memref_slice %arg5[%dma_wait3A_60] : memref<1280xi32, #tpu.memory_space<vmem>> -> memref<320xi32, #tpu.memory_space<vmem>>
    %dma_wait3A_62 = arith.constant 0 : i32
    %dma_wait3A_63 = arith.constant 0 : i32
    %dma_wait3A_64 = tpu.memref_slice %arg3[%dma_wait3A_62, %dma_wait3A_63] : memref<100000x128xf32, #tpu.memory_space<hbm>> -> memref<100000x128xf32, #tpu.memory_space<hbm>>
    tpu.wait_indirect_dma semaphore(%arg9 : memref<!tpu.dma_semaphore, #tpu.memory_space<semaphore_mem>>) src(%dma_wait3A_64 : memref<100000x128xf32, #tpu.memory_space<hbm>>) dst(%arg6 : memref<320x128xf32, #tpu.memory_space<vmem>>)
    %add3A_65 = arith.constant 960 : i32
    %add3A_66 = arith.addi %mul3A_2, %add3A_65 : i32
    %dma_start3A_67 = arith.constant 0 : i32
    %dma_start3A_68 = tpu.memref_slice %arg4[%add3A_66, %dma_start3A_67] : memref<40960x128xf32, #tpu.memory_space<hbm>> -> memref<320x128xf32, #tpu.memory_space<hbm>>
    %dma_start3A_69 = arith.constant 0 : i32
    %dma_start3A_70 = tpu.memref_slice %arg4[%add3A_66, %dma_start3A_69] : memref<40960x128xf32, #tpu.memory_space<hbm>> -> memref<320x128xf32, #tpu.memory_space<hbm>>
    tpu.enqueue_dma source(%arg6 : memref<320x128xf32, #tpu.memory_space<vmem>>) target(%dma_start3A_70 : memref<320x128xf32, #tpu.memory_space<hbm>>) target_semaphore(%arg12 : memref<!tpu.dma_semaphore, #tpu.memory_space<semaphore_mem>>)
    %add3A_71 = arith.constant 320 : i32
    %add3A_72 = arith.addi %mul3A_2, %add3A_71 : i32
    %dma_wait3A_73 = arith.constant 0 : i32
    %dma_wait3A_74 = tpu.memref_slice %arg4[%add3A_72, %dma_wait3A_73] : memref<40960x128xf32, #tpu.memory_space<hbm>> -> memref<320x128xf32, #tpu.memory_space<hbm>>
    %dma_wait3A_75 = arith.constant 0 : i32
    %dma_wait3A_76 = tpu.memref_slice %arg4[%add3A_72, %dma_wait3A_75] : memref<40960x128xf32, #tpu.memory_space<hbm>> -> memref<320x128xf32, #tpu.memory_space<hbm>>
    tpu.wait_dma2 semaphore(%arg13 : memref<!tpu.dma_semaphore, #tpu.memory_space<semaphore_mem>>) src(%arg7 : memref<320x128xf32, #tpu.memory_space<vmem>>) dst(%dma_wait3A_76 : memref<320x128xf32, #tpu.memory_space<hbm>>)
    %add3A_77 = arith.constant 640 : i32
    %add3A_78 = arith.addi %mul3A_2, %add3A_77 : i32
    %dma_wait3A_79 = arith.constant 0 : i32
    %dma_wait3A_80 = tpu.memref_slice %arg4[%add3A_78, %dma_wait3A_79] : memref<40960x128xf32, #tpu.memory_space<hbm>> -> memref<320x128xf32, #tpu.memory_space<hbm>>
    %dma_wait3A_81 = arith.constant 0 : i32
    %dma_wait3A_82 = tpu.memref_slice %arg4[%add3A_78, %dma_wait3A_81] : memref<40960x128xf32, #tpu.memory_space<hbm>> -> memref<320x128xf32, #tpu.memory_space<hbm>>
    tpu.wait_dma2 semaphore(%arg14 : memref<!tpu.dma_semaphore, #tpu.memory_space<semaphore_mem>>) src(%arg8 : memref<320x128xf32, #tpu.memory_space<vmem>>) dst(%dma_wait3A_82 : memref<320x128xf32, #tpu.memory_space<hbm>>)
    %add3A_83 = arith.constant 960 : i32
    %add3A_84 = arith.addi %mul3A_2, %add3A_83 : i32
    %dma_wait3A_85 = arith.constant 0 : i32
    %dma_wait3A_86 = tpu.memref_slice %arg4[%add3A_84, %dma_wait3A_85] : memref<40960x128xf32, #tpu.memory_space<hbm>> -> memref<320x128xf32, #tpu.memory_space<hbm>>
    %dma_wait3A_87 = arith.constant 0 : i32
    %dma_wait3A_88 = tpu.memref_slice %arg4[%add3A_84, %dma_wait3A_87] : memref<40960x128xf32, #tpu.memory_space<hbm>> -> memref<320x128xf32, #tpu.memory_space<hbm>>
    tpu.wait_dma2 semaphore(%arg12 : memref<!tpu.dma_semaphore, #tpu.memory_space<semaphore_mem>>) src(%arg6 : memref<320x128xf32, #tpu.memory_space<vmem>>) dst(%dma_wait3A_88 : memref<320x128xf32, #tpu.memory_space<hbm>>)
    return
  }
}

#map = affine_map<(d0, d1) -> (0)>
#map1 = affine_map<(d0, d1) -> (0, 0)>
module attributes {stable_mosaic.version = 14 : i64} {
  func.func @gather_kernel(%arg0: i32, %arg1: i32, %arg2: memref<40960xi32, #tpu.memory_space<hbm>>, %arg3: memref<100000x128xf32, #tpu.memory_space<hbm>>, %arg4: memref<40960x128xf32, #tpu.memory_space<hbm>>, %arg5: memref<1280xi32, #tpu.memory_space<vmem>>, %arg6: memref<320x128xf32, #tpu.memory_space<vmem>>, %arg7: memref<320x128xf32, #tpu.memory_space<vmem>>, %arg8: memref<320x128xf32, #tpu.memory_space<vmem>>, %arg9: memref<!tpu.dma_semaphore, #tpu.memory_space<semaphore_mem>>, %arg10: memref<!tpu.dma_semaphore, #tpu.memory_space<semaphore_mem>>, %arg11: memref<!tpu.dma_semaphore, #tpu.memory_space<semaphore_mem>>, %arg12: memref<!tpu.dma_semaphore, #tpu.memory_space<semaphore_mem>>, %arg13: memref<!tpu.dma_semaphore, #tpu.memory_space<semaphore_mem>>, %arg14: memref<!tpu.dma_semaphore, #tpu.memory_space<semaphore_mem>>) attributes {dimension_semantics = [#tpu.dimension_semantics<core_parallel>, #tpu.dimension_semantics<subcore_parallel>], iteration_bounds = array<i64: 2, 16>, scalar_prefetch = 0 : i64, scratch_operands = 10 : i64, tpu.core_type = #tpu.core_type<sc_vector_subcore>, window_params = [{transform_indices = #map}, {transform_indices = #map1}, {transform_indices = #map1}]} {
    %mul3A = arith.constant 2 : i32
    %mul3A_0 = arith.muli %arg1, %mul3A : i32
    %add3A = arith.addi %mul3A_0, %arg0 : i32
    %mul3A_1 = arith.constant 1280 : i32
    %mul3A_2 = arith.muli %add3A, %mul3A_1 : i32
    "tpu.region"() ({
      %run_scoped3A = tpu.sem_alloc : memref<!tpu.dma_semaphore, #tpu.memory_space<semaphore_mem>>
      %dma_start3A_89 = tpu.memref_slice %arg2[%mul3A_2] : memref<40960xi32, #tpu.memory_space<hbm>> -> memref<1280xi32, #tpu.memory_space<hbm>>
      %dma_start3A_90 = tpu.memref_slice %arg2[%mul3A_2] : memref<40960xi32, #tpu.memory_space<hbm>> -> memref<1280xi32, #tpu.memory_space<hbm>>
      tpu.enqueue_dma source(%dma_start3A_90 : memref<1280xi32, #tpu.memory_space<hbm>>) target(%arg5 : memref<1280xi32, #tpu.memory_space<vmem>>) target_semaphore(%run_scoped3A : memref<!tpu.dma_semaphore, #tpu.memory_space<semaphore_mem>>)
      %dma_wait3A_91 = tpu.memref_slice %arg2[%mul3A_2] : memref<40960xi32, #tpu.memory_space<hbm>> -> memref<1280xi32, #tpu.memory_space<hbm>>
      %dma_wait3A_92 = tpu.memref_slice %arg2[%mul3A_2] : memref<40960xi32, #tpu.memory_space<hbm>> -> memref<1280xi32, #tpu.memory_space<hbm>>
      tpu.wait_dma2 semaphore(%run_scoped3A : memref<!tpu.dma_semaphore, #tpu.memory_space<semaphore_mem>>) src(%dma_wait3A_92 : memref<1280xi32, #tpu.memory_space<hbm>>) dst(%arg5 : memref<1280xi32, #tpu.memory_space<vmem>>)
      tpu.yield
    }) : () -> ()
    %dma_start3A = arith.constant 0 : i32
    %dma_start3A_3 = tpu.memref_slice %arg5[%dma_start3A] : memref<1280xi32, #tpu.memory_space<vmem>> -> memref<320xi32, #tpu.memory_space<vmem>>
    %dma_start3A_4 = arith.constant 0 : i32
    %dma_start3A_5 = arith.constant 0 : i32
    %dma_start3A_6 = tpu.memref_slice %arg3[%dma_start3A_4, %dma_start3A_5] : memref<100000x128xf32, #tpu.memory_space<hbm>> -> memref<100000x128xf32, #tpu.memory_space<hbm>>
    tpu.enqueue_indirect_dma source(%dma_start3A_6 : memref<100000x128xf32, #tpu.memory_space<hbm>>) target(%arg6 : memref<320x128xf32, #tpu.memory_space<vmem>>) offsets(%dma_start3A_3 : memref<320xi32, #tpu.memory_space<vmem>>) semaphore(%arg9 : memref<!tpu.dma_semaphore, #tpu.memory_space<semaphore_mem>>)
    %dma_start3A_7 = arith.constant 320 : i32
    %dma_start3A_8 = tpu.memref_slice %arg5[%dma_start3A_7] : memref<1280xi32, #tpu.memory_space<vmem>> -> memref<320xi32, #tpu.memory_space<vmem>>
    %dma_start3A_9 = arith.constant 0 : i32
    %dma_start3A_10 = arith.constant 0 : i32
    %dma_start3A_11 = tpu.memref_slice %arg3[%dma_start3A_9, %dma_start3A_10] : memref<100000x128xf32, #tpu.memory_space<hbm>> -> memref<100000x128xf32, #tpu.memory_space<hbm>>
    tpu.enqueue_indirect_dma source(%dma_start3A_11 : memref<100000x128xf32, #tpu.memory_space<hbm>>) target(%arg7 : memref<320x128xf32, #tpu.memory_space<vmem>>) offsets(%dma_start3A_8 : memref<320xi32, #tpu.memory_space<vmem>>) semaphore(%arg10 : memref<!tpu.dma_semaphore, #tpu.memory_space<semaphore_mem>>)
    %dma_start3A_12 = arith.constant 640 : i32
    %dma_start3A_13 = tpu.memref_slice %arg5[%dma_start3A_12] : memref<1280xi32, #tpu.memory_space<vmem>> -> memref<320xi32, #tpu.memory_space<vmem>>
    %dma_start3A_14 = arith.constant 0 : i32
    %dma_start3A_15 = arith.constant 0 : i32
    %dma_start3A_16 = tpu.memref_slice %arg3[%dma_start3A_14, %dma_start3A_15] : memref<100000x128xf32, #tpu.memory_space<hbm>> -> memref<100000x128xf32, #tpu.memory_space<hbm>>
    tpu.enqueue_indirect_dma source(%dma_start3A_16 : memref<100000x128xf32, #tpu.memory_space<hbm>>) target(%arg8 : memref<320x128xf32, #tpu.memory_space<vmem>>) offsets(%dma_start3A_13 : memref<320xi32, #tpu.memory_space<vmem>>) semaphore(%arg11 : memref<!tpu.dma_semaphore, #tpu.memory_space<semaphore_mem>>)
    %dma_wait3A = arith.constant 0 : i32
    %dma_wait3A_17 = tpu.memref_slice %arg5[%dma_wait3A] : memref<1280xi32, #tpu.memory_space<vmem>> -> memref<320xi32, #tpu.memory_space<vmem>>
    %dma_wait3A_18 = arith.constant 0 : i32
    %dma_wait3A_19 = arith.constant 0 : i32
    %dma_wait3A_20 = tpu.memref_slice %arg3[%dma_wait3A_18, %dma_wait3A_19] : memref<100000x128xf32, #tpu.memory_space<hbm>> -> memref<100000x128xf32, #tpu.memory_space<hbm>>
    tpu.wait_indirect_dma semaphore(%arg9 : memref<!tpu.dma_semaphore, #tpu.memory_space<semaphore_mem>>) src(%dma_wait3A_20 : memref<100000x128xf32, #tpu.memory_space<hbm>>) dst(%arg6 : memref<320x128xf32, #tpu.memory_space<vmem>>)
    %add3A_21 = arith.constant 0 : i32
    %add3A_22 = arith.addi %mul3A_2, %add3A_21 : i32
    %dma_start3A_23 = arith.constant 0 : i32
    %dma_start3A_24 = tpu.memref_slice %arg4[%add3A_22, %dma_start3A_23] : memref<40960x128xf32, #tpu.memory_space<hbm>> -> memref<320x128xf32, #tpu.memory_space<hbm>>
    %dma_start3A_25 = arith.constant 0 : i32
    %dma_start3A_26 = tpu.memref_slice %arg4[%add3A_22, %dma_start3A_25] : memref<40960x128xf32, #tpu.memory_space<hbm>> -> memref<320x128xf32, #tpu.memory_space<hbm>>
    tpu.enqueue_dma source(%arg6 : memref<320x128xf32, #tpu.memory_space<vmem>>) target(%dma_start3A_26 : memref<320x128xf32, #tpu.memory_space<hbm>>) target_semaphore(%arg12 : memref<!tpu.dma_semaphore, #tpu.memory_space<semaphore_mem>>)
    %dma_wait3A_27 = arith.constant 320 : i32
    %dma_wait3A_28 = tpu.memref_slice %arg5[%dma_wait3A_27] : memref<1280xi32, #tpu.memory_space<vmem>> -> memref<320xi32, #tpu.memory_space<vmem>>
    %dma_wait3A_29 = arith.constant 0 : i32
    %dma_wait3A_30 = arith.constant 0 : i32
    %dma_wait3A_31 = tpu.memref_slice %arg3[%dma_wait3A_29, %dma_wait3A_30] : memref<100000x128xf32, #tpu.memory_space<hbm>> -> memref<100000x128xf32, #tpu.memory_space<hbm>>
    tpu.wait_indirect_dma semaphore(%arg10 : memref<!tpu.dma_semaphore, #tpu.memory_space<semaphore_mem>>) src(%dma_wait3A_31 : memref<100000x128xf32, #tpu.memory_space<hbm>>) dst(%arg7 : memref<320x128xf32, #tpu.memory_space<vmem>>)
    %add3A_32 = arith.constant 320 : i32
    %add3A_33 = arith.addi %mul3A_2, %add3A_32 : i32
    %dma_start3A_34 = arith.constant 0 : i32
    %dma_start3A_35 = tpu.memref_slice %arg4[%add3A_33, %dma_start3A_34] : memref<40960x128xf32, #tpu.memory_space<hbm>> -> memref<320x128xf32, #tpu.memory_space<hbm>>
    %dma_start3A_36 = arith.constant 0 : i32
    %dma_start3A_37 = tpu.memref_slice %arg4[%add3A_33, %dma_start3A_36] : memref<40960x128xf32, #tpu.memory_space<hbm>> -> memref<320x128xf32, #tpu.memory_space<hbm>>
    tpu.enqueue_dma source(%arg7 : memref<320x128xf32, #tpu.memory_space<vmem>>) target(%dma_start3A_37 : memref<320x128xf32, #tpu.memory_space<hbm>>) target_semaphore(%arg13 : memref<!tpu.dma_semaphore, #tpu.memory_space<semaphore_mem>>)
    %add3A_38 = arith.constant 0 : i32
    %add3A_39 = arith.addi %mul3A_2, %add3A_38 : i32
    %dma_wait3A_40 = arith.constant 0 : i32
    %dma_wait3A_41 = tpu.memref_slice %arg4[%add3A_39, %dma_wait3A_40] : memref<40960x128xf32, #tpu.memory_space<hbm>> -> memref<320x128xf32, #tpu.memory_space<hbm>>
    %dma_wait3A_42 = arith.constant 0 : i32
    %dma_wait3A_43 = tpu.memref_slice %arg4[%add3A_39, %dma_wait3A_42] : memref<40960x128xf32, #tpu.memory_space<hbm>> -> memref<320x128xf32, #tpu.memory_space<hbm>>
    tpu.wait_dma2 semaphore(%arg12 : memref<!tpu.dma_semaphore, #tpu.memory_space<semaphore_mem>>) src(%arg6 : memref<320x128xf32, #tpu.memory_space<vmem>>) dst(%dma_wait3A_43 : memref<320x128xf32, #tpu.memory_space<hbm>>)
    %dma_start3A_44 = arith.constant 960 : i32
    %dma_start3A_45 = tpu.memref_slice %arg5[%dma_start3A_44] : memref<1280xi32, #tpu.memory_space<vmem>> -> memref<320xi32, #tpu.memory_space<vmem>>
    %dma_start3A_46 = arith.constant 0 : i32
    %dma_start3A_47 = arith.constant 0 : i32
    %dma_start3A_48 = tpu.memref_slice %arg3[%dma_start3A_46, %dma_start3A_47] : memref<100000x128xf32, #tpu.memory_space<hbm>> -> memref<100000x128xf32, #tpu.memory_space<hbm>>
    tpu.enqueue_indirect_dma source(%dma_start3A_48 : memref<100000x128xf32, #tpu.memory_space<hbm>>) target(%arg6 : memref<320x128xf32, #tpu.memory_space<vmem>>) offsets(%dma_start3A_45 : memref<320xi32, #tpu.memory_space<vmem>>) semaphore(%arg9 : memref<!tpu.dma_semaphore, #tpu.memory_space<semaphore_mem>>)
    %dma_wait3A_49 = arith.constant 640 : i32
    %dma_wait3A_50 = tpu.memref_slice %arg5[%dma_wait3A_49] : memref<1280xi32, #tpu.memory_space<vmem>> -> memref<320xi32, #tpu.memory_space<vmem>>
    %dma_wait3A_51 = arith.constant 0 : i32
    %dma_wait3A_52 = arith.constant 0 : i32
    %dma_wait3A_53 = tpu.memref_slice %arg3[%dma_wait3A_51, %dma_wait3A_52] : memref<100000x128xf32, #tpu.memory_space<hbm>> -> memref<100000x128xf32, #tpu.memory_space<hbm>>
    tpu.wait_indirect_dma semaphore(%arg11 : memref<!tpu.dma_semaphore, #tpu.memory_space<semaphore_mem>>) src(%dma_wait3A_53 : memref<100000x128xf32, #tpu.memory_space<hbm>>) dst(%arg8 : memref<320x128xf32, #tpu.memory_space<vmem>>)
    %add3A_54 = arith.constant 640 : i32
    %add3A_55 = arith.addi %mul3A_2, %add3A_54 : i32
    %dma_start3A_56 = arith.constant 0 : i32
    %dma_start3A_57 = tpu.memref_slice %arg4[%add3A_55, %dma_start3A_56] : memref<40960x128xf32, #tpu.memory_space<hbm>> -> memref<320x128xf32, #tpu.memory_space<hbm>>
    %dma_start3A_58 = arith.constant 0 : i32
    %dma_start3A_59 = tpu.memref_slice %arg4[%add3A_55, %dma_start3A_58] : memref<40960x128xf32, #tpu.memory_space<hbm>> -> memref<320x128xf32, #tpu.memory_space<hbm>>
    tpu.enqueue_dma source(%arg8 : memref<320x128xf32, #tpu.memory_space<vmem>>) target(%dma_start3A_59 : memref<320x128xf32, #tpu.memory_space<hbm>>) target_semaphore(%arg14 : memref<!tpu.dma_semaphore, #tpu.memory_space<semaphore_mem>>)
    %dma_wait3A_60 = arith.constant 960 : i32
    %dma_wait3A_61 = tpu.memref_slice %arg5[%dma_wait3A_60] : memref<1280xi32, #tpu.memory_space<vmem>> -> memref<320xi32, #tpu.memory_space<vmem>>
    %dma_wait3A_62 = arith.constant 0 : i32
    %dma_wait3A_63 = arith.constant 0 : i32
    %dma_wait3A_64 = tpu.memref_slice %arg3[%dma_wait3A_62, %dma_wait3A_63] : memref<100000x128xf32, #tpu.memory_space<hbm>> -> memref<100000x128xf32, #tpu.memory_space<hbm>>
    tpu.wait_indirect_dma semaphore(%arg9 : memref<!tpu.dma_semaphore, #tpu.memory_space<semaphore_mem>>) src(%dma_wait3A_64 : memref<100000x128xf32, #tpu.memory_space<hbm>>) dst(%arg6 : memref<320x128xf32, #tpu.memory_space<vmem>>)
    %add3A_65 = arith.constant 960 : i32
    %add3A_66 = arith.addi %mul3A_2, %add3A_65 : i32
    %dma_start3A_67 = arith.constant 0 : i32
    %dma_start3A_68 = tpu.memref_slice %arg4[%add3A_66, %dma_start3A_67] : memref<40960x128xf32, #tpu.memory_space<hbm>> -> memref<320x128xf32, #tpu.memory_space<hbm>>
    %dma_start3A_69 = arith.constant 0 : i32
    %dma_start3A_70 = tpu.memref_slice %arg4[%add3A_66, %dma_start3A_69] : memref<40960x128xf32, #tpu.memory_space<hbm>> -> memref<320x128xf32, #tpu.memory_space<hbm>>
    tpu.enqueue_dma source(%arg6 : memref<320x128xf32, #tpu.memory_space<vmem>>) target(%dma_start3A_70 : memref<320x128xf32, #tpu.memory_space<hbm>>) target_semaphore(%arg12 : memref<!tpu.dma_semaphore, #tpu.memory_space<semaphore_mem>>)
    %add3A_71 = arith.constant 320 : i32
    %add3A_72 = arith.addi %mul3A_2, %add3A_71 : i32
    %dma_wait3A_73 = arith.constant 0 : i32
    %dma_wait3A_74 = tpu.memref_slice %arg4[%add3A_72, %dma_wait3A_73] : memref<40960x128xf32, #tpu.memory_space<hbm>> -> memref<320x128xf32, #tpu.memory_space<hbm>>
    %dma_wait3A_75 = arith.constant 0 : i32
    %dma_wait3A_76 = tpu.memref_slice %arg4[%add3A_72, %dma_wait3A_75] : memref<40960x128xf32, #tpu.memory_space<hbm>> -> memref<320x128xf32, #tpu.memory_space<hbm>>
    tpu.wait_dma2 semaphore(%arg13 : memref<!tpu.dma_semaphore, #tpu.memory_space<semaphore_mem>>) src(%arg7 : memref<320x128xf32, #tpu.memory_space<vmem>>) dst(%dma_wait3A_76 : memref<320x128xf32, #tpu.memory_space<hbm>>)
    %add3A_77 = arith.constant 640 : i32
    %add3A_78 = arith.addi %mul3A_2, %add3A_77 : i32
    %dma_wait3A_79 = arith.constant 0 : i32
    %dma_wait3A_80 = tpu.memref_slice %arg4[%add3A_78, %dma_wait3A_79] : memref<40960x128xf32, #tpu.memory_space<hbm>> -> memref<320x128xf32, #tpu.memory_space<hbm>>
    %dma_wait3A_81 = arith.constant 0 : i32
    %dma_wait3A_82 = tpu.memref_slice %arg4[%add3A_78, %dma_wait3A_81] : memref<40960x128xf32, #tpu.memory_space<hbm>> -> memref<320x128xf32, #tpu.memory_space<hbm>>
    tpu.wait_dma2 semaphore(%arg14 : memref<!tpu.dma_semaphore, #tpu.memory_space<semaphore_mem>>) src(%arg8 : memref<320x128xf32, #tpu.memory_space<vmem>>) dst(%dma_wait3A_82 : memref<320x128xf32, #tpu.memory_space<hbm>>)
    %add3A_83 = arith.constant 960 : i32
    %add3A_84 = arith.addi %mul3A_2, %add3A_83 : i32
    %dma_wait3A_85 = arith.constant 0 : i32
    %dma_wait3A_86 = tpu.memref_slice %arg4[%add3A_84, %dma_wait3A_85] : memref<40960x128xf32, #tpu.memory_space<hbm>> -> memref<320x128xf32, #tpu.memory_space<hbm>>
    %dma_wait3A_87 = arith.constant 0 : i32
    %dma_wait3A_88 = tpu.memref_slice %arg4[%add3A_84, %dma_wait3A_87] : memref<40960x128xf32, #tpu.memory_space<hbm>> -> memref<320x128xf32, #tpu.memory_space<hbm>>
    tpu.wait_dma2 semaphore(%arg12 : memref<!tpu.dma_semaphore, #tpu.memory_space<semaphore_mem>>) src(%arg6 : memref<320x128xf32, #tpu.memory_space<vmem>>) dst(%dma_wait3A_88 : memref<320x128xf32, #tpu.memory_space<hbm>>)
    return
  }
}

#map = affine_map<(d0, d1) -> (0)>
#map1 = affine_map<(d0, d1) -> (0, 0)>
module attributes {stable_mosaic.version = 14 : i64} {
  func.func @gather_kernel(%arg0: i32, %arg1: i32, %arg2: memref<40960xi32, #tpu.memory_space<hbm>>, %arg3: memref<100000x128xf32, #tpu.memory_space<hbm>>, %arg4: memref<40960x128xf32, #tpu.memory_space<hbm>>, %arg5: memref<1280xi32, #tpu.memory_space<vmem>>, %arg6: memref<320x128xf32, #tpu.memory_space<vmem>>, %arg7: memref<320x128xf32, #tpu.memory_space<vmem>>, %arg8: memref<320x128xf32, #tpu.memory_space<vmem>>, %arg9: memref<!tpu.dma_semaphore, #tpu.memory_space<semaphore_mem>>, %arg10: memref<!tpu.dma_semaphore, #tpu.memory_space<semaphore_mem>>, %arg11: memref<!tpu.dma_semaphore, #tpu.memory_space<semaphore_mem>>, %arg12: memref<!tpu.dma_semaphore, #tpu.memory_space<semaphore_mem>>, %arg13: memref<!tpu.dma_semaphore, #tpu.memory_space<semaphore_mem>>, %arg14: memref<!tpu.dma_semaphore, #tpu.memory_space<semaphore_mem>>) attributes {dimension_semantics = [#tpu.dimension_semantics<core_parallel>, #tpu.dimension_semantics<subcore_parallel>], iteration_bounds = array<i64: 2, 16>, scalar_prefetch = 0 : i64, scratch_operands = 10 : i64, tpu.core_type = #tpu.core_type<sc_vector_subcore>, window_params = [{transform_indices = #map}, {transform_indices = #map1}, {transform_indices = #map1}]} {
    %mul3A = arith.constant 2 : i32
    %mul3A_0 = arith.muli %arg1, %mul3A : i32
    %add3A = arith.addi %mul3A_0, %arg0 : i32
    %mul3A_1 = arith.constant 1280 : i32
    %mul3A_2 = arith.muli %add3A, %mul3A_1 : i32
    "tpu.region"() ({
      %run_scoped3A = tpu.sem_alloc : memref<!tpu.dma_semaphore, #tpu.memory_space<semaphore_mem>>
      %dma_start3A_89 = tpu.memref_slice %arg2[%mul3A_2] : memref<40960xi32, #tpu.memory_space<hbm>> -> memref<1280xi32, #tpu.memory_space<hbm>>
      %dma_start3A_90 = tpu.memref_slice %arg2[%mul3A_2] : memref<40960xi32, #tpu.memory_space<hbm>> -> memref<1280xi32, #tpu.memory_space<hbm>>
      tpu.enqueue_dma source(%dma_start3A_90 : memref<1280xi32, #tpu.memory_space<hbm>>) target(%arg5 : memref<1280xi32, #tpu.memory_space<vmem>>) target_semaphore(%run_scoped3A : memref<!tpu.dma_semaphore, #tpu.memory_space<semaphore_mem>>)
      %dma_wait3A_91 = tpu.memref_slice %arg2[%mul3A_2] : memref<40960xi32, #tpu.memory_space<hbm>> -> memref<1280xi32, #tpu.memory_space<hbm>>
      %dma_wait3A_92 = tpu.memref_slice %arg2[%mul3A_2] : memref<40960xi32, #tpu.memory_space<hbm>> -> memref<1280xi32, #tpu.memory_space<hbm>>
      tpu.wait_dma2 semaphore(%run_scoped3A : memref<!tpu.dma_semaphore, #tpu.memory_space<semaphore_mem>>) src(%dma_wait3A_92 : memref<1280xi32, #tpu.memory_space<hbm>>) dst(%arg5 : memref<1280xi32, #tpu.memory_space<vmem>>)
      tpu.yield
    }) : () -> ()
    %dma_start3A = arith.constant 0 : i32
    %dma_start3A_3 = tpu.memref_slice %arg5[%dma_start3A] : memref<1280xi32, #tpu.memory_space<vmem>> -> memref<320xi32, #tpu.memory_space<vmem>>
    %dma_start3A_4 = arith.constant 0 : i32
    %dma_start3A_5 = arith.constant 0 : i32
    %dma_start3A_6 = tpu.memref_slice %arg3[%dma_start3A_4, %dma_start3A_5] : memref<100000x128xf32, #tpu.memory_space<hbm>> -> memref<100000x128xf32, #tpu.memory_space<hbm>>
    tpu.enqueue_indirect_dma source(%dma_start3A_6 : memref<100000x128xf32, #tpu.memory_space<hbm>>) target(%arg6 : memref<320x128xf32, #tpu.memory_space<vmem>>) offsets(%dma_start3A_3 : memref<320xi32, #tpu.memory_space<vmem>>) semaphore(%arg9 : memref<!tpu.dma_semaphore, #tpu.memory_space<semaphore_mem>>)
    %dma_start3A_7 = arith.constant 320 : i32
    %dma_start3A_8 = tpu.memref_slice %arg5[%dma_start3A_7] : memref<1280xi32, #tpu.memory_space<vmem>> -> memref<320xi32, #tpu.memory_space<vmem>>
    %dma_start3A_9 = arith.constant 0 : i32
    %dma_start3A_10 = arith.constant 0 : i32
    %dma_start3A_11 = tpu.memref_slice %arg3[%dma_start3A_9, %dma_start3A_10] : memref<100000x128xf32, #tpu.memory_space<hbm>> -> memref<100000x128xf32, #tpu.memory_space<hbm>>
    tpu.enqueue_indirect_dma source(%dma_start3A_11 : memref<100000x128xf32, #tpu.memory_space<hbm>>) target(%arg7 : memref<320x128xf32, #tpu.memory_space<vmem>>) offsets(%dma_start3A_8 : memref<320xi32, #tpu.memory_space<vmem>>) semaphore(%arg10 : memref<!tpu.dma_semaphore, #tpu.memory_space<semaphore_mem>>)
    %dma_start3A_12 = arith.constant 640 : i32
    %dma_start3A_13 = tpu.memref_slice %arg5[%dma_start3A_12] : memref<1280xi32, #tpu.memory_space<vmem>> -> memref<320xi32, #tpu.memory_space<vmem>>
    %dma_start3A_14 = arith.constant 0 : i32
    %dma_start3A_15 = arith.constant 0 : i32
    %dma_start3A_16 = tpu.memref_slice %arg3[%dma_start3A_14, %dma_start3A_15] : memref<100000x128xf32, #tpu.memory_space<hbm>> -> memref<100000x128xf32, #tpu.memory_space<hbm>>
    tpu.enqueue_indirect_dma source(%dma_start3A_16 : memref<100000x128xf32, #tpu.memory_space<hbm>>) target(%arg8 : memref<320x128xf32, #tpu.memory_space<vmem>>) offsets(%dma_start3A_13 : memref<320xi32, #tpu.memory_space<vmem>>) semaphore(%arg11 : memref<!tpu.dma_semaphore, #tpu.memory_space<semaphore_mem>>)
    %dma_wait3A = arith.constant 0 : i32
    %dma_wait3A_17 = tpu.memref_slice %arg5[%dma_wait3A] : memref<1280xi32, #tpu.memory_space<vmem>> -> memref<320xi32, #tpu.memory_space<vmem>>
    %dma_wait3A_18 = arith.constant 0 : i32
    %dma_wait3A_19 = arith.constant 0 : i32
    %dma_wait3A_20 = tpu.memref_slice %arg3[%dma_wait3A_18, %dma_wait3A_19] : memref<100000x128xf32, #tpu.memory_space<hbm>> -> memref<100000x128xf32, #tpu.memory_space<hbm>>
    tpu.wait_indirect_dma semaphore(%arg9 : memref<!tpu.dma_semaphore, #tpu.memory_space<semaphore_mem>>) src(%dma_wait3A_20 : memref<100000x128xf32, #tpu.memory_space<hbm>>) dst(%arg6 : memref<320x128xf32, #tpu.memory_space<vmem>>)
    %add3A_21 = arith.constant 0 : i32
    %add3A_22 = arith.addi %mul3A_2, %add3A_21 : i32
    %dma_start3A_23 = arith.constant 0 : i32
    %dma_start3A_24 = tpu.memref_slice %arg4[%add3A_22, %dma_start3A_23] : memref<40960x128xf32, #tpu.memory_space<hbm>> -> memref<320x128xf32, #tpu.memory_space<hbm>>
    %dma_start3A_25 = arith.constant 0 : i32
    %dma_start3A_26 = tpu.memref_slice %arg4[%add3A_22, %dma_start3A_25] : memref<40960x128xf32, #tpu.memory_space<hbm>> -> memref<320x128xf32, #tpu.memory_space<hbm>>
    tpu.enqueue_dma source(%arg6 : memref<320x128xf32, #tpu.memory_space<vmem>>) target(%dma_start3A_26 : memref<320x128xf32, #tpu.memory_space<hbm>>) target_semaphore(%arg12 : memref<!tpu.dma_semaphore, #tpu.memory_space<semaphore_mem>>)
    %dma_wait3A_27 = arith.constant 320 : i32
    %dma_wait3A_28 = tpu.memref_slice %arg5[%dma_wait3A_27] : memref<1280xi32, #tpu.memory_space<vmem>> -> memref<320xi32, #tpu.memory_space<vmem>>
    %dma_wait3A_29 = arith.constant 0 : i32
    %dma_wait3A_30 = arith.constant 0 : i32
    %dma_wait3A_31 = tpu.memref_slice %arg3[%dma_wait3A_29, %dma_wait3A_30] : memref<100000x128xf32, #tpu.memory_space<hbm>> -> memref<100000x128xf32, #tpu.memory_space<hbm>>
    tpu.wait_indirect_dma semaphore(%arg10 : memref<!tpu.dma_semaphore, #tpu.memory_space<semaphore_mem>>) src(%dma_wait3A_31 : memref<100000x128xf32, #tpu.memory_space<hbm>>) dst(%arg7 : memref<320x128xf32, #tpu.memory_space<vmem>>)
    %add3A_32 = arith.constant 320 : i32
    %add3A_33 = arith.addi %mul3A_2, %add3A_32 : i32
    %dma_start3A_34 = arith.constant 0 : i32
    %dma_start3A_35 = tpu.memref_slice %arg4[%add3A_33, %dma_start3A_34] : memref<40960x128xf32, #tpu.memory_space<hbm>> -> memref<320x128xf32, #tpu.memory_space<hbm>>
    %dma_start3A_36 = arith.constant 0 : i32
    %dma_start3A_37 = tpu.memref_slice %arg4[%add3A_33, %dma_start3A_36] : memref<40960x128xf32, #tpu.memory_space<hbm>> -> memref<320x128xf32, #tpu.memory_space<hbm>>
    tpu.enqueue_dma source(%arg7 : memref<320x128xf32, #tpu.memory_space<vmem>>) target(%dma_start3A_37 : memref<320x128xf32, #tpu.memory_space<hbm>>) target_semaphore(%arg13 : memref<!tpu.dma_semaphore, #tpu.memory_space<semaphore_mem>>)
    %add3A_38 = arith.constant 0 : i32
    %add3A_39 = arith.addi %mul3A_2, %add3A_38 : i32
    %dma_wait3A_40 = arith.constant 0 : i32
    %dma_wait3A_41 = tpu.memref_slice %arg4[%add3A_39, %dma_wait3A_40] : memref<40960x128xf32, #tpu.memory_space<hbm>> -> memref<320x128xf32, #tpu.memory_space<hbm>>
    %dma_wait3A_42 = arith.constant 0 : i32
    %dma_wait3A_43 = tpu.memref_slice %arg4[%add3A_39, %dma_wait3A_42] : memref<40960x128xf32, #tpu.memory_space<hbm>> -> memref<320x128xf32, #tpu.memory_space<hbm>>
    tpu.wait_dma2 semaphore(%arg12 : memref<!tpu.dma_semaphore, #tpu.memory_space<semaphore_mem>>) src(%arg6 : memref<320x128xf32, #tpu.memory_space<vmem>>) dst(%dma_wait3A_43 : memref<320x128xf32, #tpu.memory_space<hbm>>)
    %dma_start3A_44 = arith.constant 960 : i32
    %dma_start3A_45 = tpu.memref_slice %arg5[%dma_start3A_44] : memref<1280xi32, #tpu.memory_space<vmem>> -> memref<320xi32, #tpu.memory_space<vmem>>
    %dma_start3A_46 = arith.constant 0 : i32
    %dma_start3A_47 = arith.constant 0 : i32
    %dma_start3A_48 = tpu.memref_slice %arg3[%dma_start3A_46, %dma_start3A_47] : memref<100000x128xf32, #tpu.memory_space<hbm>> -> memref<100000x128xf32, #tpu.memory_space<hbm>>
    tpu.enqueue_indirect_dma source(%dma_start3A_48 : memref<100000x128xf32, #tpu.memory_space<hbm>>) target(%arg6 : memref<320x128xf32, #tpu.memory_space<vmem>>) offsets(%dma_start3A_45 : memref<320xi32, #tpu.memory_space<vmem>>) semaphore(%arg9 : memref<!tpu.dma_semaphore, #tpu.memory_space<semaphore_mem>>)
    %dma_wait3A_49 = arith.constant 640 : i32
    %dma_wait3A_50 = tpu.memref_slice %arg5[%dma_wait3A_49] : memref<1280xi32, #tpu.memory_space<vmem>> -> memref<320xi32, #tpu.memory_space<vmem>>
    %dma_wait3A_51 = arith.constant 0 : i32
    %dma_wait3A_52 = arith.constant 0 : i32
    %dma_wait3A_53 = tpu.memref_slice %arg3[%dma_wait3A_51, %dma_wait3A_52] : memref<100000x128xf32, #tpu.memory_space<hbm>> -> memref<100000x128xf32, #tpu.memory_space<hbm>>
    tpu.wait_indirect_dma semaphore(%arg11 : memref<!tpu.dma_semaphore, #tpu.memory_space<semaphore_mem>>) src(%dma_wait3A_53 : memref<100000x128xf32, #tpu.memory_space<hbm>>) dst(%arg8 : memref<320x128xf32, #tpu.memory_space<vmem>>)
    %add3A_54 = arith.constant 640 : i32
    %add3A_55 = arith.addi %mul3A_2, %add3A_54 : i32
    %dma_start3A_56 = arith.constant 0 : i32
    %dma_start3A_57 = tpu.memref_slice %arg4[%add3A_55, %dma_start3A_56] : memref<40960x128xf32, #tpu.memory_space<hbm>> -> memref<320x128xf32, #tpu.memory_space<hbm>>
    %dma_start3A_58 = arith.constant 0 : i32
    %dma_start3A_59 = tpu.memref_slice %arg4[%add3A_55, %dma_start3A_58] : memref<40960x128xf32, #tpu.memory_space<hbm>> -> memref<320x128xf32, #tpu.memory_space<hbm>>
    tpu.enqueue_dma source(%arg8 : memref<320x128xf32, #tpu.memory_space<vmem>>) target(%dma_start3A_59 : memref<320x128xf32, #tpu.memory_space<hbm>>) target_semaphore(%arg14 : memref<!tpu.dma_semaphore, #tpu.memory_space<semaphore_mem>>)
    %dma_wait3A_60 = arith.constant 960 : i32
    %dma_wait3A_61 = tpu.memref_slice %arg5[%dma_wait3A_60] : memref<1280xi32, #tpu.memory_space<vmem>> -> memref<320xi32, #tpu.memory_space<vmem>>
    %dma_wait3A_62 = arith.constant 0 : i32
    %dma_wait3A_63 = arith.constant 0 : i32
    %dma_wait3A_64 = tpu.memref_slice %arg3[%dma_wait3A_62, %dma_wait3A_63] : memref<100000x128xf32, #tpu.memory_space<hbm>> -> memref<100000x128xf32, #tpu.memory_space<hbm>>
    tpu.wait_indirect_dma semaphore(%arg9 : memref<!tpu.dma_semaphore, #tpu.memory_space<semaphore_mem>>) src(%dma_wait3A_64 : memref<100000x128xf32, #tpu.memory_space<hbm>>) dst(%arg6 : memref<320x128xf32, #tpu.memory_space<vmem>>)
    %add3A_65 = arith.constant 960 : i32
    %add3A_66 = arith.addi %mul3A_2, %add3A_65 : i32
    %dma_start3A_67 = arith.constant 0 : i32
    %dma_start3A_68 = tpu.memref_slice %arg4[%add3A_66, %dma_start3A_67] : memref<40960x128xf32, #tpu.memory_space<hbm>> -> memref<320x128xf32, #tpu.memory_space<hbm>>
    %dma_start3A_69 = arith.constant 0 : i32
    %dma_start3A_70 = tpu.memref_slice %arg4[%add3A_66, %dma_start3A_69] : memref<40960x128xf32, #tpu.memory_space<hbm>> -> memref<320x128xf32, #tpu.memory_space<hbm>>
    tpu.enqueue_dma source(%arg6 : memref<320x128xf32, #tpu.memory_space<vmem>>) target(%dma_start3A_70 : memref<320x128xf32, #tpu.memory_space<hbm>>) target_semaphore(%arg12 : memref<!tpu.dma_semaphore, #tpu.memory_space<semaphore_mem>>)
    %add3A_71 = arith.constant 320 : i32
    %add3A_72 = arith.addi %mul3A_2, %add3A_71 : i32
    %dma_wait3A_73 = arith.constant 0 : i32
    %dma_wait3A_74 = tpu.memref_slice %arg4[%add3A_72, %dma_wait3A_73] : memref<40960x128xf32, #tpu.memory_space<hbm>> -> memref<320x128xf32, #tpu.memory_space<hbm>>
    %dma_wait3A_75 = arith.constant 0 : i32
    %dma_wait3A_76 = tpu.memref_slice %arg4[%add3A_72, %dma_wait3A_75] : memref<40960x128xf32, #tpu.memory_space<hbm>> -> memref<320x128xf32, #tpu.memory_space<hbm>>
    tpu.wait_dma2 semaphore(%arg13 : memref<!tpu.dma_semaphore, #tpu.memory_space<semaphore_mem>>) src(%arg7 : memref<320x128xf32, #tpu.memory_space<vmem>>) dst(%dma_wait3A_76 : memref<320x128xf32, #tpu.memory_space<hbm>>)
    %add3A_77 = arith.constant 640 : i32
    %add3A_78 = arith.addi %mul3A_2, %add3A_77 : i32
    %dma_wait3A_79 = arith.constant 0 : i32
    %dma_wait3A_80 = tpu.memref_slice %arg4[%add3A_78, %dma_wait3A_79] : memref<40960x128xf32, #tpu.memory_space<hbm>> -> memref<320x128xf32, #tpu.memory_space<hbm>>
    %dma_wait3A_81 = arith.constant 0 : i32
    %dma_wait3A_82 = tpu.memref_slice %arg4[%add3A_78, %dma_wait3A_81] : memref<40960x128xf32, #tpu.memory_space<hbm>> -> memref<320x128xf32, #tpu.memory_space<hbm>>
    tpu.wait_dma2 semaphore(%arg14 : memref<!tpu.dma_semaphore, #tpu.memory_space<semaphore_mem>>) src(%arg8 : memref<320x128xf32, #tpu.memory_space<vmem>>) dst(%dma_wait3A_82 : memref<320x128xf32, #tpu.memory_space<hbm>>)
    %add3A_83 = arith.constant 960 : i32
    %add3A_84 = arith.addi %mul3A_2, %add3A_83 : i32
    %dma_wait3A_85 = arith.constant 0 : i32
    %dma_wait3A_86 = tpu.memref_slice %arg4[%add3A_84, %dma_wait3A_85] : memref<40960x128xf32, #tpu.memory_space<hbm>> -> memref<320x128xf32, #tpu.memory_space<hbm>>
    %dma_wait3A_87 = arith.constant 0 : i32
    %dma_wait3A_88 = tpu.memref_slice %arg4[%add3A_84, %dma_wait3A_87] : memref<40960x128xf32, #tpu.memory_space<hbm>> -> memref<320x128xf32, #tpu.memory_space<hbm>>
    tpu.wait_dma2 semaphore(%arg12 : memref<!tpu.dma_semaphore, #tpu.memory_space<semaphore_mem>>) src(%arg6 : memref<320x128xf32, #tpu.memory_space<vmem>>) dst(%dma_wait3A_88 : memref<320x128xf32, #tpu.memory_space<hbm>>)
    return
  }
}

#map = affine_map<(d0, d1) -> (0)>
#map1 = affine_map<(d0, d1) -> (0, 0)>
module attributes {stable_mosaic.version = 14 : i64} {
  func.func @gather_kernel(%arg0: i32, %arg1: i32, %arg2: memref<40960xi32, #tpu.memory_space<hbm>>, %arg3: memref<100000x128xf32, #tpu.memory_space<hbm>>, %arg4: memref<40960x128xf32, #tpu.memory_space<hbm>>, %arg5: memref<1280xi32, #tpu.memory_space<vmem>>, %arg6: memref<320x128xf32, #tpu.memory_space<vmem>>, %arg7: memref<320x128xf32, #tpu.memory_space<vmem>>, %arg8: memref<320x128xf32, #tpu.memory_space<vmem>>, %arg9: memref<!tpu.dma_semaphore, #tpu.memory_space<semaphore_mem>>, %arg10: memref<!tpu.dma_semaphore, #tpu.memory_space<semaphore_mem>>, %arg11: memref<!tpu.dma_semaphore, #tpu.memory_space<semaphore_mem>>, %arg12: memref<!tpu.dma_semaphore, #tpu.memory_space<semaphore_mem>>, %arg13: memref<!tpu.dma_semaphore, #tpu.memory_space<semaphore_mem>>, %arg14: memref<!tpu.dma_semaphore, #tpu.memory_space<semaphore_mem>>) attributes {dimension_semantics = [#tpu.dimension_semantics<core_parallel>, #tpu.dimension_semantics<subcore_parallel>], iteration_bounds = array<i64: 2, 16>, scalar_prefetch = 0 : i64, scratch_operands = 10 : i64, tpu.core_type = #tpu.core_type<sc_vector_subcore>, window_params = [{transform_indices = #map}, {transform_indices = #map1}, {transform_indices = #map1}]} {
    %mul3A = arith.constant 2 : i32
    %mul3A_0 = arith.muli %arg1, %mul3A : i32
    %add3A = arith.addi %mul3A_0, %arg0 : i32
    %mul3A_1 = arith.constant 1280 : i32
    %mul3A_2 = arith.muli %add3A, %mul3A_1 : i32
    "tpu.region"() ({
      %run_scoped3A = tpu.sem_alloc : memref<!tpu.dma_semaphore, #tpu.memory_space<semaphore_mem>>
      %dma_start3A_89 = tpu.memref_slice %arg2[%mul3A_2] : memref<40960xi32, #tpu.memory_space<hbm>> -> memref<1280xi32, #tpu.memory_space<hbm>>
      %dma_start3A_90 = tpu.memref_slice %arg2[%mul3A_2] : memref<40960xi32, #tpu.memory_space<hbm>> -> memref<1280xi32, #tpu.memory_space<hbm>>
      tpu.enqueue_dma source(%dma_start3A_90 : memref<1280xi32, #tpu.memory_space<hbm>>) target(%arg5 : memref<1280xi32, #tpu.memory_space<vmem>>) target_semaphore(%run_scoped3A : memref<!tpu.dma_semaphore, #tpu.memory_space<semaphore_mem>>)
      %dma_wait3A_91 = tpu.memref_slice %arg2[%mul3A_2] : memref<40960xi32, #tpu.memory_space<hbm>> -> memref<1280xi32, #tpu.memory_space<hbm>>
      %dma_wait3A_92 = tpu.memref_slice %arg2[%mul3A_2] : memref<40960xi32, #tpu.memory_space<hbm>> -> memref<1280xi32, #tpu.memory_space<hbm>>
      tpu.wait_dma2 semaphore(%run_scoped3A : memref<!tpu.dma_semaphore, #tpu.memory_space<semaphore_mem>>) src(%dma_wait3A_92 : memref<1280xi32, #tpu.memory_space<hbm>>) dst(%arg5 : memref<1280xi32, #tpu.memory_space<vmem>>)
      tpu.yield
    }) : () -> ()
    %dma_start3A = arith.constant 0 : i32
    %dma_start3A_3 = tpu.memref_slice %arg5[%dma_start3A] : memref<1280xi32, #tpu.memory_space<vmem>> -> memref<320xi32, #tpu.memory_space<vmem>>
    %dma_start3A_4 = arith.constant 0 : i32
    %dma_start3A_5 = arith.constant 0 : i32
    %dma_start3A_6 = tpu.memref_slice %arg3[%dma_start3A_4, %dma_start3A_5] : memref<100000x128xf32, #tpu.memory_space<hbm>> -> memref<100000x128xf32, #tpu.memory_space<hbm>>
    tpu.enqueue_indirect_dma source(%dma_start3A_6 : memref<100000x128xf32, #tpu.memory_space<hbm>>) target(%arg6 : memref<320x128xf32, #tpu.memory_space<vmem>>) offsets(%dma_start3A_3 : memref<320xi32, #tpu.memory_space<vmem>>) semaphore(%arg9 : memref<!tpu.dma_semaphore, #tpu.memory_space<semaphore_mem>>)
    %dma_start3A_7 = arith.constant 320 : i32
    %dma_start3A_8 = tpu.memref_slice %arg5[%dma_start3A_7] : memref<1280xi32, #tpu.memory_space<vmem>> -> memref<320xi32, #tpu.memory_space<vmem>>
    %dma_start3A_9 = arith.constant 0 : i32
    %dma_start3A_10 = arith.constant 0 : i32
    %dma_start3A_11 = tpu.memref_slice %arg3[%dma_start3A_9, %dma_start3A_10] : memref<100000x128xf32, #tpu.memory_space<hbm>> -> memref<100000x128xf32, #tpu.memory_space<hbm>>
    tpu.enqueue_indirect_dma source(%dma_start3A_11 : memref<100000x128xf32, #tpu.memory_space<hbm>>) target(%arg7 : memref<320x128xf32, #tpu.memory_space<vmem>>) offsets(%dma_start3A_8 : memref<320xi32, #tpu.memory_space<vmem>>) semaphore(%arg10 : memref<!tpu.dma_semaphore, #tpu.memory_space<semaphore_mem>>)
    %dma_start3A_12 = arith.constant 640 : i32
    %dma_start3A_13 = tpu.memref_slice %arg5[%dma_start3A_12] : memref<1280xi32, #tpu.memory_space<vmem>> -> memref<320xi32, #tpu.memory_space<vmem>>
    %dma_start3A_14 = arith.constant 0 : i32
    %dma_start3A_15 = arith.constant 0 : i32
    %dma_start3A_16 = tpu.memref_slice %arg3[%dma_start3A_14, %dma_start3A_15] : memref<100000x128xf32, #tpu.memory_space<hbm>> -> memref<100000x128xf32, #tpu.memory_space<hbm>>
    tpu.enqueue_indirect_dma source(%dma_start3A_16 : memref<100000x128xf32, #tpu.memory_space<hbm>>) target(%arg8 : memref<320x128xf32, #tpu.memory_space<vmem>>) offsets(%dma_start3A_13 : memref<320xi32, #tpu.memory_space<vmem>>) semaphore(%arg11 : memref<!tpu.dma_semaphore, #tpu.memory_space<semaphore_mem>>)
    %dma_wait3A = arith.constant 0 : i32
    %dma_wait3A_17 = tpu.memref_slice %arg5[%dma_wait3A] : memref<1280xi32, #tpu.memory_space<vmem>> -> memref<320xi32, #tpu.memory_space<vmem>>
    %dma_wait3A_18 = arith.constant 0 : i32
    %dma_wait3A_19 = arith.constant 0 : i32
    %dma_wait3A_20 = tpu.memref_slice %arg3[%dma_wait3A_18, %dma_wait3A_19] : memref<100000x128xf32, #tpu.memory_space<hbm>> -> memref<100000x128xf32, #tpu.memory_space<hbm>>
    tpu.wait_indirect_dma semaphore(%arg9 : memref<!tpu.dma_semaphore, #tpu.memory_space<semaphore_mem>>) src(%dma_wait3A_20 : memref<100000x128xf32, #tpu.memory_space<hbm>>) dst(%arg6 : memref<320x128xf32, #tpu.memory_space<vmem>>)
    %add3A_21 = arith.constant 0 : i32
    %add3A_22 = arith.addi %mul3A_2, %add3A_21 : i32
    %dma_start3A_23 = arith.constant 0 : i32
    %dma_start3A_24 = tpu.memref_slice %arg4[%add3A_22, %dma_start3A_23] : memref<40960x128xf32, #tpu.memory_space<hbm>> -> memref<320x128xf32, #tpu.memory_space<hbm>>
    %dma_start3A_25 = arith.constant 0 : i32
    %dma_start3A_26 = tpu.memref_slice %arg4[%add3A_22, %dma_start3A_25] : memref<40960x128xf32, #tpu.memory_space<hbm>> -> memref<320x128xf32, #tpu.memory_space<hbm>>
    tpu.enqueue_dma source(%arg6 : memref<320x128xf32, #tpu.memory_space<vmem>>) target(%dma_start3A_26 : memref<320x128xf32, #tpu.memory_space<hbm>>) target_semaphore(%arg12 : memref<!tpu.dma_semaphore, #tpu.memory_space<semaphore_mem>>)
    %dma_wait3A_27 = arith.constant 320 : i32
    %dma_wait3A_28 = tpu.memref_slice %arg5[%dma_wait3A_27] : memref<1280xi32, #tpu.memory_space<vmem>> -> memref<320xi32, #tpu.memory_space<vmem>>
    %dma_wait3A_29 = arith.constant 0 : i32
    %dma_wait3A_30 = arith.constant 0 : i32
    %dma_wait3A_31 = tpu.memref_slice %arg3[%dma_wait3A_29, %dma_wait3A_30] : memref<100000x128xf32, #tpu.memory_space<hbm>> -> memref<100000x128xf32, #tpu.memory_space<hbm>>
    tpu.wait_indirect_dma semaphore(%arg10 : memref<!tpu.dma_semaphore, #tpu.memory_space<semaphore_mem>>) src(%dma_wait3A_31 : memref<100000x128xf32, #tpu.memory_space<hbm>>) dst(%arg7 : memref<320x128xf32, #tpu.memory_space<vmem>>)
    %add3A_32 = arith.constant 320 : i32
    %add3A_33 = arith.addi %mul3A_2, %add3A_32 : i32
    %dma_start3A_34 = arith.constant 0 : i32
    %dma_start3A_35 = tpu.memref_slice %arg4[%add3A_33, %dma_start3A_34] : memref<40960x128xf32, #tpu.memory_space<hbm>> -> memref<320x128xf32, #tpu.memory_space<hbm>>
    %dma_start3A_36 = arith.constant 0 : i32
    %dma_start3A_37 = tpu.memref_slice %arg4[%add3A_33, %dma_start3A_36] : memref<40960x128xf32, #tpu.memory_space<hbm>> -> memref<320x128xf32, #tpu.memory_space<hbm>>
    tpu.enqueue_dma source(%arg7 : memref<320x128xf32, #tpu.memory_space<vmem>>) target(%dma_start3A_37 : memref<320x128xf32, #tpu.memory_space<hbm>>) target_semaphore(%arg13 : memref<!tpu.dma_semaphore, #tpu.memory_space<semaphore_mem>>)
    %add3A_38 = arith.constant 0 : i32
    %add3A_39 = arith.addi %mul3A_2, %add3A_38 : i32
    %dma_wait3A_40 = arith.constant 0 : i32
    %dma_wait3A_41 = tpu.memref_slice %arg4[%add3A_39, %dma_wait3A_40] : memref<40960x128xf32, #tpu.memory_space<hbm>> -> memref<320x128xf32, #tpu.memory_space<hbm>>
    %dma_wait3A_42 = arith.constant 0 : i32
    %dma_wait3A_43 = tpu.memref_slice %arg4[%add3A_39, %dma_wait3A_42] : memref<40960x128xf32, #tpu.memory_space<hbm>> -> memref<320x128xf32, #tpu.memory_space<hbm>>
    tpu.wait_dma2 semaphore(%arg12 : memref<!tpu.dma_semaphore, #tpu.memory_space<semaphore_mem>>) src(%arg6 : memref<320x128xf32, #tpu.memory_space<vmem>>) dst(%dma_wait3A_43 : memref<320x128xf32, #tpu.memory_space<hbm>>)
    %dma_start3A_44 = arith.constant 960 : i32
    %dma_start3A_45 = tpu.memref_slice %arg5[%dma_start3A_44] : memref<1280xi32, #tpu.memory_space<vmem>> -> memref<320xi32, #tpu.memory_space<vmem>>
    %dma_start3A_46 = arith.constant 0 : i32
    %dma_start3A_47 = arith.constant 0 : i32
    %dma_start3A_48 = tpu.memref_slice %arg3[%dma_start3A_46, %dma_start3A_47] : memref<100000x128xf32, #tpu.memory_space<hbm>> -> memref<100000x128xf32, #tpu.memory_space<hbm>>
    tpu.enqueue_indirect_dma source(%dma_start3A_48 : memref<100000x128xf32, #tpu.memory_space<hbm>>) target(%arg6 : memref<320x128xf32, #tpu.memory_space<vmem>>) offsets(%dma_start3A_45 : memref<320xi32, #tpu.memory_space<vmem>>) semaphore(%arg9 : memref<!tpu.dma_semaphore, #tpu.memory_space<semaphore_mem>>)
    %dma_wait3A_49 = arith.constant 640 : i32
    %dma_wait3A_50 = tpu.memref_slice %arg5[%dma_wait3A_49] : memref<1280xi32, #tpu.memory_space<vmem>> -> memref<320xi32, #tpu.memory_space<vmem>>
    %dma_wait3A_51 = arith.constant 0 : i32
    %dma_wait3A_52 = arith.constant 0 : i32
    %dma_wait3A_53 = tpu.memref_slice %arg3[%dma_wait3A_51, %dma_wait3A_52] : memref<100000x128xf32, #tpu.memory_space<hbm>> -> memref<100000x128xf32, #tpu.memory_space<hbm>>
    tpu.wait_indirect_dma semaphore(%arg11 : memref<!tpu.dma_semaphore, #tpu.memory_space<semaphore_mem>>) src(%dma_wait3A_53 : memref<100000x128xf32, #tpu.memory_space<hbm>>) dst(%arg8 : memref<320x128xf32, #tpu.memory_space<vmem>>)
    %add3A_54 = arith.constant 640 : i32
    %add3A_55 = arith.addi %mul3A_2, %add3A_54 : i32
    %dma_start3A_56 = arith.constant 0 : i32
    %dma_start3A_57 = tpu.memref_slice %arg4[%add3A_55, %dma_start3A_56] : memref<40960x128xf32, #tpu.memory_space<hbm>> -> memref<320x128xf32, #tpu.memory_space<hbm>>
    %dma_start3A_58 = arith.constant 0 : i32
    %dma_start3A_59 = tpu.memref_slice %arg4[%add3A_55, %dma_start3A_58] : memref<40960x128xf32, #tpu.memory_space<hbm>> -> memref<320x128xf32, #tpu.memory_space<hbm>>
    tpu.enqueue_dma source(%arg8 : memref<320x128xf32, #tpu.memory_space<vmem>>) target(%dma_start3A_59 : memref<320x128xf32, #tpu.memory_space<hbm>>) target_semaphore(%arg14 : memref<!tpu.dma_semaphore, #tpu.memory_space<semaphore_mem>>)
    %dma_wait3A_60 = arith.constant 960 : i32
    %dma_wait3A_61 = tpu.memref_slice %arg5[%dma_wait3A_60] : memref<1280xi32, #tpu.memory_space<vmem>> -> memref<320xi32, #tpu.memory_space<vmem>>
    %dma_wait3A_62 = arith.constant 0 : i32
    %dma_wait3A_63 = arith.constant 0 : i32
    %dma_wait3A_64 = tpu.memref_slice %arg3[%dma_wait3A_62, %dma_wait3A_63] : memref<100000x128xf32, #tpu.memory_space<hbm>> -> memref<100000x128xf32, #tpu.memory_space<hbm>>
    tpu.wait_indirect_dma semaphore(%arg9 : memref<!tpu.dma_semaphore, #tpu.memory_space<semaphore_mem>>) src(%dma_wait3A_64 : memref<100000x128xf32, #tpu.memory_space<hbm>>) dst(%arg6 : memref<320x128xf32, #tpu.memory_space<vmem>>)
    %add3A_65 = arith.constant 960 : i32
    %add3A_66 = arith.addi %mul3A_2, %add3A_65 : i32
    %dma_start3A_67 = arith.constant 0 : i32
    %dma_start3A_68 = tpu.memref_slice %arg4[%add3A_66, %dma_start3A_67] : memref<40960x128xf32, #tpu.memory_space<hbm>> -> memref<320x128xf32, #tpu.memory_space<hbm>>
    %dma_start3A_69 = arith.constant 0 : i32
    %dma_start3A_70 = tpu.memref_slice %arg4[%add3A_66, %dma_start3A_69] : memref<40960x128xf32, #tpu.memory_space<hbm>> -> memref<320x128xf32, #tpu.memory_space<hbm>>
    tpu.enqueue_dma source(%arg6 : memref<320x128xf32, #tpu.memory_space<vmem>>) target(%dma_start3A_70 : memref<320x128xf32, #tpu.memory_space<hbm>>) target_semaphore(%arg12 : memref<!tpu.dma_semaphore, #tpu.memory_space<semaphore_mem>>)
    %add3A_71 = arith.constant 320 : i32
    %add3A_72 = arith.addi %mul3A_2, %add3A_71 : i32
    %dma_wait3A_73 = arith.constant 0 : i32
    %dma_wait3A_74 = tpu.memref_slice %arg4[%add3A_72, %dma_wait3A_73] : memref<40960x128xf32, #tpu.memory_space<hbm>> -> memref<320x128xf32, #tpu.memory_space<hbm>>
    %dma_wait3A_75 = arith.constant 0 : i32
    %dma_wait3A_76 = tpu.memref_slice %arg4[%add3A_72, %dma_wait3A_75] : memref<40960x128xf32, #tpu.memory_space<hbm>> -> memref<320x128xf32, #tpu.memory_space<hbm>>
    tpu.wait_dma2 semaphore(%arg13 : memref<!tpu.dma_semaphore, #tpu.memory_space<semaphore_mem>>) src(%arg7 : memref<320x128xf32, #tpu.memory_space<vmem>>) dst(%dma_wait3A_76 : memref<320x128xf32, #tpu.memory_space<hbm>>)
    %add3A_77 = arith.constant 640 : i32
    %add3A_78 = arith.addi %mul3A_2, %add3A_77 : i32
    %dma_wait3A_79 = arith.constant 0 : i32
    %dma_wait3A_80 = tpu.memref_slice %arg4[%add3A_78, %dma_wait3A_79] : memref<40960x128xf32, #tpu.memory_space<hbm>> -> memref<320x128xf32, #tpu.memory_space<hbm>>
    %dma_wait3A_81 = arith.constant 0 : i32
    %dma_wait3A_82 = tpu.memref_slice %arg4[%add3A_78, %dma_wait3A_81] : memref<40960x128xf32, #tpu.memory_space<hbm>> -> memref<320x128xf32, #tpu.memory_space<hbm>>
    tpu.wait_dma2 semaphore(%arg14 : memref<!tpu.dma_semaphore, #tpu.memory_space<semaphore_mem>>) src(%arg8 : memref<320x128xf32, #tpu.memory_space<vmem>>) dst(%dma_wait3A_82 : memref<320x128xf32, #tpu.memory_space<hbm>>)
    %add3A_83 = arith.constant 960 : i32
    %add3A_84 = arith.addi %mul3A_2, %add3A_83 : i32
    %dma_wait3A_85 = arith.constant 0 : i32
    %dma_wait3A_86 = tpu.memref_slice %arg4[%add3A_84, %dma_wait3A_85] : memref<40960x128xf32, #tpu.memory_space<hbm>> -> memref<320x128xf32, #tpu.memory_space<hbm>>
    %dma_wait3A_87 = arith.constant 0 : i32
    %dma_wait3A_88 = tpu.memref_slice %arg4[%add3A_84, %dma_wait3A_87] : memref<40960x128xf32, #tpu.memory_space<hbm>> -> memref<320x128xf32, #tpu.memory_space<hbm>>
    tpu.wait_dma2 semaphore(%arg12 : memref<!tpu.dma_semaphore, #tpu.memory_space<semaphore_mem>>) src(%arg6 : memref<320x128xf32, #tpu.memory_space<vmem>>) dst(%dma_wait3A_88 : memref<320x128xf32, #tpu.memory_space<hbm>>)
    return
  }
}

#map = affine_map<(d0, d1) -> (0)>
#map1 = affine_map<(d0, d1) -> (0, 0)>
module attributes {stable_mosaic.version = 14 : i64} {
  func.func @gather_kernel(%arg0: i32, %arg1: i32, %arg2: memref<40960xi32, #tpu.memory_space<hbm>>, %arg3: memref<100000x128xf32, #tpu.memory_space<hbm>>, %arg4: memref<40960x128xf32, #tpu.memory_space<hbm>>, %arg5: memref<1280xi32, #tpu.memory_space<vmem>>, %arg6: memref<320x128xf32, #tpu.memory_space<vmem>>, %arg7: memref<320x128xf32, #tpu.memory_space<vmem>>, %arg8: memref<320x128xf32, #tpu.memory_space<vmem>>, %arg9: memref<!tpu.dma_semaphore, #tpu.memory_space<semaphore_mem>>, %arg10: memref<!tpu.dma_semaphore, #tpu.memory_space<semaphore_mem>>, %arg11: memref<!tpu.dma_semaphore, #tpu.memory_space<semaphore_mem>>, %arg12: memref<!tpu.dma_semaphore, #tpu.memory_space<semaphore_mem>>, %arg13: memref<!tpu.dma_semaphore, #tpu.memory_space<semaphore_mem>>, %arg14: memref<!tpu.dma_semaphore, #tpu.memory_space<semaphore_mem>>) attributes {dimension_semantics = [#tpu.dimension_semantics<core_parallel>, #tpu.dimension_semantics<subcore_parallel>], iteration_bounds = array<i64: 2, 16>, scalar_prefetch = 0 : i64, scratch_operands = 10 : i64, tpu.core_type = #tpu.core_type<sc_vector_subcore>, window_params = [{transform_indices = #map}, {transform_indices = #map1}, {transform_indices = #map1}]} {
    %mul3A = arith.constant 2 : i32
    %mul3A_0 = arith.muli %arg1, %mul3A : i32
    %add3A = arith.addi %mul3A_0, %arg0 : i32
    %mul3A_1 = arith.constant 1280 : i32
    %mul3A_2 = arith.muli %add3A, %mul3A_1 : i32
    "tpu.region"() ({
      %run_scoped3A = tpu.sem_alloc : memref<!tpu.dma_semaphore, #tpu.memory_space<semaphore_mem>>
      %dma_start3A_89 = tpu.memref_slice %arg2[%mul3A_2] : memref<40960xi32, #tpu.memory_space<hbm>> -> memref<1280xi32, #tpu.memory_space<hbm>>
      %dma_start3A_90 = tpu.memref_slice %arg2[%mul3A_2] : memref<40960xi32, #tpu.memory_space<hbm>> -> memref<1280xi32, #tpu.memory_space<hbm>>
      tpu.enqueue_dma source(%dma_start3A_90 : memref<1280xi32, #tpu.memory_space<hbm>>) target(%arg5 : memref<1280xi32, #tpu.memory_space<vmem>>) target_semaphore(%run_scoped3A : memref<!tpu.dma_semaphore, #tpu.memory_space<semaphore_mem>>)
      %dma_wait3A_91 = tpu.memref_slice %arg2[%mul3A_2] : memref<40960xi32, #tpu.memory_space<hbm>> -> memref<1280xi32, #tpu.memory_space<hbm>>
      %dma_wait3A_92 = tpu.memref_slice %arg2[%mul3A_2] : memref<40960xi32, #tpu.memory_space<hbm>> -> memref<1280xi32, #tpu.memory_space<hbm>>
      tpu.wait_dma2 semaphore(%run_scoped3A : memref<!tpu.dma_semaphore, #tpu.memory_space<semaphore_mem>>) src(%dma_wait3A_92 : memref<1280xi32, #tpu.memory_space<hbm>>) dst(%arg5 : memref<1280xi32, #tpu.memory_space<vmem>>)
      tpu.yield
    }) : () -> ()
    %dma_start3A = arith.constant 0 : i32
    %dma_start3A_3 = tpu.memref_slice %arg5[%dma_start3A] : memref<1280xi32, #tpu.memory_space<vmem>> -> memref<320xi32, #tpu.memory_space<vmem>>
    %dma_start3A_4 = arith.constant 0 : i32
    %dma_start3A_5 = arith.constant 0 : i32
    %dma_start3A_6 = tpu.memref_slice %arg3[%dma_start3A_4, %dma_start3A_5] : memref<100000x128xf32, #tpu.memory_space<hbm>> -> memref<100000x128xf32, #tpu.memory_space<hbm>>
    tpu.enqueue_indirect_dma source(%dma_start3A_6 : memref<100000x128xf32, #tpu.memory_space<hbm>>) target(%arg6 : memref<320x128xf32, #tpu.memory_space<vmem>>) offsets(%dma_start3A_3 : memref<320xi32, #tpu.memory_space<vmem>>) semaphore(%arg9 : memref<!tpu.dma_semaphore, #tpu.memory_space<semaphore_mem>>)
    %dma_start3A_7 = arith.constant 320 : i32
    %dma_start3A_8 = tpu.memref_slice %arg5[%dma_start3A_7] : memref<1280xi32, #tpu.memory_space<vmem>> -> memref<320xi32, #tpu.memory_space<vmem>>
    %dma_start3A_9 = arith.constant 0 : i32
    %dma_start3A_10 = arith.constant 0 : i32
    %dma_start3A_11 = tpu.memref_slice %arg3[%dma_start3A_9, %dma_start3A_10] : memref<100000x128xf32, #tpu.memory_space<hbm>> -> memref<100000x128xf32, #tpu.memory_space<hbm>>
    tpu.enqueue_indirect_dma source(%dma_start3A_11 : memref<100000x128xf32, #tpu.memory_space<hbm>>) target(%arg7 : memref<320x128xf32, #tpu.memory_space<vmem>>) offsets(%dma_start3A_8 : memref<320xi32, #tpu.memory_space<vmem>>) semaphore(%arg10 : memref<!tpu.dma_semaphore, #tpu.memory_space<semaphore_mem>>)
    %dma_start3A_12 = arith.constant 640 : i32
    %dma_start3A_13 = tpu.memref_slice %arg5[%dma_start3A_12] : memref<1280xi32, #tpu.memory_space<vmem>> -> memref<320xi32, #tpu.memory_space<vmem>>
    %dma_start3A_14 = arith.constant 0 : i32
    %dma_start3A_15 = arith.constant 0 : i32
    %dma_start3A_16 = tpu.memref_slice %arg3[%dma_start3A_14, %dma_start3A_15] : memref<100000x128xf32, #tpu.memory_space<hbm>> -> memref<100000x128xf32, #tpu.memory_space<hbm>>
    tpu.enqueue_indirect_dma source(%dma_start3A_16 : memref<100000x128xf32, #tpu.memory_space<hbm>>) target(%arg8 : memref<320x128xf32, #tpu.memory_space<vmem>>) offsets(%dma_start3A_13 : memref<320xi32, #tpu.memory_space<vmem>>) semaphore(%arg11 : memref<!tpu.dma_semaphore, #tpu.memory_space<semaphore_mem>>)
    %dma_wait3A = arith.constant 0 : i32
    %dma_wait3A_17 = tpu.memref_slice %arg5[%dma_wait3A] : memref<1280xi32, #tpu.memory_space<vmem>> -> memref<320xi32, #tpu.memory_space<vmem>>
    %dma_wait3A_18 = arith.constant 0 : i32
    %dma_wait3A_19 = arith.constant 0 : i32
    %dma_wait3A_20 = tpu.memref_slice %arg3[%dma_wait3A_18, %dma_wait3A_19] : memref<100000x128xf32, #tpu.memory_space<hbm>> -> memref<100000x128xf32, #tpu.memory_space<hbm>>
    tpu.wait_indirect_dma semaphore(%arg9 : memref<!tpu.dma_semaphore, #tpu.memory_space<semaphore_mem>>) src(%dma_wait3A_20 : memref<100000x128xf32, #tpu.memory_space<hbm>>) dst(%arg6 : memref<320x128xf32, #tpu.memory_space<vmem>>)
    %add3A_21 = arith.constant 0 : i32
    %add3A_22 = arith.addi %mul3A_2, %add3A_21 : i32
    %dma_start3A_23 = arith.constant 0 : i32
    %dma_start3A_24 = tpu.memref_slice %arg4[%add3A_22, %dma_start3A_23] : memref<40960x128xf32, #tpu.memory_space<hbm>> -> memref<320x128xf32, #tpu.memory_space<hbm>>
    %dma_start3A_25 = arith.constant 0 : i32
    %dma_start3A_26 = tpu.memref_slice %arg4[%add3A_22, %dma_start3A_25] : memref<40960x128xf32, #tpu.memory_space<hbm>> -> memref<320x128xf32, #tpu.memory_space<hbm>>
    tpu.enqueue_dma source(%arg6 : memref<320x128xf32, #tpu.memory_space<vmem>>) target(%dma_start3A_26 : memref<320x128xf32, #tpu.memory_space<hbm>>) target_semaphore(%arg12 : memref<!tpu.dma_semaphore, #tpu.memory_space<semaphore_mem>>)
    %dma_wait3A_27 = arith.constant 320 : i32
    %dma_wait3A_28 = tpu.memref_slice %arg5[%dma_wait3A_27] : memref<1280xi32, #tpu.memory_space<vmem>> -> memref<320xi32, #tpu.memory_space<vmem>>
    %dma_wait3A_29 = arith.constant 0 : i32
    %dma_wait3A_30 = arith.constant 0 : i32
    %dma_wait3A_31 = tpu.memref_slice %arg3[%dma_wait3A_29, %dma_wait3A_30] : memref<100000x128xf32, #tpu.memory_space<hbm>> -> memref<100000x128xf32, #tpu.memory_space<hbm>>
    tpu.wait_indirect_dma semaphore(%arg10 : memref<!tpu.dma_semaphore, #tpu.memory_space<semaphore_mem>>) src(%dma_wait3A_31 : memref<100000x128xf32, #tpu.memory_space<hbm>>) dst(%arg7 : memref<320x128xf32, #tpu.memory_space<vmem>>)
    %add3A_32 = arith.constant 320 : i32
    %add3A_33 = arith.addi %mul3A_2, %add3A_32 : i32
    %dma_start3A_34 = arith.constant 0 : i32
    %dma_start3A_35 = tpu.memref_slice %arg4[%add3A_33, %dma_start3A_34] : memref<40960x128xf32, #tpu.memory_space<hbm>> -> memref<320x128xf32, #tpu.memory_space<hbm>>
    %dma_start3A_36 = arith.constant 0 : i32
    %dma_start3A_37 = tpu.memref_slice %arg4[%add3A_33, %dma_start3A_36] : memref<40960x128xf32, #tpu.memory_space<hbm>> -> memref<320x128xf32, #tpu.memory_space<hbm>>
    tpu.enqueue_dma source(%arg7 : memref<320x128xf32, #tpu.memory_space<vmem>>) target(%dma_start3A_37 : memref<320x128xf32, #tpu.memory_space<hbm>>) target_semaphore(%arg13 : memref<!tpu.dma_semaphore, #tpu.memory_space<semaphore_mem>>)
    %add3A_38 = arith.constant 0 : i32
    %add3A_39 = arith.addi %mul3A_2, %add3A_38 : i32
    %dma_wait3A_40 = arith.constant 0 : i32
    %dma_wait3A_41 = tpu.memref_slice %arg4[%add3A_39, %dma_wait3A_40] : memref<40960x128xf32, #tpu.memory_space<hbm>> -> memref<320x128xf32, #tpu.memory_space<hbm>>
    %dma_wait3A_42 = arith.constant 0 : i32
    %dma_wait3A_43 = tpu.memref_slice %arg4[%add3A_39, %dma_wait3A_42] : memref<40960x128xf32, #tpu.memory_space<hbm>> -> memref<320x128xf32, #tpu.memory_space<hbm>>
    tpu.wait_dma2 semaphore(%arg12 : memref<!tpu.dma_semaphore, #tpu.memory_space<semaphore_mem>>) src(%arg6 : memref<320x128xf32, #tpu.memory_space<vmem>>) dst(%dma_wait3A_43 : memref<320x128xf32, #tpu.memory_space<hbm>>)
    %dma_start3A_44 = arith.constant 960 : i32
    %dma_start3A_45 = tpu.memref_slice %arg5[%dma_start3A_44] : memref<1280xi32, #tpu.memory_space<vmem>> -> memref<320xi32, #tpu.memory_space<vmem>>
    %dma_start3A_46 = arith.constant 0 : i32
    %dma_start3A_47 = arith.constant 0 : i32
    %dma_start3A_48 = tpu.memref_slice %arg3[%dma_start3A_46, %dma_start3A_47] : memref<100000x128xf32, #tpu.memory_space<hbm>> -> memref<100000x128xf32, #tpu.memory_space<hbm>>
    tpu.enqueue_indirect_dma source(%dma_start3A_48 : memref<100000x128xf32, #tpu.memory_space<hbm>>) target(%arg6 : memref<320x128xf32, #tpu.memory_space<vmem>>) offsets(%dma_start3A_45 : memref<320xi32, #tpu.memory_space<vmem>>) semaphore(%arg9 : memref<!tpu.dma_semaphore, #tpu.memory_space<semaphore_mem>>)
    %dma_wait3A_49 = arith.constant 640 : i32
    %dma_wait3A_50 = tpu.memref_slice %arg5[%dma_wait3A_49] : memref<1280xi32, #tpu.memory_space<vmem>> -> memref<320xi32, #tpu.memory_space<vmem>>
    %dma_wait3A_51 = arith.constant 0 : i32
    %dma_wait3A_52 = arith.constant 0 : i32
    %dma_wait3A_53 = tpu.memref_slice %arg3[%dma_wait3A_51, %dma_wait3A_52] : memref<100000x128xf32, #tpu.memory_space<hbm>> -> memref<100000x128xf32, #tpu.memory_space<hbm>>
    tpu.wait_indirect_dma semaphore(%arg11 : memref<!tpu.dma_semaphore, #tpu.memory_space<semaphore_mem>>) src(%dma_wait3A_53 : memref<100000x128xf32, #tpu.memory_space<hbm>>) dst(%arg8 : memref<320x128xf32, #tpu.memory_space<vmem>>)
    %add3A_54 = arith.constant 640 : i32
    %add3A_55 = arith.addi %mul3A_2, %add3A_54 : i32
    %dma_start3A_56 = arith.constant 0 : i32
    %dma_start3A_57 = tpu.memref_slice %arg4[%add3A_55, %dma_start3A_56] : memref<40960x128xf32, #tpu.memory_space<hbm>> -> memref<320x128xf32, #tpu.memory_space<hbm>>
    %dma_start3A_58 = arith.constant 0 : i32
    %dma_start3A_59 = tpu.memref_slice %arg4[%add3A_55, %dma_start3A_58] : memref<40960x128xf32, #tpu.memory_space<hbm>> -> memref<320x128xf32, #tpu.memory_space<hbm>>
    tpu.enqueue_dma source(%arg8 : memref<320x128xf32, #tpu.memory_space<vmem>>) target(%dma_start3A_59 : memref<320x128xf32, #tpu.memory_space<hbm>>) target_semaphore(%arg14 : memref<!tpu.dma_semaphore, #tpu.memory_space<semaphore_mem>>)
    %dma_wait3A_60 = arith.constant 960 : i32
    %dma_wait3A_61 = tpu.memref_slice %arg5[%dma_wait3A_60] : memref<1280xi32, #tpu.memory_space<vmem>> -> memref<320xi32, #tpu.memory_space<vmem>>
    %dma_wait3A_62 = arith.constant 0 : i32
    %dma_wait3A_63 = arith.constant 0 : i32
    %dma_wait3A_64 = tpu.memref_slice %arg3[%dma_wait3A_62, %dma_wait3A_63] : memref<100000x128xf32, #tpu.memory_space<hbm>> -> memref<100000x128xf32, #tpu.memory_space<hbm>>
    tpu.wait_indirect_dma semaphore(%arg9 : memref<!tpu.dma_semaphore, #tpu.memory_space<semaphore_mem>>) src(%dma_wait3A_64 : memref<100000x128xf32, #tpu.memory_space<hbm>>) dst(%arg6 : memref<320x128xf32, #tpu.memory_space<vmem>>)
    %add3A_65 = arith.constant 960 : i32
    %add3A_66 = arith.addi %mul3A_2, %add3A_65 : i32
    %dma_start3A_67 = arith.constant 0 : i32
    %dma_start3A_68 = tpu.memref_slice %arg4[%add3A_66, %dma_start3A_67] : memref<40960x128xf32, #tpu.memory_space<hbm>> -> memref<320x128xf32, #tpu.memory_space<hbm>>
    %dma_start3A_69 = arith.constant 0 : i32
    %dma_start3A_70 = tpu.memref_slice %arg4[%add3A_66, %dma_start3A_69] : memref<40960x128xf32, #tpu.memory_space<hbm>> -> memref<320x128xf32, #tpu.memory_space<hbm>>
    tpu.enqueue_dma source(%arg6 : memref<320x128xf32, #tpu.memory_space<vmem>>) target(%dma_start3A_70 : memref<320x128xf32, #tpu.memory_space<hbm>>) target_semaphore(%arg12 : memref<!tpu.dma_semaphore, #tpu.memory_space<semaphore_mem>>)
    %add3A_71 = arith.constant 320 : i32
    %add3A_72 = arith.addi %mul3A_2, %add3A_71 : i32
    %dma_wait3A_73 = arith.constant 0 : i32
    %dma_wait3A_74 = tpu.memref_slice %arg4[%add3A_72, %dma_wait3A_73] : memref<40960x128xf32, #tpu.memory_space<hbm>> -> memref<320x128xf32, #tpu.memory_space<hbm>>
    %dma_wait3A_75 = arith.constant 0 : i32
    %dma_wait3A_76 = tpu.memref_slice %arg4[%add3A_72, %dma_wait3A_75] : memref<40960x128xf32, #tpu.memory_space<hbm>> -> memref<320x128xf32, #tpu.memory_space<hbm>>
    tpu.wait_dma2 semaphore(%arg13 : memref<!tpu.dma_semaphore, #tpu.memory_space<semaphore_mem>>) src(%arg7 : memref<320x128xf32, #tpu.memory_space<vmem>>) dst(%dma_wait3A_76 : memref<320x128xf32, #tpu.memory_space<hbm>>)
    %add3A_77 = arith.constant 640 : i32
    %add3A_78 = arith.addi %mul3A_2, %add3A_77 : i32
    %dma_wait3A_79 = arith.constant 0 : i32
    %dma_wait3A_80 = tpu.memref_slice %arg4[%add3A_78, %dma_wait3A_79] : memref<40960x128xf32, #tpu.memory_space<hbm>> -> memref<320x128xf32, #tpu.memory_space<hbm>>
    %dma_wait3A_81 = arith.constant 0 : i32
    %dma_wait3A_82 = tpu.memref_slice %arg4[%add3A_78, %dma_wait3A_81] : memref<40960x128xf32, #tpu.memory_space<hbm>> -> memref<320x128xf32, #tpu.memory_space<hbm>>
    tpu.wait_dma2 semaphore(%arg14 : memref<!tpu.dma_semaphore, #tpu.memory_space<semaphore_mem>>) src(%arg8 : memref<320x128xf32, #tpu.memory_space<vmem>>) dst(%dma_wait3A_82 : memref<320x128xf32, #tpu.memory_space<hbm>>)
    %add3A_83 = arith.constant 960 : i32
    %add3A_84 = arith.addi %mul3A_2, %add3A_83 : i32
    %dma_wait3A_85 = arith.constant 0 : i32
    %dma_wait3A_86 = tpu.memref_slice %arg4[%add3A_84, %dma_wait3A_85] : memref<40960x128xf32, #tpu.memory_space<hbm>> -> memref<320x128xf32, #tpu.memory_space<hbm>>
    %dma_wait3A_87 = arith.constant 0 : i32
    %dma_wait3A_88 = tpu.memref_slice %arg4[%add3A_84, %dma_wait3A_87] : memref<40960x128xf32, #tpu.memory_space<hbm>> -> memref<320x128xf32, #tpu.memory_space<hbm>>
    tpu.wait_dma2 semaphore(%arg12 : memref<!tpu.dma_semaphore, #tpu.memory_space<semaphore_mem>>) src(%arg6 : memref<320x128xf32, #tpu.memory_space<vmem>>) dst(%dma_wait3A_88 : memref<320x128xf32, #tpu.memory_space<hbm>>)
    return
  }
}

module attributes {stable_mosaic.version = 14 : i64} {
  func.func @_mlp_body_upd(%arg0: i32, %arg1: memref<204800x128xf32, #tpu.memory_space<any>>, %arg2: memref<2048x128xf32, #tpu.memory_space<vmem>>, %arg3: memref<128x128xf32, #tpu.memory_space<vmem>>, %arg4: memref<1x128xf32, #tpu.memory_space<vmem>>, %arg5: memref<128x128xf32, #tpu.memory_space<vmem>>, %arg6: memref<1x128xf32, #tpu.memory_space<vmem>>, %arg7: memref<2048x128xf32, #tpu.memory_space<vmem>>) attributes {dimension_semantics = [#tpu.dimension_semantics<arbitrary>], iteration_bounds = array<i64: 20>, scalar_prefetch = 0 : i64, scratch_operands = 0 : i64, tpu.core_type = #tpu.core_type<tc>, window_params = [{}, {transform_indices = @transform_1, window_bounds = array<i64: 2048, 128>}, {pipeline_mode = #tpu.pipeline_mode<synchronous>, transform_indices = @transform_2, window_bounds = array<i64: 128, 128>}, {pipeline_mode = #tpu.pipeline_mode<synchronous>, transform_indices = @transform_3, window_bounds = array<i64: 1, 128>}, {pipeline_mode = #tpu.pipeline_mode<synchronous>, transform_indices = @transform_4, window_bounds = array<i64: 128, 128>}, {pipeline_mode = #tpu.pipeline_mode<synchronous>, transform_indices = @transform_5, window_bounds = array<i64: 1, 128>}, {transform_indices = @transform_6, window_bounds = array<i64: 2048, 128>}]} {
    %get3A = arith.constant 0 : index
    %get3A_0 = arith.constant 0 : index
    %get3A_1 = vector.load %arg2[%get3A, %get3A_0] : memref<2048x128xf32, #tpu.memory_space<vmem>>, vector<2048x128xf32>
    %convert_element_type3A = arith.truncf %get3A_1 : vector<2048x128xf32> to vector<2048x128xbf16>
    %get3A_2 = arith.constant 0 : index
    %get3A_3 = arith.constant 0 : index
    %get3A_4 = vector.load %arg3[%get3A_2, %get3A_3] : memref<128x128xf32, #tpu.memory_space<vmem>>, vector<128x128xf32>
    %convert_element_type3A_5 = arith.truncf %get3A_4 : vector<128x128xf32> to vector<128x128xbf16>
    %get3A_6 = arith.constant 0 : index
    %get3A_7 = arith.constant 0 : index
    %get3A_8 = vector.load %arg5[%get3A_6, %get3A_7] : memref<128x128xf32, #tpu.memory_space<vmem>>, vector<128x128xf32>
    %convert_element_type3A_9 = arith.truncf %get3A_8 : vector<128x128xf32> to vector<128x128xbf16>
    %dot_general3A = arith.constant dense<0.000000e+00> : vector<2048x128xf32>
    %dot_general3A_10 = tpu.matmul %convert_element_type3A, %convert_element_type3A_5, %dot_general3A {dimension_numbers = #tpu.dot_dimension_numbers<[1], [0], [0], [1], [0, 0, 1, 1], [], []>, transpose_lhs_hint = false} : vector<2048x128xbf16>, vector<128x128xbf16>, vector<2048x128xf32> -> vector<2048x128xf32>
    %get3A_11 = arith.constant 0 : index
    %get3A_12 = arith.constant 0 : index
    %get3A_13 = vector.load %arg4[%get3A_11, %get3A_12] : memref<1x128xf32, #tpu.memory_space<vmem>>, vector<1x128xf32>
    %add3A = vector.broadcast %get3A_13 : vector<1x128xf32> to vector<2048x128xf32>
    %add3A_14 = arith.addf %dot_general3A_10, %add3A : vector<2048x128xf32>
    %max3A = arith.constant 0.000000e+00 : f32
    %max3A_15 = vector.broadcast %max3A : f32 to vector<2048x128xf32>
    %max3A_16 = arith.maximumf %add3A_14, %max3A_15 : vector<2048x128xf32>
    %convert_element_type3A_17 = arith.truncf %max3A_16 : vector<2048x128xf32> to vector<2048x128xbf16>
    %dot_general3A_18 = arith.constant dense<0.000000e+00> : vector<2048x128xf32>
    %dot_general3A_19 = tpu.matmul %convert_element_type3A_17, %convert_element_type3A_9, %dot_general3A_18 {dimension_numbers = #tpu.dot_dimension_numbers<[1], [0], [0], [1], [0, 0, 1, 1], [], []>, transpose_lhs_hint = false} : vector<2048x128xbf16>, vector<128x128xbf16>, vector<2048x128xf32> -> vector<2048x128xf32>
    %get3A_20 = arith.constant 0 : index
    %get3A_21 = arith.constant 0 : index
    %get3A_22 = vector.load %arg6[%get3A_20, %get3A_21] : memref<1x128xf32, #tpu.memory_space<vmem>>, vector<1x128xf32>
    %add3A_23 = vector.broadcast %get3A_22 : vector<1x128xf32> to vector<2048x128xf32>
    %add3A_24 = arith.addf %dot_general3A_19, %add3A_23 : vector<2048x128xf32>
    %max3A_25 = arith.constant 0.000000e+00 : f32
    %max3A_26 = vector.broadcast %max3A_25 : f32 to vector<2048x128xf32>
    %max3A_27 = arith.maximumf %add3A_24, %max3A_26 : vector<2048x128xf32>
    %swap3A = arith.constant 0 : index
    %swap3A_28 = arith.constant 0 : index
    %swap3A_29 = vector.load %arg7[%swap3A, %swap3A_28] : memref<2048x128xf32, #tpu.memory_space<vmem>>, vector<2048x128xf32>
    tpu.vector_store %arg7[%swap3A, %swap3A_28], %max3A_27 {strides = array<i32>} : memref<2048x128xf32, #tpu.memory_space<vmem>>, vector<2048x128xf32>,
    return
  }
  func.func @transform_1(%arg0: i32) -> (i32, i32) {
    %c0_i32 = arith.constant 0 : i32
    %c0_i32_0 = arith.constant 0 : i32
    return %arg0, %c0_i32 : i32, i32
  }
  func.func @transform_2(%arg0: i32) -> (i32, i32) {
    %c0_i32 = arith.constant 0 : i32
    %c0_i32_0 = arith.constant 0 : i32
    %c0_i32_1 = arith.constant 0 : i32
    return %c0_i32, %c0_i32_0 : i32, i32
  }
  func.func @transform_3(%arg0: i32) -> (i32, i32) {
    %c0_i32 = arith.constant 0 : i32
    %c0_i32_0 = arith.constant 0 : i32
    %c0_i32_1 = arith.constant 0 : i32
    return %c0_i32, %c0_i32_0 : i32, i32
  }
  func.func @transform_4(%arg0: i32) -> (i32, i32) {
    %c0_i32 = arith.constant 0 : i32
    %c0_i32_0 = arith.constant 0 : i32
    %c0_i32_1 = arith.constant 0 : i32
    return %c0_i32, %c0_i32_0 : i32, i32
  }
  func.func @transform_5(%arg0: i32) -> (i32, i32) {
    %c0_i32 = arith.constant 0 : i32
    %c0_i32_0 = arith.constant 0 : i32
    %c0_i32_1 = arith.constant 0 : i32
    return %c0_i32, %c0_i32_0 : i32, i32
  }
  func.func @transform_6(%arg0: i32) -> (i32, i32) {
    %add3A = arith.constant 20 : i32
    %add3A_0 = arith.addi %arg0, %add3A : i32
    %c0_i32 = arith.constant 0 : i32
    %c0_i32_1 = arith.constant 0 : i32
    return %add3A_0, %c0_i32 : i32, i32
  }
}

module attributes {stable_mosaic.version = 14 : i64} {
  func.func @_mlp_body(%arg0: i32, %arg1: memref<2048x128xf32, #tpu.memory_space<vmem>>, %arg2: memref<128x128xf32, #tpu.memory_space<vmem>>, %arg3: memref<1x128xf32, #tpu.memory_space<vmem>>, %arg4: memref<128x128xf32, #tpu.memory_space<vmem>>, %arg5: memref<1x128xf32, #tpu.memory_space<vmem>>, %arg6: memref<2048x128xf32, #tpu.memory_space<vmem>>) attributes {dimension_semantics = [#tpu.dimension_semantics<arbitrary>], iteration_bounds = array<i64: 20>, scalar_prefetch = 0 : i64, scratch_operands = 0 : i64, tpu.core_type = #tpu.core_type<tc>, window_params = [{transform_indices = @transform_0, window_bounds = array<i64: 2048, 128>}, {pipeline_mode = #tpu.pipeline_mode<synchronous>, transform_indices = @transform_1, window_bounds = array<i64: 128, 128>}, {pipeline_mode = #tpu.pipeline_mode<synchronous>, transform_indices = @transform_2, window_bounds = array<i64: 1, 128>}, {pipeline_mode = #tpu.pipeline_mode<synchronous>, transform_indices = @transform_3, window_bounds = array<i64: 128, 128>}, {pipeline_mode = #tpu.pipeline_mode<synchronous>, transform_indices = @transform_4, window_bounds = array<i64: 1, 128>}, {transform_indices = @transform_5, window_bounds = array<i64: 2048, 128>}]} {
    %get3A = arith.constant 0 : index
    %get3A_0 = arith.constant 0 : index
    %get3A_1 = vector.load %arg1[%get3A, %get3A_0] : memref<2048x128xf32, #tpu.memory_space<vmem>>, vector<2048x128xf32>
    %convert_element_type3A = arith.truncf %get3A_1 : vector<2048x128xf32> to vector<2048x128xbf16>
    %get3A_2 = arith.constant 0 : index
    %get3A_3 = arith.constant 0 : index
    %get3A_4 = vector.load %arg2[%get3A_2, %get3A_3] : memref<128x128xf32, #tpu.memory_space<vmem>>, vector<128x128xf32>
    %convert_element_type3A_5 = arith.truncf %get3A_4 : vector<128x128xf32> to vector<128x128xbf16>
    %get3A_6 = arith.constant 0 : index
    %get3A_7 = arith.constant 0 : index
    %get3A_8 = vector.load %arg4[%get3A_6, %get3A_7] : memref<128x128xf32, #tpu.memory_space<vmem>>, vector<128x128xf32>
    %convert_element_type3A_9 = arith.truncf %get3A_8 : vector<128x128xf32> to vector<128x128xbf16>
    %dot_general3A = arith.constant dense<0.000000e+00> : vector<2048x128xf32>
    %dot_general3A_10 = tpu.matmul %convert_element_type3A, %convert_element_type3A_5, %dot_general3A {dimension_numbers = #tpu.dot_dimension_numbers<[1], [0], [0], [1], [0, 0, 1, 1], [], []>, transpose_lhs_hint = false} : vector<2048x128xbf16>, vector<128x128xbf16>, vector<2048x128xf32> -> vector<2048x128xf32>
    %get3A_11 = arith.constant 0 : index
    %get3A_12 = arith.constant 0 : index
    %get3A_13 = vector.load %arg3[%get3A_11, %get3A_12] : memref<1x128xf32, #tpu.memory_space<vmem>>, vector<1x128xf32>
    %add3A = vector.broadcast %get3A_13 : vector<1x128xf32> to vector<2048x128xf32>
    %add3A_14 = arith.addf %dot_general3A_10, %add3A : vector<2048x128xf32>
    %max3A = arith.constant 0.000000e+00 : f32
    %max3A_15 = vector.broadcast %max3A : f32 to vector<2048x128xf32>
    %max3A_16 = arith.maximumf %add3A_14, %max3A_15 : vector<2048x128xf32>
    %convert_element_type3A_17 = arith.truncf %max3A_16 : vector<2048x128xf32> to vector<2048x128xbf16>
    %dot_general3A_18 = arith.constant dense<0.000000e+00> : vector<2048x128xf32>
    %dot_general3A_19 = tpu.matmul %convert_element_type3A_17, %convert_element_type3A_9, %dot_general3A_18 {dimension_numbers = #tpu.dot_dimension_numbers<[1], [0], [0], [1], [0, 0, 1, 1], [], []>, transpose_lhs_hint = false} : vector<2048x128xbf16>, vector<128x128xbf16>, vector<2048x128xf32> -> vector<2048x128xf32>
    %get3A_20 = arith.constant 0 : index
    %get3A_21 = arith.constant 0 : index
    %get3A_22 = vector.load %arg5[%get3A_20, %get3A_21] : memref<1x128xf32, #tpu.memory_space<vmem>>, vector<1x128xf32>
    %add3A_23 = vector.broadcast %get3A_22 : vector<1x128xf32> to vector<2048x128xf32>
    %add3A_24 = arith.addf %dot_general3A_19, %add3A_23 : vector<2048x128xf32>
    %max3A_25 = arith.constant 0.000000e+00 : f32
    %max3A_26 = vector.broadcast %max3A_25 : f32 to vector<2048x128xf32>
    %max3A_27 = arith.maximumf %add3A_24, %max3A_26 : vector<2048x128xf32>
    %swap3A = arith.constant 0 : index
    %swap3A_28 = arith.constant 0 : index
    %swap3A_29 = vector.load %arg6[%swap3A, %swap3A_28] : memref<2048x128xf32, #tpu.memory_space<vmem>>, vector<2048x128xf32>
    tpu.vector_store %arg6[%swap3A, %swap3A_28], %max3A_27 {strides = array<i32>} : memref<2048x128xf32, #tpu.memory_space<vmem>>, vector<2048x128xf32>,
    return
  }
  func.func @transform_0(%arg0: i32) -> (i32, i32) {
    %c0_i32 = arith.constant 0 : i32
    %c0_i32_0 = arith.constant 0 : i32
    return %arg0, %c0_i32 : i32, i32
  }
  func.func @transform_1(%arg0: i32) -> (i32, i32) {
    %c0_i32 = arith.constant 0 : i32
    %c0_i32_0 = arith.constant 0 : i32
    %c0_i32_1 = arith.constant 0 : i32
    return %c0_i32, %c0_i32_0 : i32, i32
  }
  func.func @transform_2(%arg0: i32) -> (i32, i32) {
    %c0_i32 = arith.constant 0 : i32
    %c0_i32_0 = arith.constant 0 : i32
    %c0_i32_1 = arith.constant 0 : i32
    return %c0_i32, %c0_i32_0 : i32, i32
  }
  func.func @transform_3(%arg0: i32) -> (i32, i32) {
    %c0_i32 = arith.constant 0 : i32
    %c0_i32_0 = arith.constant 0 : i32
    %c0_i32_1 = arith.constant 0 : i32
    return %c0_i32, %c0_i32_0 : i32, i32
  }
  func.func @transform_4(%arg0: i32) -> (i32, i32) {
    %c0_i32 = arith.constant 0 : i32
    %c0_i32_0 = arith.constant 0 : i32
    %c0_i32_1 = arith.constant 0 : i32
    return %c0_i32, %c0_i32_0 : i32, i32
  }
  func.func @transform_5(%arg0: i32) -> (i32, i32) {
    %add3A = arith.constant 0 : i32
    %add3A_0 = arith.addi %arg0, %add3A : i32
    %c0_i32 = arith.constant 0 : i32
    %c0_i32_1 = arith.constant 0 : i32
    return %add3A_0, %c0_i32 : i32, i32
  }
}

module attributes {stable_mosaic.version = 14 : i64} {
  func.func @_mlp_body_upd(%arg0: i32, %arg1: memref<204800x128xf32, #tpu.memory_space<any>>, %arg2: memref<2048x128xf32, #tpu.memory_space<vmem>>, %arg3: memref<128x128xf32, #tpu.memory_space<vmem>>, %arg4: memref<1x128xf32, #tpu.memory_space<vmem>>, %arg5: memref<128x128xf32, #tpu.memory_space<vmem>>, %arg6: memref<1x128xf32, #tpu.memory_space<vmem>>, %arg7: memref<2048x128xf32, #tpu.memory_space<vmem>>) attributes {dimension_semantics = [#tpu.dimension_semantics<arbitrary>], iteration_bounds = array<i64: 20>, scalar_prefetch = 0 : i64, scratch_operands = 0 : i64, tpu.core_type = #tpu.core_type<tc>, window_params = [{}, {transform_indices = @transform_1, window_bounds = array<i64: 2048, 128>}, {pipeline_mode = #tpu.pipeline_mode<synchronous>, transform_indices = @transform_2, window_bounds = array<i64: 128, 128>}, {pipeline_mode = #tpu.pipeline_mode<synchronous>, transform_indices = @transform_3, window_bounds = array<i64: 1, 128>}, {pipeline_mode = #tpu.pipeline_mode<synchronous>, transform_indices = @transform_4, window_bounds = array<i64: 128, 128>}, {pipeline_mode = #tpu.pipeline_mode<synchronous>, transform_indices = @transform_5, window_bounds = array<i64: 1, 128>}, {transform_indices = @transform_6, window_bounds = array<i64: 2048, 128>}]} {
    %get3A = arith.constant 0 : index
    %get3A_0 = arith.constant 0 : index
    %get3A_1 = vector.load %arg2[%get3A, %get3A_0] : memref<2048x128xf32, #tpu.memory_space<vmem>>, vector<2048x128xf32>
    %convert_element_type3A = arith.truncf %get3A_1 : vector<2048x128xf32> to vector<2048x128xbf16>
    %get3A_2 = arith.constant 0 : index
    %get3A_3 = arith.constant 0 : index
    %get3A_4 = vector.load %arg3[%get3A_2, %get3A_3] : memref<128x128xf32, #tpu.memory_space<vmem>>, vector<128x128xf32>
    %convert_element_type3A_5 = arith.truncf %get3A_4 : vector<128x128xf32> to vector<128x128xbf16>
    %get3A_6 = arith.constant 0 : index
    %get3A_7 = arith.constant 0 : index
    %get3A_8 = vector.load %arg5[%get3A_6, %get3A_7] : memref<128x128xf32, #tpu.memory_space<vmem>>, vector<128x128xf32>
    %convert_element_type3A_9 = arith.truncf %get3A_8 : vector<128x128xf32> to vector<128x128xbf16>
    %dot_general3A = arith.constant dense<0.000000e+00> : vector<2048x128xf32>
    %dot_general3A_10 = tpu.matmul %convert_element_type3A, %convert_element_type3A_5, %dot_general3A {dimension_numbers = #tpu.dot_dimension_numbers<[1], [0], [0], [1], [0, 0, 1, 1], [], []>, transpose_lhs_hint = false} : vector<2048x128xbf16>, vector<128x128xbf16>, vector<2048x128xf32> -> vector<2048x128xf32>
    %get3A_11 = arith.constant 0 : index
    %get3A_12 = arith.constant 0 : index
    %get3A_13 = vector.load %arg4[%get3A_11, %get3A_12] : memref<1x128xf32, #tpu.memory_space<vmem>>, vector<1x128xf32>
    %add3A = vector.broadcast %get3A_13 : vector<1x128xf32> to vector<2048x128xf32>
    %add3A_14 = arith.addf %dot_general3A_10, %add3A : vector<2048x128xf32>
    %max3A = arith.constant 0.000000e+00 : f32
    %max3A_15 = vector.broadcast %max3A : f32 to vector<2048x128xf32>
    %max3A_16 = arith.maximumf %add3A_14, %max3A_15 : vector<2048x128xf32>
    %convert_element_type3A_17 = arith.truncf %max3A_16 : vector<2048x128xf32> to vector<2048x128xbf16>
    %dot_general3A_18 = arith.constant dense<0.000000e+00> : vector<2048x128xf32>
    %dot_general3A_19 = tpu.matmul %convert_element_type3A_17, %convert_element_type3A_9, %dot_general3A_18 {dimension_numbers = #tpu.dot_dimension_numbers<[1], [0], [0], [1], [0, 0, 1, 1], [], []>, transpose_lhs_hint = false} : vector<2048x128xbf16>, vector<128x128xbf16>, vector<2048x128xf32> -> vector<2048x128xf32>
    %get3A_20 = arith.constant 0 : index
    %get3A_21 = arith.constant 0 : index
    %get3A_22 = vector.load %arg6[%get3A_20, %get3A_21] : memref<1x128xf32, #tpu.memory_space<vmem>>, vector<1x128xf32>
    %add3A_23 = vector.broadcast %get3A_22 : vector<1x128xf32> to vector<2048x128xf32>
    %add3A_24 = arith.addf %dot_general3A_19, %add3A_23 : vector<2048x128xf32>
    %max3A_25 = arith.constant 0.000000e+00 : f32
    %max3A_26 = vector.broadcast %max3A_25 : f32 to vector<2048x128xf32>
    %max3A_27 = arith.maximumf %add3A_24, %max3A_26 : vector<2048x128xf32>
    %swap3A = arith.constant 0 : index
    %swap3A_28 = arith.constant 0 : index
    %swap3A_29 = vector.load %arg7[%swap3A, %swap3A_28] : memref<2048x128xf32, #tpu.memory_space<vmem>>, vector<2048x128xf32>
    tpu.vector_store %arg7[%swap3A, %swap3A_28], %max3A_27 {strides = array<i32>} : memref<2048x128xf32, #tpu.memory_space<vmem>>, vector<2048x128xf32>,
    return
  }
  func.func @transform_1(%arg0: i32) -> (i32, i32) {
    %c0_i32 = arith.constant 0 : i32
    %c0_i32_0 = arith.constant 0 : i32
    return %arg0, %c0_i32 : i32, i32
  }
  func.func @transform_2(%arg0: i32) -> (i32, i32) {
    %c0_i32 = arith.constant 0 : i32
    %c0_i32_0 = arith.constant 0 : i32
    %c0_i32_1 = arith.constant 0 : i32
    return %c0_i32, %c0_i32_0 : i32, i32
  }
  func.func @transform_3(%arg0: i32) -> (i32, i32) {
    %c0_i32 = arith.constant 0 : i32
    %c0_i32_0 = arith.constant 0 : i32
    %c0_i32_1 = arith.constant 0 : i32
    return %c0_i32, %c0_i32_0 : i32, i32
  }
  func.func @transform_4(%arg0: i32) -> (i32, i32) {
    %c0_i32 = arith.constant 0 : i32
    %c0_i32_0 = arith.constant 0 : i32
    %c0_i32_1 = arith.constant 0 : i32
    return %c0_i32, %c0_i32_0 : i32, i32
  }
  func.func @transform_5(%arg0: i32) -> (i32, i32) {
    %c0_i32 = arith.constant 0 : i32
    %c0_i32_0 = arith.constant 0 : i32
    %c0_i32_1 = arith.constant 0 : i32
    return %c0_i32, %c0_i32_0 : i32, i32
  }
  func.func @transform_6(%arg0: i32) -> (i32, i32) {
    %add3A = arith.constant 40 : i32
    %add3A_0 = arith.addi %arg0, %add3A : i32
    %c0_i32 = arith.constant 0 : i32
    %c0_i32_1 = arith.constant 0 : i32
    return %add3A_0, %c0_i32 : i32, i32
  }
}

module attributes {stable_mosaic.version = 14 : i64} {
  func.func @_mlp_body_upd(%arg0: i32, %arg1: memref<204800x128xf32, #tpu.memory_space<any>>, %arg2: memref<2048x128xf32, #tpu.memory_space<vmem>>, %arg3: memref<128x128xf32, #tpu.memory_space<vmem>>, %arg4: memref<1x128xf32, #tpu.memory_space<vmem>>, %arg5: memref<128x128xf32, #tpu.memory_space<vmem>>, %arg6: memref<1x128xf32, #tpu.memory_space<vmem>>, %arg7: memref<2048x128xf32, #tpu.memory_space<vmem>>) attributes {dimension_semantics = [#tpu.dimension_semantics<arbitrary>], iteration_bounds = array<i64: 20>, scalar_prefetch = 0 : i64, scratch_operands = 0 : i64, tpu.core_type = #tpu.core_type<tc>, window_params = [{}, {transform_indices = @transform_1, window_bounds = array<i64: 2048, 128>}, {pipeline_mode = #tpu.pipeline_mode<synchronous>, transform_indices = @transform_2, window_bounds = array<i64: 128, 128>}, {pipeline_mode = #tpu.pipeline_mode<synchronous>, transform_indices = @transform_3, window_bounds = array<i64: 1, 128>}, {pipeline_mode = #tpu.pipeline_mode<synchronous>, transform_indices = @transform_4, window_bounds = array<i64: 128, 128>}, {pipeline_mode = #tpu.pipeline_mode<synchronous>, transform_indices = @transform_5, window_bounds = array<i64: 1, 128>}, {transform_indices = @transform_6, window_bounds = array<i64: 2048, 128>}]} {
    %get3A = arith.constant 0 : index
    %get3A_0 = arith.constant 0 : index
    %get3A_1 = vector.load %arg2[%get3A, %get3A_0] : memref<2048x128xf32, #tpu.memory_space<vmem>>, vector<2048x128xf32>
    %convert_element_type3A = arith.truncf %get3A_1 : vector<2048x128xf32> to vector<2048x128xbf16>
    %get3A_2 = arith.constant 0 : index
    %get3A_3 = arith.constant 0 : index
    %get3A_4 = vector.load %arg3[%get3A_2, %get3A_3] : memref<128x128xf32, #tpu.memory_space<vmem>>, vector<128x128xf32>
    %convert_element_type3A_5 = arith.truncf %get3A_4 : vector<128x128xf32> to vector<128x128xbf16>
    %get3A_6 = arith.constant 0 : index
    %get3A_7 = arith.constant 0 : index
    %get3A_8 = vector.load %arg5[%get3A_6, %get3A_7] : memref<128x128xf32, #tpu.memory_space<vmem>>, vector<128x128xf32>
    %convert_element_type3A_9 = arith.truncf %get3A_8 : vector<128x128xf32> to vector<128x128xbf16>
    %dot_general3A = arith.constant dense<0.000000e+00> : vector<2048x128xf32>
    %dot_general3A_10 = tpu.matmul %convert_element_type3A, %convert_element_type3A_5, %dot_general3A {dimension_numbers = #tpu.dot_dimension_numbers<[1], [0], [0], [1], [0, 0, 1, 1], [], []>, transpose_lhs_hint = false} : vector<2048x128xbf16>, vector<128x128xbf16>, vector<2048x128xf32> -> vector<2048x128xf32>
    %get3A_11 = arith.constant 0 : index
    %get3A_12 = arith.constant 0 : index
    %get3A_13 = vector.load %arg4[%get3A_11, %get3A_12] : memref<1x128xf32, #tpu.memory_space<vmem>>, vector<1x128xf32>
    %add3A = vector.broadcast %get3A_13 : vector<1x128xf32> to vector<2048x128xf32>
    %add3A_14 = arith.addf %dot_general3A_10, %add3A : vector<2048x128xf32>
    %max3A = arith.constant 0.000000e+00 : f32
    %max3A_15 = vector.broadcast %max3A : f32 to vector<2048x128xf32>
    %max3A_16 = arith.maximumf %add3A_14, %max3A_15 : vector<2048x128xf32>
    %convert_element_type3A_17 = arith.truncf %max3A_16 : vector<2048x128xf32> to vector<2048x128xbf16>
    %dot_general3A_18 = arith.constant dense<0.000000e+00> : vector<2048x128xf32>
    %dot_general3A_19 = tpu.matmul %convert_element_type3A_17, %convert_element_type3A_9, %dot_general3A_18 {dimension_numbers = #tpu.dot_dimension_numbers<[1], [0], [0], [1], [0, 0, 1, 1], [], []>, transpose_lhs_hint = false} : vector<2048x128xbf16>, vector<128x128xbf16>, vector<2048x128xf32> -> vector<2048x128xf32>
    %get3A_20 = arith.constant 0 : index
    %get3A_21 = arith.constant 0 : index
    %get3A_22 = vector.load %arg6[%get3A_20, %get3A_21] : memref<1x128xf32, #tpu.memory_space<vmem>>, vector<1x128xf32>
    %add3A_23 = vector.broadcast %get3A_22 : vector<1x128xf32> to vector<2048x128xf32>
    %add3A_24 = arith.addf %dot_general3A_19, %add3A_23 : vector<2048x128xf32>
    %max3A_25 = arith.constant 0.000000e+00 : f32
    %max3A_26 = vector.broadcast %max3A_25 : f32 to vector<2048x128xf32>
    %max3A_27 = arith.maximumf %add3A_24, %max3A_26 : vector<2048x128xf32>
    %swap3A = arith.constant 0 : index
    %swap3A_28 = arith.constant 0 : index
    %swap3A_29 = vector.load %arg7[%swap3A, %swap3A_28] : memref<2048x128xf32, #tpu.memory_space<vmem>>, vector<2048x128xf32>
    tpu.vector_store %arg7[%swap3A, %swap3A_28], %max3A_27 {strides = array<i32>} : memref<2048x128xf32, #tpu.memory_space<vmem>>, vector<2048x128xf32>,
    return
  }
  func.func @transform_1(%arg0: i32) -> (i32, i32) {
    %c0_i32 = arith.constant 0 : i32
    %c0_i32_0 = arith.constant 0 : i32
    return %arg0, %c0_i32 : i32, i32
  }
  func.func @transform_2(%arg0: i32) -> (i32, i32) {
    %c0_i32 = arith.constant 0 : i32
    %c0_i32_0 = arith.constant 0 : i32
    %c0_i32_1 = arith.constant 0 : i32
    return %c0_i32, %c0_i32_0 : i32, i32
  }
  func.func @transform_3(%arg0: i32) -> (i32, i32) {
    %c0_i32 = arith.constant 0 : i32
    %c0_i32_0 = arith.constant 0 : i32
    %c0_i32_1 = arith.constant 0 : i32
    return %c0_i32, %c0_i32_0 : i32, i32
  }
  func.func @transform_4(%arg0: i32) -> (i32, i32) {
    %c0_i32 = arith.constant 0 : i32
    %c0_i32_0 = arith.constant 0 : i32
    %c0_i32_1 = arith.constant 0 : i32
    return %c0_i32, %c0_i32_0 : i32, i32
  }
  func.func @transform_5(%arg0: i32) -> (i32, i32) {
    %c0_i32 = arith.constant 0 : i32
    %c0_i32_0 = arith.constant 0 : i32
    %c0_i32_1 = arith.constant 0 : i32
    return %c0_i32, %c0_i32_0 : i32, i32
  }
  func.func @transform_6(%arg0: i32) -> (i32, i32) {
    %add3A = arith.constant 60 : i32
    %add3A_0 = arith.addi %arg0, %add3A : i32
    %c0_i32 = arith.constant 0 : i32
    %c0_i32_1 = arith.constant 0 : i32
    return %add3A_0, %c0_i32 : i32, i32
  }
}

module attributes {stable_mosaic.version = 14 : i64} {
  func.func @_mlp_body_upd(%arg0: i32, %arg1: memref<204800x128xf32, #tpu.memory_space<any>>, %arg2: memref<2048x128xf32, #tpu.memory_space<vmem>>, %arg3: memref<128x128xf32, #tpu.memory_space<vmem>>, %arg4: memref<1x128xf32, #tpu.memory_space<vmem>>, %arg5: memref<128x128xf32, #tpu.memory_space<vmem>>, %arg6: memref<1x128xf32, #tpu.memory_space<vmem>>, %arg7: memref<2048x128xf32, #tpu.memory_space<vmem>>) attributes {dimension_semantics = [#tpu.dimension_semantics<arbitrary>], iteration_bounds = array<i64: 20>, scalar_prefetch = 0 : i64, scratch_operands = 0 : i64, tpu.core_type = #tpu.core_type<tc>, window_params = [{}, {transform_indices = @transform_1, window_bounds = array<i64: 2048, 128>}, {pipeline_mode = #tpu.pipeline_mode<synchronous>, transform_indices = @transform_2, window_bounds = array<i64: 128, 128>}, {pipeline_mode = #tpu.pipeline_mode<synchronous>, transform_indices = @transform_3, window_bounds = array<i64: 1, 128>}, {pipeline_mode = #tpu.pipeline_mode<synchronous>, transform_indices = @transform_4, window_bounds = array<i64: 128, 128>}, {pipeline_mode = #tpu.pipeline_mode<synchronous>, transform_indices = @transform_5, window_bounds = array<i64: 1, 128>}, {transform_indices = @transform_6, window_bounds = array<i64: 2048, 128>}]} {
    %get3A = arith.constant 0 : index
    %get3A_0 = arith.constant 0 : index
    %get3A_1 = vector.load %arg2[%get3A, %get3A_0] : memref<2048x128xf32, #tpu.memory_space<vmem>>, vector<2048x128xf32>
    %convert_element_type3A = arith.truncf %get3A_1 : vector<2048x128xf32> to vector<2048x128xbf16>
    %get3A_2 = arith.constant 0 : index
    %get3A_3 = arith.constant 0 : index
    %get3A_4 = vector.load %arg3[%get3A_2, %get3A_3] : memref<128x128xf32, #tpu.memory_space<vmem>>, vector<128x128xf32>
    %convert_element_type3A_5 = arith.truncf %get3A_4 : vector<128x128xf32> to vector<128x128xbf16>
    %get3A_6 = arith.constant 0 : index
    %get3A_7 = arith.constant 0 : index
    %get3A_8 = vector.load %arg5[%get3A_6, %get3A_7] : memref<128x128xf32, #tpu.memory_space<vmem>>, vector<128x128xf32>
    %convert_element_type3A_9 = arith.truncf %get3A_8 : vector<128x128xf32> to vector<128x128xbf16>
    %dot_general3A = arith.constant dense<0.000000e+00> : vector<2048x128xf32>
    %dot_general3A_10 = tpu.matmul %convert_element_type3A, %convert_element_type3A_5, %dot_general3A {dimension_numbers = #tpu.dot_dimension_numbers<[1], [0], [0], [1], [0, 0, 1, 1], [], []>, transpose_lhs_hint = false} : vector<2048x128xbf16>, vector<128x128xbf16>, vector<2048x128xf32> -> vector<2048x128xf32>
    %get3A_11 = arith.constant 0 : index
    %get3A_12 = arith.constant 0 : index
    %get3A_13 = vector.load %arg4[%get3A_11, %get3A_12] : memref<1x128xf32, #tpu.memory_space<vmem>>, vector<1x128xf32>
    %add3A = vector.broadcast %get3A_13 : vector<1x128xf32> to vector<2048x128xf32>
    %add3A_14 = arith.addf %dot_general3A_10, %add3A : vector<2048x128xf32>
    %max3A = arith.constant 0.000000e+00 : f32
    %max3A_15 = vector.broadcast %max3A : f32 to vector<2048x128xf32>
    %max3A_16 = arith.maximumf %add3A_14, %max3A_15 : vector<2048x128xf32>
    %convert_element_type3A_17 = arith.truncf %max3A_16 : vector<2048x128xf32> to vector<2048x128xbf16>
    %dot_general3A_18 = arith.constant dense<0.000000e+00> : vector<2048x128xf32>
    %dot_general3A_19 = tpu.matmul %convert_element_type3A_17, %convert_element_type3A_9, %dot_general3A_18 {dimension_numbers = #tpu.dot_dimension_numbers<[1], [0], [0], [1], [0, 0, 1, 1], [], []>, transpose_lhs_hint = false} : vector<2048x128xbf16>, vector<128x128xbf16>, vector<2048x128xf32> -> vector<2048x128xf32>
    %get3A_20 = arith.constant 0 : index
    %get3A_21 = arith.constant 0 : index
    %get3A_22 = vector.load %arg6[%get3A_20, %get3A_21] : memref<1x128xf32, #tpu.memory_space<vmem>>, vector<1x128xf32>
    %add3A_23 = vector.broadcast %get3A_22 : vector<1x128xf32> to vector<2048x128xf32>
    %add3A_24 = arith.addf %dot_general3A_19, %add3A_23 : vector<2048x128xf32>
    %max3A_25 = arith.constant 0.000000e+00 : f32
    %max3A_26 = vector.broadcast %max3A_25 : f32 to vector<2048x128xf32>
    %max3A_27 = arith.maximumf %add3A_24, %max3A_26 : vector<2048x128xf32>
    %swap3A = arith.constant 0 : index
    %swap3A_28 = arith.constant 0 : index
    %swap3A_29 = vector.load %arg7[%swap3A, %swap3A_28] : memref<2048x128xf32, #tpu.memory_space<vmem>>, vector<2048x128xf32>
    tpu.vector_store %arg7[%swap3A, %swap3A_28], %max3A_27 {strides = array<i32>} : memref<2048x128xf32, #tpu.memory_space<vmem>>, vector<2048x128xf32>,
    return
  }
  func.func @transform_1(%arg0: i32) -> (i32, i32) {
    %c0_i32 = arith.constant 0 : i32
    %c0_i32_0 = arith.constant 0 : i32
    return %arg0, %c0_i32 : i32, i32
  }
  func.func @transform_2(%arg0: i32) -> (i32, i32) {
    %c0_i32 = arith.constant 0 : i32
    %c0_i32_0 = arith.constant 0 : i32
    %c0_i32_1 = arith.constant 0 : i32
    return %c0_i32, %c0_i32_0 : i32, i32
  }
  func.func @transform_3(%arg0: i32) -> (i32, i32) {
    %c0_i32 = arith.constant 0 : i32
    %c0_i32_0 = arith.constant 0 : i32
    %c0_i32_1 = arith.constant 0 : i32
    return %c0_i32, %c0_i32_0 : i32, i32
  }
  func.func @transform_4(%arg0: i32) -> (i32, i32) {
    %c0_i32 = arith.constant 0 : i32
    %c0_i32_0 = arith.constant 0 : i32
    %c0_i32_1 = arith.constant 0 : i32
    return %c0_i32, %c0_i32_0 : i32, i32
  }
  func.func @transform_5(%arg0: i32) -> (i32, i32) {
    %c0_i32 = arith.constant 0 : i32
    %c0_i32_0 = arith.constant 0 : i32
    %c0_i32_1 = arith.constant 0 : i32
    return %c0_i32, %c0_i32_0 : i32, i32
  }
  func.func @transform_6(%arg0: i32) -> (i32, i32) {
    %add3A = arith.constant 80 : i32
    %add3A_0 = arith.addi %arg0, %add3A : i32
    %c0_i32 = arith.constant 0 : i32
    %c0_i32_1 = arith.constant 0 : i32
    return %add3A_0, %c0_i32 : i32, i32
  }
}

</mosaic_0001>

<sc_bundles>
// kernel: kernel.12.cloned.1.call-start
scs
__scs_entry_jumppad:
0x0: {  	(pc) =	sbr.rel $0x88, $3  }
0x1: {  	(tag) =	ssettag $0x0;
	lr =	simm.s32 $0x1  }
0x2: {  	[smem:$0x3F9B] =	sst lr;
	_ =	strace $0xD0000000  }
0x3: {  	_ = 	snop  }
0x4: {  	_ = 	snop  }
0x5: {  	_ = 	snop  }
0x6: {  	_ = 	snop  }
0x7: {  	_ = 	snop  }
__scs_overlays_trampoline_lowered:
0x8: {  	[smem:$0x3FAA] =	sst s0  }
0x9: {  	[smem:$0x3FAB] =	sst s1  }
0xa: {  	[smem:$0x3FAC] =	sst s2  }
0xb: {  	[smem:$0x3FAD] =	sst s3  }
0xc: {  	[smem:$0x3FAE] =	sst s4  }
0xd: {  	[smem:$0x3FAF] =	sst s5  }
0xe: {  	[smem:$0x3FB0] =	sst s6  }
0xf: {  	[smem:$0x3FB1] =	sst s7  }
0x10: {  	[smem:$0x3FB2] =	sst s8  }
0x11: {  	[smem:$0x3FB3] =	sst s9;
	s0 =	simm.s32 @!p0 $0x0  }
0x12: {  	s1 =	sld [smem:$0x3F99];
	s0 =	simm.s32 @p0 $0x1  }
0x13: {  	[smem:$0x3FB4] =	sst s0;
	s0 =	simm.s32 @!p1 $0x0  }
0x14: {  	s2 =	sld [smem:$0x3F98];
	s0 =	simm.s32 @p1 $0x1  }
0x15: {  	[smem:$0x3FB5] =	sst s0;
	s0 =	simm.s32 @!p2 $0x0  }
0x16: {  	s3 =	sld [smem:$0x3FDB];
	s0 =	simm.s32 @p2 $0x1  }
0x17: {  	s4 =	simm.s32 $0x1BF5;
	[smem:$0x3FB7] =	sst s0  }
0x18: {  	s0 =	sld [smem:$0x3F9A];
	_ =	swait.ge [sflag:s4], $0x0  }
0x19: {  	s7 =	sld [smem:$0x3F9B]  }
0x1a: {  	s8 =	sadd.s32 $0xFFFFE003, lr  }
0x1b: {  	s9 =	sadd.s32 $0xFFFFFEF7, lr;
	s5 =	simm.s32 $0xFFFFFFFF;
	p2 =	slt.u32 s8, $0xFFFFF086  }
0x1c: {  	p1 =	slt.u32 s9, $0xF7A;
	s5 =	simm.s32 @!p2 $0x0  }
0x1d: {  	s5 =	simm.s32 @p1 $0x1;
	p0 =	seq.s32 s7, s2  }
0x1e: {  	s7 =	smul.u32 @!p0 $0xF7A, s2;
	p2 =	seq.s32 @!p0 s5, $0x0  }
0x1f: {  	s9 =	smul.u32 $0xF7A, s1;
	s8 =	simm.s32 @!p0 $0x1BF5;
	p2 =	por !p2, p0  }
0x20: {  	[sflag:s8] =	ssyncset.s32 @!p0 $0xFFFFF086;
	s6 =	sadd.s32 @!p0 s3, s7;
	s7 =	simm.s32 @!p0 $0x108  }
0x21: {  	s3 =	sadd.s32 s3, s9;
	s6 =	sadd.s32 @!p0 $0x88, s6;
	s7 =	simm.s32 @p2 $0x1082  }
0x22: {  	[simem:s7], [sflag:s8] =	dma.local @!p0 [hbm:s6], $0xF7A  }
0x23: {  	s9 =	sor.u32 $0xD0000000, s2;
	s6 =	simm.s32 $0x108;
	_ =	swait.ge @!p0 [sflag:s8], $0x0  }
0x24: {  	s3 =	sadd.s32 $0x88, s3;
	s6 =	simm.s32 @!p1 $0x1082;
	[sflag:s4] =	ssyncset.s32 $0xFFFFF086  }
0x25: {  	[simem:s6], [sflag:s4] =	dma.local [hbm:s3], $0xF7A  }
0x26: {  	[smem:$0x3F9B] =	sst s1;
	(tag) =	ssettag s2;
	_ =	strace s9  }
0x27: {  	s1 =	sld [smem:$0x3FAB]  }
0x28: {  	s2 =	sld [smem:$0x3FAC]  }
0x29: {  	s4 =	sld [smem:$0x3FAE]  }
0x2a: {  	p0 =	seq.s32 s5, $0x0;
	s5 =	sld [smem:$0x3FAF]  }
0x2b: {  	s6 =	sld [smem:$0x3FB0]  }
0x2c: {  	s7 =	sld [smem:$0x3FB1]  }
0x2d: {  	s3 =	simm.s32 $0x108;
	s8 =	sld [smem:$0x3FB2]  }
0x2e: {  	s3 =	simm.s32 @!p0 $0x1082;
	s9 =	sld [smem:$0x3FB3]  }
0x2f: {  	lr =	sadd.s32 s0, s3;
	s0 =	sld [smem:$0x3FAA]  }
0x30: {  	s3 =	sld [smem:$0x3FAD]  }
0x31: {  	[smem:$0x3FB6] =	sst s10  }
0x32: {  	s10 =	sld [smem:$0x3FB4];
	_ =	sdelay $0x3  }
0x33: {  	p0 =	seq.s32 s10, $0x1;
	s10 =	sld [smem:$0x3FB6];
	_ =	sdelay $0x3  }
0x34: {  	[smem:$0x3FB6] =	sst s10  }
0x35: {  	s10 =	sld [smem:$0x3FB5];
	_ =	sdelay $0x3  }
0x36: {  	p1 =	seq.s32 s10, $0x1;
	s10 =	sld [smem:$0x3FB6];
	_ =	sdelay $0x3  }
0x37: {  	[smem:$0x3FB6] =	sst s10  }
0x38: {  	s10 =	sld [smem:$0x3FB7]  }
0x39: {  	_ = 	snop;
	(pc) =	sbr.ind lr, $3  }
0x3a: {  	_ = 	snop  }
0x3b: {  	_ = 	snop  }
0x3c: {  	p2 =	seq.s32 s10, $0x1;
	s10 =	sld [smem:$0x3FB6]  }
0x3d: {  	_ =	shalt  }
0x3e: {  	_ =	shalt  }
0x3f: {  	_ =	shalt  }
0x40: {  	_ =	shalt  }
0x41: {  	_ =	shalt  }
0x42: {  	_ =	shalt  }
0x43: {  	_ =	shalt  }
0x44: {  	_ =	shalt  }
0x45: {  	_ =	shalt  }
0x46: {  	_ =	shalt  }
0x47: {  	_ =	shalt  }
0x48: {  	_ =	shalt  }
0x49: {  	_ =	shalt  }
0x4a: {  	_ =	shalt  }
0x4b: {  	_ =	shalt  }
0x4c: {  	_ =	shalt  }
0x4d: {  	_ =	shalt  }
0x4e: {  	_ =	shalt  }
0x4f: {  	_ =	shalt  }
0x50: {  	_ =	shalt  }
0x51: {  	_ =	shalt  }
0x52: {  	_ =	shalt  }
0x53: {  	_ =	shalt  }
0x54: {  	_ =	shalt  }
0x55: {  	_ =	shalt  }
0x56: {  	_ =	shalt  }
0x57: {  	_ =	shalt  }
0x58: {  	_ =	shalt  }
0x59: {  	_ =	shalt  }
0x5a: {  	_ =	shalt  }
0x5b: {  	_ =	shalt  }
0x5c: {  	_ =	shalt  }
0x5d: {  	_ =	shalt  }
0x5e: {  	_ =	shalt  }
0x5f: {  	_ =	shalt  }
0x60: {  	_ =	shalt  }
0x61: {  	_ =	shalt  }
0x62: {  	_ =	shalt  }
0x63: {  	_ =	shalt  }
0x64: {  	_ =	shalt  }
0x65: {  	_ =	shalt  }
0x66: {  	_ =	shalt  }
0x67: {  	_ =	shalt  }
0x68: {  	_ =	shalt  }
0x69: {  	_ =	shalt  }
0x6a: {  	_ =	shalt  }
0x6b: {  	_ =	shalt  }
0x6c: {  	_ =	shalt  }
0x6d: {  	_ =	shalt  }
0x6e: {  	_ =	shalt  }
0x6f: {  	_ =	shalt  }
0x70: {  	_ =	shalt  }
0x71: {  	_ =	shalt  }
0x72: {  	_ =	shalt  }
0x73: {  	_ =	shalt  }
0x74: {  	_ =	shalt  }
0x75: {  	_ =	shalt  }
0x76: {  	_ =	shalt  }
0x77: {  	_ =	shalt  }
0x78: {  	_ =	shalt  }
0x79: {  	_ =	shalt  }
0x7a: {  	_ =	shalt  }
0x7b: {  	_ =	shalt  }
0x7c: {  	_ =	shalt  }
0x7d: {  	_ =	shalt  }
0x7e: {  	_ =	shalt  }
0x7f: {  	_ =	shalt  }
0x80: {  	_ =	shalt  }
0x81: {  	_ =	shalt  }
0x82: {  	_ =	shalt  }
0x83: {  	_ =	shalt  }
0x84: {  	_ =	shalt  }
0x85: {  	_ =	shalt  }
0x86: {  	_ =	shalt  }
0x87: {  	_ =	shalt  }
.Lfunc_end0:
.L_simem_size_0:
called_computation_lowered:
.L_overlay_start_0:
0x88: {  	s2 =	sld [smem:$0x3FD9]  }
0x89: {  	s3 =	sld [smem:$0x3FFE];
	_ =	sdelay $0x1  }
0x8a: {  	s1 =	srdreg.scid  }
0x8b: {  	s0 =	sand.u32 $0x1, s1  }
0x8c: {  	s17 =	sshll.u32 s0, $0xA;
	s2 =	sadd.s32 s3, s2  }
0x8d: {  	s2 =	sadd.s32 s2, s17  }
0x8e: {  	[smem:$0x3FC2] =	sst s2  }
0x8f: {  	_ = 	snop  }
0x90: {  	s2 =	sld [smem:$0x3FC8]  }
0x91: {  	s18 =	sld [smem:$0x3FD0];
	(tm) =	ssettm $0x1  }
0x92: {  	s4 =	sld [smem:$0x3FFB];
	_ =	sdelay $0x3  }
0x93: {  	_ =	strace s4  }
0x94: {  	s4 =	sld [smem:$0x3FFC];
	_ =	sdelay $0x3  }
0x95: {  	_ =	strace s4  }
0x96: {  	s4 =	sld [smem:$0x3FFD];
	_ =	sdelay $0x3  }
0x97: {  	_ =	strace s4  }
0x98: {  	_ =	strace $0x8FFFFFFF  }
0x99: {  	s19 =	sld [smem:$0x3FDB];
	_ =	sdelay $0x1  }
0x9a: {  	s5 =	simm.s32 $_scs_section_size  }
0x9b: {  	s6 =	simm.s32 $_size__tile_overlayer_lowered;
	s7 =	simm.s32 $_tile_overlayer_lowered  }
0x9c: {  	s22 =	simm.s32 $0x1BFF;
	s21 =	sshll.u32 s7, $0x1;
	s4 =	sadd.s32 s5, s19  }
0x9d: {  	s8 =	simm.s32 $0x0;
	s20 =	sshll.u32 s6, $0x1;
	s6 =	sadd.s32 s21, s4  }
0x9e: {  	[timem:s8], [sflag:s22] =	dma.local [hbm:s6], s20  }
0x9f: {  	_ =	swait.ge [sflag:s22], s20  }
0xa0: {  	s5 =	ssub.s32 $0x0, s20;
	[sflag:s22] =	ssyncset.done $0x0  }
0xa1: {  	[sflag:s22] =	ssyncadd.s32 s5;
	_ =	sdelay $0x1  }
0xa2: {  	s23 =	simm.s32 $0x1B8B  }
0xa3: {  	_ =	swait.ge [sflag:s23], $0x1  }
0xa4: {  	[sflag:s23] =	ssyncset.done $0x0  }
0xa5: {  	s25 =	simm.s32 $0x1B8E;
	s24 =	sld [smem:$0x3FFE];
	[sflag:s23] =	ssyncadd.s32 $0xFFFFFFFF  }
0xa6: {  	s26 =	simm.s32 $execute0_lowered;
	[smem:$0x3FD2] =	sst s25  }
0xa7: {  	s6 =	sshll.u32 s26, $0x1;
	_ =	strace $0x80000046;
	[dreg:$0x1] =	wrdreg $0xFFFFFFFF  }
0xa8: {  	s28 =	simm.s32 $_size_execute0_lowered;
	s4 =	sadd.s32 s4, s6;
	[dreg:$0x0] =	wrdreg $0x0  }
0xa9: {  	s6 =	sshll.u32 s28, $0x1;
	[dreg:$0x2] =	wrdreg s4  }
0xaa: {  	[dreg:$0x3] =	wrdreg s6  }
0xab: {  	[dreg:$0x4] =	wrdreg $0xC0  }
0xac: {  	_ =	task [dreg:s8], $0x5FFFF  }
0xad: {  	[dreg:$0x1] =	wrdreg $0xFFFFFFFF  }
0xae: {  	[dreg:$0x0] =	wrdreg $0x60  }
0xaf: {  	[dreg:$0x2] =	wrdreg s24  }
0xb0: {  	[dreg:$0x3] =	wrdreg s2  }
0xb1: {  	[dreg:$0x4] =	wrdreg s18  }
0xb2: {  	[dreg:$0x5] =	wrdreg $0x9  }
0xb3: {  	_ =	task.clear_ibuf [dreg:s8], $0x6FFFF;
	_ =	strace $0x90000046  }
0xb4: {  	s29 =	simm.s32 $0x9;
	_ =	strace $0x80000048  }
0xb5: {  	_ =	swait.ge [sflag:s29], $0x1  }
0xb6: {  	[sflag:s29] =	ssyncadd.s32 $0xFFFFFFFF  }
0xb7: {  	_ =	strace $0x90000048  }
0xb8: {  	_ =	sfence  }
0xb9: {  	s30 =	sld [smem:$0x0];
	_ =	sdelay $0x2  }
0xba: {  	s31 =	sshll.u32 s1, $0xD;
	s1 =	sshrl.u32 s1, $0x2  }
0xbb: {  	s3 =	sand.u32 $0x4000, s31;
	s1 =	sadd.s32 s1, s30  }
0xbc: {  	s0 =	sor.u32 s3, s0;
	s1 =	sshll.u32 s1, $0x11  }
0xbd: {  	s0 =	sor.u32 s1, s0  }
0xbe: {  	s0 =	sadd.s32 $0x8F2B, s0  }
0xbf: {  	[sflag:s0] =	ssyncadd.remote.s32 $0x1  }
0xc0: {  	_ =	sfence.sel $0xFFFF  }
0xc1: {  	[dreg:$0x0] =	wrdreg $0xFFFFFFFF;
	(pc) =	sbr.abs _section_cstart, $3  }
0xc2: {  	[dreg:$0x1] =	wrdreg $0xFFFFFFFF  }
0xc3: {  	_ =	task.clear_ibuf [dreg:s8], $0x2FFFF;
	_ =	strace $0x9FFFFFFF  }
0xc4: {  	(tm) =	ssettm $0x7FFFFFFF  }
0xc5: {  	_ =	shalt  }
tec
execute0_lowered:
.L_overlay_start_1:
0x0: {  	(tag) =	ssettag $0x1  }
0x1: {  	s1 =	srdreg.scid;
	s0 =	stileid.u32  }
0x2: {  	s4 =	rddreg [dreg:$0x0];
	s21 =	sand.u32 $0x1, s1;
	s31 =	sshll.u32 s0, $0x1  }
0x3: {  	s2 =	rddreg [dreg:$0x1];
	s13 =	sor.u32 s21, s31  }
0x4: {  	s14 =	rddreg [dreg:$0x2];
	s5 =	smul.u32 $0xA0, s13  }
0x5: {  	s3 =	simm.s32 $0x0;
	s1 =	rddreg [dreg:$0x3]  }
0x6: {  	[smem:$0x7FF] =	sst s3;
	s4 =	sadd.s32 s5, s4  }
0x7: {  	_ =	strace $0x80000047;
	s5 =	simm.s32 $0x7;
	s4 =	sadd.s32 $0x2A00, s4  }
0x8: {  	[tilespmem:s3], [sflag:$0x7] =	stream.linear.gather [hbm4b:s4+s3], $0x500, $0x38;
	[tilespmem:$0x1E500] =	vst v63  }
0x9: {  	_ =	swait.ge [sflag:s5], $0x500  }
0xa: {  	[sflag:s5] =	ssyncset.done $0x0  }
0xb: {  	s6 =	simm.s32 $0x140;
	s7 =	simm.s32 $0x500;
	[sflag:s5] =	ssyncadd.s32 $0xFFFFFB00  }
0xc: {  	[tilespmem:s7], [sflag:$0x1] =	stream.indirect.gather [hbm4b:s2+s6], $0x80, s3, s6, $0xb8;
	[tilespmem:$0x1E500] =	vst v63  }
0xd: {  	s8 =	simm.s32 $0xA500  }
0xe: {  	[tilespmem:s8], [sflag:$0x2] =	stream.indirect.gather [hbm4b:s2+s6], $0x80, s6, s6, $0xb8;
	[tilespmem:$0x1E500] =	vst v63  }
0xf: {  	s9 =	simm.s32 $0x280;
	s10 =	simm.s32 $0x14500;
	s11 =	simm.s32 $0x1  }
0x10: {  	[tilespmem:s10], [sflag:$0x3] =	stream.indirect.gather [hbm4b:s2+s6], $0x80, s9, s6, $0xb8;
	[tilespmem:$0x1E500] =	vst v63  }
0x11: {  	s12 =	smul.u32 $0x5000, s13;
	_ =	swait.ge [sflag:s11], $0xA000  }
0x12: {  	s15 =	smul.u32 $0x28000, s13;
	[sflag:s11] =	ssyncset.done $0x0  }
0x13: {  	s13 =	simm.s32 $0x2;
	s12 =	sadd.s32 s14, s12;
	[sflag:s11] =	ssyncadd.s32 $0xFFFF6000  }
0x14: {  	[hbm4b:s12+s3] =	stream.linear.scatter [tilespmem:s7], [sflag:$0x4], $0xA000, $0x38;
	[tilespmem:$0x1E500] =	vst v63  }
0x15: {  	s15 =	sshrl.u32 s15, $0x3;
	_ =	swait.ge [sflag:s13], $0xA000  }
0x16: {  	s19 =	sadd.s32 s14, s15;
	[sflag:s13] =	ssyncset.done $0x0  }
0x17: {  	s14 =	simm.s32 $0x4;
	s15 =	sadd.s32 $0x1400, s19;
	[sflag:s13] =	ssyncadd.s32 $0xFFFF6000  }
0x18: {  	[hbm4b:s15+s3] =	stream.linear.scatter [tilespmem:s8], [sflag:$0x5], $0xA000, $0x38;
	[tilespmem:$0x1E500] =	vst v63  }
0x19: {  	_ =	swait.ge [sflag:s14], $0xA000  }
0x1a: {  	[sflag:s14] =	ssyncset.done $0x0  }
0x1b: {  	s16 =	simm.s32 $0x3C0;
	s17 =	simm.s32 $0x3;
	[sflag:s14] =	ssyncadd.s32 $0xFFFF6000  }
0x1c: {  	[tilespmem:s7], [sflag:$0x1] =	stream.indirect.gather [hbm4b:s2+s6], $0x80, s16, s6, $0xb8;
	[tilespmem:$0x1E500] =	vst v63  }
0x1d: {  	_ =	swait.ge [sflag:s17], $0xA000  }
0x1e: {  	[sflag:s17] =	ssyncset.done $0x0  }
0x1f: {  	s18 =	sadd.s32 $0x2800, s19;
	[sflag:s17] =	ssyncadd.s32 $0xFFFF6000  }
0x20: {  	[hbm4b:s18+s3] =	stream.linear.scatter [tilespmem:s10], [sflag:$0x6], $0xA000, $0x38;
	[tilespmem:$0x1E500] =	vst v63  }
0x21: {  	_ =	swait.ge [sflag:s11], $0xA000  }
0x22: {  	s20 =	simm.s32 $0x5;
	s22 =	ssub.s32 $0x2, s21;
	[sflag:s11] =	ssyncset.done $0x0  }
0x23: {  	s23 =	sshrl.u32 s22, $0x1;
	s19 =	sadd.s32 $0x3C00, s19;
	[sflag:s11] =	ssyncadd.s32 $0xFFFF6000  }
0x24: {  	[hbm4b:s19+s3] =	stream.linear.scatter [tilespmem:s7], [sflag:$0x4], $0xA000, $0x38;
	[tilespmem:$0x1E500] =	vst v63  }
0x25: {  	s22 =	ssub.s32 s22, s23;
	_ =	swait.ge [sflag:s20], $0xA000  }
0x26: {  	s22 =	smax.u32 s22, $0x1;
	[sflag:s20] =	ssyncset.done $0x0  }
0x27: {  	s21 =	simm.s32 $0x6;
	p0 =	sne.s32 s22, $0x1;
	[sflag:s20] =	ssyncadd.s32 $0xFFFF6000  }
.Ltmp0:
0x28: {  	_ =	swait.ge [sflag:s21], $0xA000;
	(pc) =	sbr.rel @!p0 .LBB2_2-.Ltmp0, $4  }
0x29: {  	[sflag:s21] =	ssyncset.done $0x0  }
0x2a: {  	[sflag:s21] =	ssyncadd.s32 $0xFFFF6000  }
0x2b: {  	_ =	swait.ge [sflag:s14], $0xA000  }
0x2c: {  	s22 =	sadd.s32 $0xFFFFFFFF, s22;
	[sflag:s14] =	ssyncset.done $0x0  }
.LBB2_1:
0x2d: {  	p0 =	sne.s32 s22, $0x1;
	s22 =	sadd.s32 $0xFFFFFFFF, s22;
	[sflag:s14] =	ssyncadd.s32 $0xFFFF6000  }
0x2e: {  	[tilespmem:s3], [sflag:$0x7] =	stream.linear.gather [hbm4b:s4+s3], $0x500, $0x38;
	[tilespmem:$0x1E500] =	vst v63  }
0x2f: {  	_ =	swait.ge [sflag:s5], $0x500  }
0x30: {  	[sflag:s5] =	ssyncset.done $0x0  }
0x31: {  	[sflag:s5] =	ssyncadd.s32 $0xFFFFFB00  }
0x32: {  	[tilespmem:s7], [sflag:$0x1] =	stream.indirect.gather [hbm4b:s2+s6], $0x80, s3, s6, $0xb8;
	[tilespmem:$0x1E500] =	vst v63  }
0x33: {  	_ = 	snop  }
0x34: {  	[tilespmem:s8], [sflag:$0x2] =	stream.indirect.gather [hbm4b:s2+s6], $0x80, s6, s6, $0xb8;
	[tilespmem:$0x1E500] =	vst v63  }
0x35: {  	_ = 	snop  }
0x36: {  	[tilespmem:s10], [sflag:$0x3] =	stream.indirect.gather [hbm4b:s2+s6], $0x80, s9, s6, $0xb8;
	[tilespmem:$0x1E500] =	vst v63  }
0x37: {  	_ =	swait.ge [sflag:s11], $0xA000  }
0x38: {  	[sflag:s11] =	ssyncset.done $0x0  }
0x39: {  	[sflag:s11] =	ssyncadd.s32 $0xFFFF6000  }
0x3a: {  	[hbm4b:s12+s3] =	stream.linear.scatter [tilespmem:s7], [sflag:$0x4], $0xA000, $0x38;
	[tilespmem:$0x1E500] =	vst v63  }
0x3b: {  	_ =	swait.ge [sflag:s13], $0xA000  }
0x3c: {  	[sflag:s13] =	ssyncset.done $0x0  }
0x3d: {  	[sflag:s13] =	ssyncadd.s32 $0xFFFF6000  }
0x3e: {  	[hbm4b:s15+s3] =	stream.linear.scatter [tilespmem:s8], [sflag:$0x5], $0xA000, $0x38;
	[tilespmem:$0x1E500] =	vst v63  }
0x3f: {  	_ =	swait.ge [sflag:s14], $0xA000  }
0x40: {  	[sflag:s14] =	ssyncset.done $0x0  }
0x41: {  	[sflag:s14] =	ssyncadd.s32 $0xFFFF6000  }
0x42: {  	[tilespmem:s7], [sflag:$0x1] =	stream.indirect.gather [hbm4b:s2+s6], $0x80, s16, s6, $0xb8;
	[tilespmem:$0x1E500] =	vst v63  }
0x43: {  	_ =	swait.ge [sflag:s17], $0xA000  }
0x44: {  	[sflag:s17] =	ssyncset.done $0x0  }
0x45: {  	[sflag:s17] =	ssyncadd.s32 $0xFFFF6000  }
0x46: {  	[hbm4b:s18+s3] =	stream.linear.scatter [tilespmem:s10], [sflag:$0x6], $0xA000, $0x38;
	[tilespmem:$0x1E500] =	vst v63  }
0x47: {  	_ =	swait.ge [sflag:s11], $0xA000  }
0x48: {  	[sflag:s11] =	ssyncset.done $0x0  }
0x49: {  	[sflag:s11] =	ssyncadd.s32 $0xFFFF6000  }
0x4a: {  	[hbm4b:s19+s3] =	stream.linear.scatter [tilespmem:s7], [sflag:$0x4], $0xA000, $0x38;
	[tilespmem:$0x1E500] =	vst v63  }
0x4b: {  	_ =	swait.ge [sflag:s20], $0xA000  }
0x4c: {  	[sflag:s20] =	ssyncset.done $0x0  }
0x4d: {  	[sflag:s20] =	ssyncadd.s32 $0xFFFF6000  }
.Ltmp1:
0x4e: {  	_ =	swait.ge [sflag:s21], $0xA000;
	(pc) =	sbr.rel @p0 .LBB2_1-.Ltmp1, $4  }
0x4f: {  	[sflag:s21] =	ssyncset.done $0x0  }
0x50: {  	[sflag:s21] =	ssyncadd.s32 $0xFFFF6000  }
0x51: {  	_ =	swait.ge [sflag:s14], $0xA000  }
0x52: {  	[sflag:s14] =	ssyncset.done $0x0  }
.LBB2_2:
0x53: {  	[sflag:s14] =	ssyncadd.s32 $0xFFFF6000  }
0x54: {  	_ =	sfence.sel $0x180000  }
0x55: {  	[bflag:$0x0] =	sbarrier.arrive $0xFFFF  }
0x56: {  	p0 =	sne.s32 s0, $0x0;
	_ =	strace $0x90000047  }
0x57: {  	s0 =	sadd.s32 @!p0 $0x100000, s1;
	[bflag:$0x2] =	sbarrier.arrive $0xFFFF  }
0x58: {  	[sflag:s0] =	ssyncadd.tile.s32 @!p0 $0x1;
	_ =	shalt  }
.Lfunc_end2:
_tile_overlayer_lowered:
.L_overlay_start_2:
0x59: {  	(tag) =	ssettag $0x2  }
0x5a: {  	s0 =	rddreg [dreg:$0x0];
	s2 =	stileid.u32  }
0x5b: {  	s1 =	rddreg [dreg:$0x1];
	p0 =	sne.s32 s2, $0x0  }
0x5c: {  	s3 =	rddreg [dreg:$0x2];
	[bflag:$0x3] =	sbarrier.arrive $0xFFFF;
	s2 =	simm.s32 @!p0 $0x1C07  }
0x5d: {  	[timem:s3], [sflag:s2] =	dma.local @!p0 [hbm:s0], s1  }
0x5e: {  	s0 =	simm.s32 @!p0 $0x7  }
0x5f: {  	_ =	swait.ge @!p0 [sflag:s0], s1  }
0x60: {  	s1 =	ssub.s32 @!p0 $0x0, s1;
	[sflag:s0] =	ssyncset.done @!p0 $0x0  }
0x61: {  	[sflag:s0] =	ssyncadd.s32 @!p0 s1  }
0x62: {  	[bflag:$0x3] =	sbarrier.arrive $0xFFFF  }
0x63: {  	_ =	shalt  }

// kernel: kernel.15.cloned.1.call-start
scs
__scs_entry_jumppad:
0x0: {  	(pc) =	sbr.rel $0x88, $3  }
0x1: {  	(tag) =	ssettag $0x0;
	lr =	simm.s32 $0x1  }
0x2: {  	[smem:$0x3F9B] =	sst lr;
	_ =	strace $0xD0000000  }
0x3: {  	_ = 	snop  }
0x4: {  	_ = 	snop  }
0x5: {  	_ = 	snop  }
0x6: {  	_ = 	snop  }
0x7: {  	_ = 	snop  }
__scs_overlays_trampoline_lowered:
0x8: {  	[smem:$0x3FAA] =	sst s0  }
0x9: {  	[smem:$0x3FAB] =	sst s1  }
0xa: {  	[smem:$0x3FAC] =	sst s2  }
0xb: {  	[smem:$0x3FAD] =	sst s3  }
0xc: {  	[smem:$0x3FAE] =	sst s4  }
0xd: {  	[smem:$0x3FAF] =	sst s5  }
0xe: {  	[smem:$0x3FB0] =	sst s6  }
0xf: {  	[smem:$0x3FB1] =	sst s7  }
0x10: {  	[smem:$0x3FB2] =	sst s8  }
0x11: {  	[smem:$0x3FB3] =	sst s9;
	s0 =	simm.s32 @!p0 $0x0  }
0x12: {  	s1 =	sld [smem:$0x3F99];
	s0 =	simm.s32 @p0 $0x1  }
0x13: {  	[smem:$0x3FB4] =	sst s0;
	s0 =	simm.s32 @!p1 $0x0  }
0x14: {  	s2 =	sld [smem:$0x3F98];
	s0 =	simm.s32 @p1 $0x1  }
0x15: {  	[smem:$0x3FB5] =	sst s0;
	s0 =	simm.s32 @!p2 $0x0  }
0x16: {  	s3 =	sld [smem:$0x3FDB];
	s0 =	simm.s32 @p2 $0x1  }
0x17: {  	s4 =	simm.s32 $0x1BF5;
	[smem:$0x3FB7] =	sst s0  }
0x18: {  	s0 =	sld [smem:$0x3F9A];
	_ =	swait.ge [sflag:s4], $0x0  }
0x19: {  	s7 =	sld [smem:$0x3F9B]  }
0x1a: {  	s8 =	sadd.s32 $0xFFFFE003, lr  }
0x1b: {  	s9 =	sadd.s32 $0xFFFFFEF7, lr;
	s5 =	simm.s32 $0xFFFFFFFF;
	p2 =	slt.u32 s8, $0xFFFFF086  }
0x1c: {  	p1 =	slt.u32 s9, $0xF7A;
	s5 =	simm.s32 @!p2 $0x0  }
0x1d: {  	s5 =	simm.s32 @p1 $0x1;
	p0 =	seq.s32 s7, s2  }
0x1e: {  	s7 =	smul.u32 @!p0 $0xF7A, s2;
	p2 =	seq.s32 @!p0 s5, $0x0  }
0x1f: {  	s9 =	smul.u32 $0xF7A, s1;
	s8 =	simm.s32 @!p0 $0x1BF5;
	p2 =	por !p2, p0  }
0x20: {  	[sflag:s8] =	ssyncset.s32 @!p0 $0xFFFFF086;
	s6 =	sadd.s32 @!p0 s3, s7;
	s7 =	simm.s32 @!p0 $0x108  }
0x21: {  	s3 =	sadd.s32 s3, s9;
	s6 =	sadd.s32 @!p0 $0x88, s6;
	s7 =	simm.s32 @p2 $0x1082  }
0x22: {  	[simem:s7], [sflag:s8] =	dma.local @!p0 [hbm:s6], $0xF7A  }
0x23: {  	s9 =	sor.u32 $0xD0000000, s2;
	s6 =	simm.s32 $0x108;
	_ =	swait.ge @!p0 [sflag:s8], $0x0  }
0x24: {  	s3 =	sadd.s32 $0x88, s3;
	s6 =	simm.s32 @!p1 $0x1082;
	[sflag:s4] =	ssyncset.s32 $0xFFFFF086  }
0x25: {  	[simem:s6], [sflag:s4] =	dma.local [hbm:s3], $0xF7A  }
0x26: {  	[smem:$0x3F9B] =	sst s1;
	(tag) =	ssettag s2;
	_ =	strace s9  }
0x27: {  	s1 =	sld [smem:$0x3FAB]  }
0x28: {  	s2 =	sld [smem:$0x3FAC]  }
0x29: {  	s4 =	sld [smem:$0x3FAE]  }
0x2a: {  	p0 =	seq.s32 s5, $0x0;
	s5 =	sld [smem:$0x3FAF]  }
0x2b: {  	s6 =	sld [smem:$0x3FB0]  }
0x2c: {  	s7 =	sld [smem:$0x3FB1]  }
0x2d: {  	s3 =	simm.s32 $0x108;
	s8 =	sld [smem:$0x3FB2]  }
0x2e: {  	s3 =	simm.s32 @!p0 $0x1082;
	s9 =	sld [smem:$0x3FB3]  }
0x2f: {  	lr =	sadd.s32 s0, s3;
	s0 =	sld [smem:$0x3FAA]  }
0x30: {  	s3 =	sld [smem:$0x3FAD]  }
0x31: {  	[smem:$0x3FB6] =	sst s10  }
0x32: {  	s10 =	sld [smem:$0x3FB4];
	_ =	sdelay $0x3  }
0x33: {  	p0 =	seq.s32 s10, $0x1;
	s10 =	sld [smem:$0x3FB6];
	_ =	sdelay $0x3  }
0x34: {  	[smem:$0x3FB6] =	sst s10  }
0x35: {  	s10 =	sld [smem:$0x3FB5];
	_ =	sdelay $0x3  }
0x36: {  	p1 =	seq.s32 s10, $0x1;
	s10 =	sld [smem:$0x3FB6];
	_ =	sdelay $0x3  }
0x37: {  	[smem:$0x3FB6] =	sst s10  }
0x38: {  	s10 =	sld [smem:$0x3FB7]  }
0x39: {  	_ = 	snop;
	(pc) =	sbr.ind lr, $3  }
0x3a: {  	_ = 	snop  }
0x3b: {  	_ = 	snop  }
0x3c: {  	p2 =	seq.s32 s10, $0x1;
	s10 =	sld [smem:$0x3FB6]  }
0x3d: {  	_ =	shalt  }
0x3e: {  	_ =	shalt  }
0x3f: {  	_ =	shalt  }
0x40: {  	_ =	shalt  }
0x41: {  	_ =	shalt  }
0x42: {  	_ =	shalt  }
0x43: {  	_ =	shalt  }
0x44: {  	_ =	shalt  }
0x45: {  	_ =	shalt  }
0x46: {  	_ =	shalt  }
0x47: {  	_ =	shalt  }
0x48: {  	_ =	shalt  }
0x49: {  	_ =	shalt  }
0x4a: {  	_ =	shalt  }
0x4b: {  	_ =	shalt  }
0x4c: {  	_ =	shalt  }
0x4d: {  	_ =	shalt  }
0x4e: {  	_ =	shalt  }
0x4f: {  	_ =	shalt  }
0x50: {  	_ =	shalt  }
0x51: {  	_ =	shalt  }
0x52: {  	_ =	shalt  }
0x53: {  	_ =	shalt  }
0x54: {  	_ =	shalt  }
0x55: {  	_ =	shalt  }
0x56: {  	_ =	shalt  }
0x57: {  	_ =	shalt  }
0x58: {  	_ =	shalt  }
0x59: {  	_ =	shalt  }
0x5a: {  	_ =	shalt  }
0x5b: {  	_ =	shalt  }
0x5c: {  	_ =	shalt  }
0x5d: {  	_ =	shalt  }
0x5e: {  	_ =	shalt  }
0x5f: {  	_ =	shalt  }
0x60: {  	_ =	shalt  }
0x61: {  	_ =	shalt  }
0x62: {  	_ =	shalt  }
0x63: {  	_ =	shalt  }
0x64: {  	_ =	shalt  }
0x65: {  	_ =	shalt  }
0x66: {  	_ =	shalt  }
0x67: {  	_ =	shalt  }
0x68: {  	_ =	shalt  }
0x69: {  	_ =	shalt  }
0x6a: {  	_ =	shalt  }
0x6b: {  	_ =	shalt  }
0x6c: {  	_ =	shalt  }
0x6d: {  	_ =	shalt  }
0x6e: {  	_ =	shalt  }
0x6f: {  	_ =	shalt  }
0x70: {  	_ =	shalt  }
0x71: {  	_ =	shalt  }
0x72: {  	_ =	shalt  }
0x73: {  	_ =	shalt  }
0x74: {  	_ =	shalt  }
0x75: {  	_ =	shalt  }
0x76: {  	_ =	shalt  }
0x77: {  	_ =	shalt  }
0x78: {  	_ =	shalt  }
0x79: {  	_ =	shalt  }
0x7a: {  	_ =	shalt  }
0x7b: {  	_ =	shalt  }
0x7c: {  	_ =	shalt  }
0x7d: {  	_ =	shalt  }
0x7e: {  	_ =	shalt  }
0x7f: {  	_ =	shalt  }
0x80: {  	_ =	shalt  }
0x81: {  	_ =	shalt  }
0x82: {  	_ =	shalt  }
0x83: {  	_ =	shalt  }
0x84: {  	_ =	shalt  }
0x85: {  	_ =	shalt  }
0x86: {  	_ =	shalt  }
0x87: {  	_ =	shalt  }
.Lfunc_end0:
.L_simem_size_0:
called_computation.1_lowered:
.L_overlay_start_0:
0x88: {  	s2 =	sld [smem:$0x3FD9]  }
0x89: {  	s3 =	sld [smem:$0x3FFE];
	_ =	sdelay $0x1  }
0x8a: {  	s1 =	srdreg.scid  }
0x8b: {  	s0 =	sand.u32 $0x1, s1  }
0x8c: {  	s17 =	sshll.u32 s0, $0xA;
	s2 =	sadd.s32 s3, s2  }
0x8d: {  	s2 =	sadd.s32 s2, s17  }
0x8e: {  	[smem:$0x3FC2] =	sst s2  }
0x8f: {  	_ = 	snop  }
0x90: {  	s18 =	sld [smem:$0x3FC8];
	(tm) =	ssettm $0x1  }
0x91: {  	s19 =	sld [smem:$0x3FFB];
	_ =	sdelay $0x3  }
0x92: {  	_ =	strace s19  }
0x93: {  	s2 =	sld [smem:$0x3FFC];
	_ =	sdelay $0x3  }
0x94: {  	_ =	strace s2  }
0x95: {  	s2 =	sld [smem:$0x3FFD];
	_ =	sdelay $0x3  }
0x96: {  	_ =	strace s2  }
0x97: {  	_ =	strace $0x8FFFFFFF  }
0x98: {  	s20 =	sld [smem:$0x3FDB];
	_ =	sdelay $0x1  }
0x99: {  	s4 =	simm.s32 $_scs_section_size  }
0x9a: {  	s5 =	simm.s32 $_size__tile_overlayer_lowered;
	s6 =	simm.s32 $_tile_overlayer_lowered  }
0x9b: {  	s7 =	simm.s32 $0x1BFF;
	s21 =	sshll.u32 s6, $0x1;
	s4 =	sadd.s32 s4, s20  }
0x9c: {  	s22 =	simm.s32 $0x0;
	s5 =	sshll.u32 s5, $0x1;
	s6 =	sadd.s32 s21, s4  }
0x9d: {  	[timem:s22], [sflag:s7] =	dma.local [hbm:s6], s5  }
0x9e: {  	_ =	swait.ge [sflag:s7], s5  }
0x9f: {  	s5 =	ssub.s32 $0x0, s5;
	[sflag:s7] =	ssyncset.done $0x0  }
0xa0: {  	[sflag:s7] =	ssyncadd.s32 s5;
	_ =	sdelay $0x1  }
0xa1: {  	s23 =	simm.s32 $0x1B8B  }
0xa2: {  	_ =	swait.ge [sflag:s23], $0x1  }
0xa3: {  	[sflag:s23] =	ssyncset.done $0x0  }
0xa4: {  	[sflag:s23] =	ssyncadd.s32 $0xFFFFFFFF  }
0xa5: {  	s5 =	sld [smem:$0x0]  }
0xa6: {  	s6 =	sand.u32 $0xFFFFFFFE, s1  }
0xa7: {  	p0 =	sne.s32 s1, s6  }
0xa8: {  	s6 =	sshll.u32 @p0 s6, $0xE  }
0xa9: {  	s6 =	sadd.s32 @p0 $0x11B8D, s6;
	s7 =	sshll.u32 @p0 s5, $0x11  }
0xaa: {  	s6 =	sor.u32 @p0 s7, s6  }
0xab: {  	[sflag:s6] =	ssyncadd.remote.s32 @p0 $0x1;
	_ =	sdelay $0x1  }
0xac: {  	s6 =	simm.s32 @p0 $0x1B8D  }
0xad: {  	_ =	swait.eq @p0 [sflag:s6], $0x1  }
0xae: {  	[sflag:s6] =	ssyncadd.s32 @p0 $0xFFFFFFFF  }
0xaf: {  	s7 =	sshll.u32 @!p0 s1, $0xE  }
0xb0: {  	s7 =	sor.u32 @!p0 $0x4000, s7;
	s6 =	simm.s32 @!p0 $0x1B8D  }
0xb1: {  	s5 =	sshll.u32 @!p0 s5, $0x11;
	s7 =	sadd.s32 @!p0 $0x11B8D, s7;
	_ =	swait.eq @!p0 [sflag:s6], $0x1  }
0xb2: {  	s5 =	sor.u32 @!p0 s5, s7;
	[sflag:s6] =	ssyncadd.s32 @!p0 $0xFFFFFFFF  }
0xb3: {  	s25 =	simm.s32 $0x1B8E;
	s24 =	sld [smem:$0x3FFE];
	[sflag:s5] =	ssyncadd.remote.s32 @!p0 $0x1  }
0xb4: {  	s26 =	simm.s32 $execute0_lowered;
	[smem:$0x3FD2] =	sst s25  }
0xb5: {  	s6 =	sshll.u32 s26, $0x1;
	_ =	strace $0x80000049;
	[dreg:$0x1] =	wrdreg $0xFFFFFFFF  }
0xb6: {  	s28 =	simm.s32 $_size_execute0_lowered;
	s4 =	sadd.s32 s4, s6;
	[dreg:$0x0] =	wrdreg $0x0  }
0xb7: {  	s6 =	sshll.u32 s28, $0x1;
	[dreg:$0x2] =	wrdreg s4  }
0xb8: {  	[dreg:$0x3] =	wrdreg s6  }
0xb9: {  	[dreg:$0x4] =	wrdreg $0xC0  }
0xba: {  	_ =	task [dreg:s22], $0x5FFFF  }
0xbb: {  	[dreg:$0x1] =	wrdreg $0xFFFFFFFF  }
0xbc: {  	[dreg:$0x0] =	wrdreg $0x60  }
0xbd: {  	[dreg:$0x2] =	wrdreg s24  }
0xbe: {  	[dreg:$0x3] =	wrdreg s18  }
0xbf: {  	[dreg:$0x4] =	wrdreg $0xA  }
0xc0: {  	_ =	task.clear_ibuf [dreg:s22], $0x5FFFF;
	_ =	strace $0x90000049  }
0xc1: {  	s29 =	simm.s32 $0xA;
	_ =	strace $0x8000004B  }
0xc2: {  	_ =	swait.ge [sflag:s29], $0x1  }
0xc3: {  	[sflag:s29] =	ssyncadd.s32 $0xFFFFFFFF  }
0xc4: {  	_ =	strace $0x9000004B  }
0xc5: {  	_ =	sfence  }
0xc6: {  	s30 =	sld [smem:$0x0];
	_ =	sdelay $0x2  }
0xc7: {  	s31 =	sshll.u32 s1, $0xD;
	s1 =	sshrl.u32 s1, $0x2  }
0xc8: {  	s4 =	sand.u32 $0x4000, s31;
	s1 =	sadd.s32 s1, s30  }
0xc9: {  	s0 =	sor.u32 s4, s0;
	s1 =	sshll.u32 s1, $0x11  }
0xca: {  	s0 =	sor.u32 s1, s0  }
0xcb: {  	s0 =	sadd.s32 $0x8F2B, s0  }
0xcc: {  	[sflag:s0] =	ssyncadd.remote.s32 $0x1  }
0xcd: {  	_ =	sfence.sel $0xFFFF  }
0xce: {  	[dreg:$0x0] =	wrdreg $0xFFFFFFFF;
	(pc) =	sbr.abs _section_cstart, $3  }
0xcf: {  	[dreg:$0x1] =	wrdreg $0xFFFFFFFF  }
0xd0: {  	_ =	task.clear_ibuf [dreg:s22], $0x2FFFF;
	_ =	strace $0x9FFFFFFF  }
0xd1: {  	(tm) =	ssettm $0x7FFFFFFF  }
tec
execute0_lowered:
.L_overlay_start_1:
0x0: {  	(tag) =	ssettag $0x1  }
0x1: {  	s1 =	srdreg.scid;
	s0 =	stileid.u32  }
0x2: {  	s21 =	sand.u32 $0x1, s1;
	s30 =	sshll.u32 s0, $0x1  }
0x3: {  	s13 =	sor.u32 s21, s30  }
0x4: {  	s12 =	rddreg [dreg:$0x0];
	s4 =	smul.u32 $0xA0, s13  }
0x5: {  	s2 =	rddreg [dreg:$0x1];
	s3 =	simm.s32 $0x0  }
0x6: {  	s5 =	simm.s32 $0x7;
	[smem:$0x7FF] =	sst s3;
	s4 =	sadd.s32 s4, s12  }
0x7: {  	s1 =	rddreg [dreg:$0x2];
	_ =	strace $0x8000004A;
	s4 =	sadd.s32 $0x3E00, s4  }
0x8: {  	[tilespmem:s3], [sflag:$0x7] =	stream.linear.gather [hbm4b:s4+s3], $0x500, $0x38;
	[tilespmem:$0x1E500] =	vst v63  }
0x9: {  	_ =	swait.ge [sflag:s5], $0x500  }
0xa: {  	[sflag:s5] =	ssyncset.done $0x0  }
0xb: {  	s6 =	simm.s32 $0x140;
	s7 =	simm.s32 $0x500;
	[sflag:s5] =	ssyncadd.s32 $0xFFFFFB00  }
0xc: {  	[tilespmem:s7], [sflag:$0x1] =	stream.indirect.gather [hbm4b:s2+s6], $0x80, s3, s6, $0xb8;
	[tilespmem:$0x1E500] =	vst v63  }
0xd: {  	s8 =	simm.s32 $0xA500  }
0xe: {  	[tilespmem:s8], [sflag:$0x2] =	stream.indirect.gather [hbm4b:s2+s6], $0x80, s6, s6, $0xb8;
	[tilespmem:$0x1E500] =	vst v63  }
0xf: {  	s9 =	simm.s32 $0x280;
	s10 =	simm.s32 $0x14500;
	s11 =	simm.s32 $0x1  }
0x10: {  	[tilespmem:s10], [sflag:$0x3] =	stream.indirect.gather [hbm4b:s2+s6], $0x80, s9, s6, $0xb8;
	[tilespmem:$0x1E500] =	vst v63  }
0x11: {  	s14 =	smul.u32 $0x5000, s13;
	_ =	swait.ge [sflag:s11], $0xA000  }
0x12: {  	s15 =	sadd.s32 $0x8E00, s12;
	s31 =	smul.u32 $0x28000, s13;
	[sflag:s11] =	ssyncset.done $0x0  }
0x13: {  	s13 =	simm.s32 $0x2;
	s12 =	sadd.s32 s15, s14;
	[sflag:s11] =	ssyncadd.s32 $0xFFFF6000  }
0x14: {  	[hbm4b:s12+s3] =	stream.linear.scatter [tilespmem:s7], [sflag:$0x4], $0xA000, $0x38;
	[tilespmem:$0x1E500] =	vst v63  }
0x15: {  	s14 =	sshrl.u32 s31, $0x3;
	_ =	swait.ge [sflag:s13], $0xA000  }
0x16: {  	s19 =	sadd.s32 s15, s14;
	[sflag:s13] =	ssyncset.done $0x0  }
0x17: {  	s14 =	simm.s32 $0x4;
	s15 =	sadd.s32 $0x1400, s19;
	[sflag:s13] =	ssyncadd.s32 $0xFFFF6000  }
0x18: {  	[hbm4b:s15+s3] =	stream.linear.scatter [tilespmem:s8], [sflag:$0x5], $0xA000, $0x38;
	[tilespmem:$0x1E500] =	vst v63  }
0x19: {  	_ =	swait.ge [sflag:s14], $0xA000  }
0x1a: {  	[sflag:s14] =	ssyncset.done $0x0  }
0x1b: {  	s16 =	simm.s32 $0x3C0;
	s17 =	simm.s32 $0x3;
	[sflag:s14] =	ssyncadd.s32 $0xFFFF6000  }
0x1c: {  	[tilespmem:s7], [sflag:$0x1] =	stream.indirect.gather [hbm4b:s2+s6], $0x80, s16, s6, $0xb8;
	[tilespmem:$0x1E500] =	vst v63  }
0x1d: {  	_ =	swait.ge [sflag:s17], $0xA000  }
0x1e: {  	[sflag:s17] =	ssyncset.done $0x0  }
0x1f: {  	s18 =	sadd.s32 $0x2800, s19;
	[sflag:s17] =	ssyncadd.s32 $0xFFFF6000  }
0x20: {  	[hbm4b:s18+s3] =	stream.linear.scatter [tilespmem:s10], [sflag:$0x6], $0xA000, $0x38;
	[tilespmem:$0x1E500] =	vst v63  }
0x21: {  	_ =	swait.ge [sflag:s11], $0xA000  }
0x22: {  	s20 =	simm.s32 $0x5;
	s22 =	ssub.s32 $0x2, s21;
	[sflag:s11] =	ssyncset.done $0x0  }
0x23: {  	s23 =	sshrl.u32 s22, $0x1;
	s19 =	sadd.s32 $0x3C00, s19;
	[sflag:s11] =	ssyncadd.s32 $0xFFFF6000  }
0x24: {  	[hbm4b:s19+s3] =	stream.linear.scatter [tilespmem:s7], [sflag:$0x4], $0xA000, $0x38;
	[tilespmem:$0x1E500] =	vst v63  }
0x25: {  	s22 =	ssub.s32 s22, s23;
	_ =	swait.ge [sflag:s20], $0xA000  }
0x26: {  	s22 =	smax.u32 s22, $0x1;
	[sflag:s20] =	ssyncset.done $0x0  }
0x27: {  	s21 =	simm.s32 $0x6;
	p0 =	sne.s32 s22, $0x1;
	[sflag:s20] =	ssyncadd.s32 $0xFFFF6000  }
.Ltmp0:
0x28: {  	_ =	swait.ge [sflag:s21], $0xA000;
	(pc) =	sbr.rel @!p0 .LBB2_2-.Ltmp0, $4  }
0x29: {  	[sflag:s21] =	ssyncset.done $0x0  }
0x2a: {  	[sflag:s21] =	ssyncadd.s32 $0xFFFF6000  }
0x2b: {  	_ =	swait.ge [sflag:s14], $0xA000  }
0x2c: {  	s22 =	sadd.s32 $0xFFFFFFFF, s22;
	[sflag:s14] =	ssyncset.done $0x0  }
.LBB2_1:
0x2d: {  	p0 =	sne.s32 s22, $0x1;
	s22 =	sadd.s32 $0xFFFFFFFF, s22;
	[sflag:s14] =	ssyncadd.s32 $0xFFFF6000  }
0x2e: {  	[tilespmem:s3], [sflag:$0x7] =	stream.linear.gather [hbm4b:s4+s3], $0x500, $0x38;
	[tilespmem:$0x1E500] =	vst v63  }
0x2f: {  	_ =	swait.ge [sflag:s5], $0x500  }
0x30: {  	[sflag:s5] =	ssyncset.done $0x0  }
0x31: {  	[sflag:s5] =	ssyncadd.s32 $0xFFFFFB00  }
0x32: {  	[tilespmem:s7], [sflag:$0x1] =	stream.indirect.gather [hbm4b:s2+s6], $0x80, s3, s6, $0xb8;
	[tilespmem:$0x1E500] =	vst v63  }
0x33: {  	_ = 	snop  }
0x34: {  	[tilespmem:s8], [sflag:$0x2] =	stream.indirect.gather [hbm4b:s2+s6], $0x80, s6, s6, $0xb8;
	[tilespmem:$0x1E500] =	vst v63  }
0x35: {  	_ = 	snop  }
0x36: {  	[tilespmem:s10], [sflag:$0x3] =	stream.indirect.gather [hbm4b:s2+s6], $0x80, s9, s6, $0xb8;
	[tilespmem:$0x1E500] =	vst v63  }
0x37: {  	_ =	swait.ge [sflag:s11], $0xA000  }
0x38: {  	[sflag:s11] =	ssyncset.done $0x0  }
0x39: {  	[sflag:s11] =	ssyncadd.s32 $0xFFFF6000  }
0x3a: {  	[hbm4b:s12+s3] =	stream.linear.scatter [tilespmem:s7], [sflag:$0x4], $0xA000, $0x38;
	[tilespmem:$0x1E500] =	vst v63  }
0x3b: {  	_ =	swait.ge [sflag:s13], $0xA000  }
0x3c: {  	[sflag:s13] =	ssyncset.done $0x0  }
0x3d: {  	[sflag:s13] =	ssyncadd.s32 $0xFFFF6000  }
0x3e: {  	[hbm4b:s15+s3] =	stream.linear.scatter [tilespmem:s8], [sflag:$0x5], $0xA000, $0x38;
	[tilespmem:$0x1E500] =	vst v63  }
0x3f: {  	_ =	swait.ge [sflag:s14], $0xA000  }
0x40: {  	[sflag:s14] =	ssyncset.done $0x0  }
0x41: {  	[sflag:s14] =	ssyncadd.s32 $0xFFFF6000  }
0x42: {  	[tilespmem:s7], [sflag:$0x1] =	stream.indirect.gather [hbm4b:s2+s6], $0x80, s16, s6, $0xb8;
	[tilespmem:$0x1E500] =	vst v63  }
0x43: {  	_ =	swait.ge [sflag:s17], $0xA000  }
0x44: {  	[sflag:s17] =	ssyncset.done $0x0  }
0x45: {  	[sflag:s17] =	ssyncadd.s32 $0xFFFF6000  }
0x46: {  	[hbm4b:s18+s3] =	stream.linear.scatter [tilespmem:s10], [sflag:$0x6], $0xA000, $0x38;
	[tilespmem:$0x1E500] =	vst v63  }
0x47: {  	_ =	swait.ge [sflag:s11], $0xA000  }
0x48: {  	[sflag:s11] =	ssyncset.done $0x0  }
0x49: {  	[sflag:s11] =	ssyncadd.s32 $0xFFFF6000  }
0x4a: {  	[hbm4b:s19+s3] =	stream.linear.scatter [tilespmem:s7], [sflag:$0x4], $0xA000, $0x38;
	[tilespmem:$0x1E500] =	vst v63  }
0x4b: {  	_ =	swait.ge [sflag:s20], $0xA000  }
0x4c: {  	[sflag:s20] =	ssyncset.done $0x0  }
0x4d: {  	[sflag:s20] =	ssyncadd.s32 $0xFFFF6000  }
.Ltmp1:
0x4e: {  	_ =	swait.ge [sflag:s21], $0xA000;
	(pc) =	sbr.rel @p0 .LBB2_1-.Ltmp1, $4  }
0x4f: {  	[sflag:s21] =	ssyncset.done $0x0  }
0x50: {  	[sflag:s21] =	ssyncadd.s32 $0xFFFF6000  }
0x51: {  	_ =	swait.ge [sflag:s14], $0xA000  }
0x52: {  	[sflag:s14] =	ssyncset.done $0x0  }
.LBB2_2:
0x53: {  	[sflag:s14] =	ssyncadd.s32 $0xFFFF6000  }
0x54: {  	_ =	sfence.sel $0x180000  }
0x55: {  	[bflag:$0x0] =	sbarrier.arrive $0xFFFF  }
0x56: {  	p0 =	sne.s32 s0, $0x0;
	_ =	strace $0x9000004A  }
0x57: {  	s0 =	sadd.s32 @!p0 $0x100000, s1;
	[bflag:$0x2] =	sbarrier.arrive $0xFFFF  }
0x58: {  	[sflag:s0] =	ssyncadd.tile.s32 @!p0 $0x1;
	_ =	shalt  }
.Lfunc_end2:
_tile_overlayer_lowered:
.L_overlay_start_2:
0x59: {  	(tag) =	ssettag $0x2  }
0x5a: {  	s0 =	rddreg [dreg:$0x0];
	s2 =	stileid.u32  }
0x5b: {  	s1 =	rddreg [dreg:$0x1];
	p0 =	sne.s32 s2, $0x0  }
0x5c: {  	s3 =	rddreg [dreg:$0x2];
	[bflag:$0x3] =	sbarrier.arrive $0xFFFF;
	s2 =	simm.s32 @!p0 $0x1C07  }
0x5d: {  	[timem:s3], [sflag:s2] =	dma.local @!p0 [hbm:s0], s1  }
0x5e: {  	s0 =	simm.s32 @!p0 $0x7  }
0x5f: {  	_ =	swait.ge @!p0 [sflag:s0], s1  }
0x60: {  	s1 =	ssub.s32 @!p0 $0x0, s1;
	[sflag:s0] =	ssyncset.done @!p0 $0x0  }
0x61: {  	[sflag:s0] =	ssyncadd.s32 @!p0 s1  }
0x62: {  	[bflag:$0x3] =	sbarrier.arrive $0xFFFF  }
0x63: {  	_ =	shalt  }

// kernel: kernel.18.cloned.1.call-start
scs
__scs_entry_jumppad:
0x0: {  	(pc) =	sbr.rel $0x88, $3  }
0x1: {  	(tag) =	ssettag $0x0;
	lr =	simm.s32 $0x1  }
0x2: {  	[smem:$0x3F9B] =	sst lr;
	_ =	strace $0xD0000000  }
0x3: {  	_ = 	snop  }
0x4: {  	_ = 	snop  }
0x5: {  	_ = 	snop  }
0x6: {  	_ = 	snop  }
0x7: {  	_ = 	snop  }
__scs_overlays_trampoline_lowered:
0x8: {  	[smem:$0x3FAA] =	sst s0  }
0x9: {  	[smem:$0x3FAB] =	sst s1  }
0xa: {  	[smem:$0x3FAC] =	sst s2  }
0xb: {  	[smem:$0x3FAD] =	sst s3  }
0xc: {  	[smem:$0x3FAE] =	sst s4  }
0xd: {  	[smem:$0x3FAF] =	sst s5  }
0xe: {  	[smem:$0x3FB0] =	sst s6  }
0xf: {  	[smem:$0x3FB1] =	sst s7  }
0x10: {  	[smem:$0x3FB2] =	sst s8  }
0x11: {  	[smem:$0x3FB3] =	sst s9;
	s0 =	simm.s32 @!p0 $0x0  }
0x12: {  	s1 =	sld [smem:$0x3F99];
	s0 =	simm.s32 @p0 $0x1  }
0x13: {  	[smem:$0x3FB4] =	sst s0;
	s0 =	simm.s32 @!p1 $0x0  }
0x14: {  	s2 =	sld [smem:$0x3F98];
	s0 =	simm.s32 @p1 $0x1  }
0x15: {  	[smem:$0x3FB5] =	sst s0;
	s0 =	simm.s32 @!p2 $0x0  }
0x16: {  	s3 =	sld [smem:$0x3FDB];
	s0 =	simm.s32 @p2 $0x1  }
0x17: {  	s4 =	simm.s32 $0x1BF5;
	[smem:$0x3FB7] =	sst s0  }
0x18: {  	s0 =	sld [smem:$0x3F9A];
	_ =	swait.ge [sflag:s4], $0x0  }
0x19: {  	s7 =	sld [smem:$0x3F9B]  }
0x1a: {  	s8 =	sadd.s32 $0xFFFFE003, lr  }
0x1b: {  	s9 =	sadd.s32 $0xFFFFFEF7, lr;
	s5 =	simm.s32 $0xFFFFFFFF;
	p2 =	slt.u32 s8, $0xFFFFF086  }
0x1c: {  	p1 =	slt.u32 s9, $0xF7A;
	s5 =	simm.s32 @!p2 $0x0  }
0x1d: {  	s5 =	simm.s32 @p1 $0x1;
	p0 =	seq.s32 s7, s2  }
0x1e: {  	s7 =	smul.u32 @!p0 $0xF7A, s2;
	p2 =	seq.s32 @!p0 s5, $0x0  }
0x1f: {  	s9 =	smul.u32 $0xF7A, s1;
	s8 =	simm.s32 @!p0 $0x1BF5;
	p2 =	por !p2, p0  }
0x20: {  	[sflag:s8] =	ssyncset.s32 @!p0 $0xFFFFF086;
	s6 =	sadd.s32 @!p0 s3, s7;
	s7 =	simm.s32 @!p0 $0x108  }
0x21: {  	s3 =	sadd.s32 s3, s9;
	s6 =	sadd.s32 @!p0 $0x88, s6;
	s7 =	simm.s32 @p2 $0x1082  }
0x22: {  	[simem:s7], [sflag:s8] =	dma.local @!p0 [hbm:s6], $0xF7A  }
0x23: {  	s9 =	sor.u32 $0xD0000000, s2;
	s6 =	simm.s32 $0x108;
	_ =	swait.ge @!p0 [sflag:s8], $0x0  }
0x24: {  	s3 =	sadd.s32 $0x88, s3;
	s6 =	simm.s32 @!p1 $0x1082;
	[sflag:s4] =	ssyncset.s32 $0xFFFFF086  }
0x25: {  	[simem:s6], [sflag:s4] =	dma.local [hbm:s3], $0xF7A  }
0x26: {  	[smem:$0x3F9B] =	sst s1;
	(tag) =	ssettag s2;
	_ =	strace s9  }
0x27: {  	s1 =	sld [smem:$0x3FAB]  }
0x28: {  	s2 =	sld [smem:$0x3FAC]  }
0x29: {  	s4 =	sld [smem:$0x3FAE]  }
0x2a: {  	p0 =	seq.s32 s5, $0x0;
	s5 =	sld [smem:$0x3FAF]  }
0x2b: {  	s6 =	sld [smem:$0x3FB0]  }
0x2c: {  	s7 =	sld [smem:$0x3FB1]  }
0x2d: {  	s3 =	simm.s32 $0x108;
	s8 =	sld [smem:$0x3FB2]  }
0x2e: {  	s3 =	simm.s32 @!p0 $0x1082;
	s9 =	sld [smem:$0x3FB3]  }
0x2f: {  	lr =	sadd.s32 s0, s3;
	s0 =	sld [smem:$0x3FAA]  }
0x30: {  	s3 =	sld [smem:$0x3FAD]  }
0x31: {  	[smem:$0x3FB6] =	sst s10  }
0x32: {  	s10 =	sld [smem:$0x3FB4];
	_ =	sdelay $0x3  }
0x33: {  	p0 =	seq.s32 s10, $0x1;
	s10 =	sld [smem:$0x3FB6];
	_ =	sdelay $0x3  }
0x34: {  	[smem:$0x3FB6] =	sst s10  }
0x35: {  	s10 =	sld [smem:$0x3FB5];
	_ =	sdelay $0x3  }
0x36: {  	p1 =	seq.s32 s10, $0x1;
	s10 =	sld [smem:$0x3FB6];
	_ =	sdelay $0x3  }
0x37: {  	[smem:$0x3FB6] =	sst s10  }
0x38: {  	s10 =	sld [smem:$0x3FB7]  }
0x39: {  	_ = 	snop;
	(pc) =	sbr.ind lr, $3  }
0x3a: {  	_ = 	snop  }
0x3b: {  	_ = 	snop  }
0x3c: {  	p2 =	seq.s32 s10, $0x1;
	s10 =	sld [smem:$0x3FB6]  }
0x3d: {  	_ =	shalt  }
0x3e: {  	_ =	shalt  }
0x3f: {  	_ =	shalt  }
0x40: {  	_ =	shalt  }
0x41: {  	_ =	shalt  }
0x42: {  	_ =	shalt  }
0x43: {  	_ =	shalt  }
0x44: {  	_ =	shalt  }
0x45: {  	_ =	shalt  }
0x46: {  	_ =	shalt  }
0x47: {  	_ =	shalt  }
0x48: {  	_ =	shalt  }
0x49: {  	_ =	shalt  }
0x4a: {  	_ =	shalt  }
0x4b: {  	_ =	shalt  }
0x4c: {  	_ =	shalt  }
0x4d: {  	_ =	shalt  }
0x4e: {  	_ =	shalt  }
0x4f: {  	_ =	shalt  }
0x50: {  	_ =	shalt  }
0x51: {  	_ =	shalt  }
0x52: {  	_ =	shalt  }
0x53: {  	_ =	shalt  }
0x54: {  	_ =	shalt  }
0x55: {  	_ =	shalt  }
0x56: {  	_ =	shalt  }
0x57: {  	_ =	shalt  }
0x58: {  	_ =	shalt  }
0x59: {  	_ =	shalt  }
0x5a: {  	_ =	shalt  }
0x5b: {  	_ =	shalt  }
0x5c: {  	_ =	shalt  }
0x5d: {  	_ =	shalt  }
0x5e: {  	_ =	shalt  }
0x5f: {  	_ =	shalt  }
0x60: {  	_ =	shalt  }
0x61: {  	_ =	shalt  }
0x62: {  	_ =	shalt  }
0x63: {  	_ =	shalt  }
0x64: {  	_ =	shalt  }
0x65: {  	_ =	shalt  }
0x66: {  	_ =	shalt  }
0x67: {  	_ =	shalt  }
0x68: {  	_ =	shalt  }
0x69: {  	_ =	shalt  }
0x6a: {  	_ =	shalt  }
0x6b: {  	_ =	shalt  }
0x6c: {  	_ =	shalt  }
0x6d: {  	_ =	shalt  }
0x6e: {  	_ =	shalt  }
0x6f: {  	_ =	shalt  }
0x70: {  	_ =	shalt  }
0x71: {  	_ =	shalt  }
0x72: {  	_ =	shalt  }
0x73: {  	_ =	shalt  }
0x74: {  	_ =	shalt  }
0x75: {  	_ =	shalt  }
0x76: {  	_ =	shalt  }
0x77: {  	_ =	shalt  }
0x78: {  	_ =	shalt  }
0x79: {  	_ =	shalt  }
0x7a: {  	_ =	shalt  }
0x7b: {  	_ =	shalt  }
0x7c: {  	_ =	shalt  }
0x7d: {  	_ =	shalt  }
0x7e: {  	_ =	shalt  }
0x7f: {  	_ =	shalt  }
0x80: {  	_ =	shalt  }
0x81: {  	_ =	shalt  }
0x82: {  	_ =	shalt  }
0x83: {  	_ =	shalt  }
0x84: {  	_ =	shalt  }
0x85: {  	_ =	shalt  }
0x86: {  	_ =	shalt  }
0x87: {  	_ =	shalt  }
.Lfunc_end0:
.L_simem_size_0:
called_computation.2_lowered:
.L_overlay_start_0:
0x88: {  	s2 =	sld [smem:$0x3FD9]  }
0x89: {  	s3 =	sld [smem:$0x3FFE];
	_ =	sdelay $0x1  }
0x8a: {  	s1 =	srdreg.scid  }
0x8b: {  	s0 =	sand.u32 $0x1, s1  }
0x8c: {  	s17 =	sshll.u32 s0, $0xA;
	s2 =	sadd.s32 s3, s2  }
0x8d: {  	s2 =	sadd.s32 s2, s17  }
0x8e: {  	[smem:$0x3FC2] =	sst s2  }
0x8f: {  	_ = 	snop  }
0x90: {  	s18 =	sld [smem:$0x3FC8];
	(tm) =	ssettm $0x1  }
0x91: {  	s19 =	sld [smem:$0x3FFB];
	_ =	sdelay $0x3  }
0x92: {  	_ =	strace s19  }
0x93: {  	s2 =	sld [smem:$0x3FFC];
	_ =	sdelay $0x3  }
0x94: {  	_ =	strace s2  }
0x95: {  	s2 =	sld [smem:$0x3FFD];
	_ =	sdelay $0x3  }
0x96: {  	_ =	strace s2  }
0x97: {  	_ =	strace $0x8FFFFFFF  }
0x98: {  	s20 =	sld [smem:$0x3FDB];
	_ =	sdelay $0x1  }
0x99: {  	s4 =	simm.s32 $_scs_section_size  }
0x9a: {  	s5 =	simm.s32 $_size__tile_overlayer_lowered;
	s6 =	simm.s32 $_tile_overlayer_lowered  }
0x9b: {  	s7 =	simm.s32 $0x1BFF;
	s21 =	sshll.u32 s6, $0x1;
	s4 =	sadd.s32 s4, s20  }
0x9c: {  	s22 =	simm.s32 $0x0;
	s5 =	sshll.u32 s5, $0x1;
	s6 =	sadd.s32 s21, s4  }
0x9d: {  	[timem:s22], [sflag:s7] =	dma.local [hbm:s6], s5  }
0x9e: {  	_ =	swait.ge [sflag:s7], s5  }
0x9f: {  	s5 =	ssub.s32 $0x0, s5;
	[sflag:s7] =	ssyncset.done $0x0  }
0xa0: {  	[sflag:s7] =	ssyncadd.s32 s5;
	_ =	sdelay $0x1  }
0xa1: {  	s23 =	simm.s32 $0x1B8B  }
0xa2: {  	_ =	swait.ge [sflag:s23], $0x1  }
0xa3: {  	[sflag:s23] =	ssyncset.done $0x0  }
0xa4: {  	[sflag:s23] =	ssyncadd.s32 $0xFFFFFFFF  }
0xa5: {  	s5 =	sld [smem:$0x0]  }
0xa6: {  	s6 =	sand.u32 $0xFFFFFFFE, s1  }
0xa7: {  	p0 =	sne.s32 s1, s6  }
0xa8: {  	s6 =	sshll.u32 @p0 s6, $0xE  }
0xa9: {  	s6 =	sadd.s32 @p0 $0x11B8D, s6;
	s7 =	sshll.u32 @p0 s5, $0x11  }
0xaa: {  	s6 =	sor.u32 @p0 s7, s6  }
0xab: {  	[sflag:s6] =	ssyncadd.remote.s32 @p0 $0x1;
	_ =	sdelay $0x1  }
0xac: {  	s6 =	simm.s32 @p0 $0x1B8D  }
0xad: {  	_ =	swait.eq @p0 [sflag:s6], $0x1  }
0xae: {  	[sflag:s6] =	ssyncadd.s32 @p0 $0xFFFFFFFF  }
0xaf: {  	s7 =	sshll.u32 @!p0 s1, $0xE  }
0xb0: {  	s7 =	sor.u32 @!p0 $0x4000, s7;
	s6 =	simm.s32 @!p0 $0x1B8D  }
0xb1: {  	s5 =	sshll.u32 @!p0 s5, $0x11;
	s7 =	sadd.s32 @!p0 $0x11B8D, s7;
	_ =	swait.eq @!p0 [sflag:s6], $0x1  }
0xb2: {  	s5 =	sor.u32 @!p0 s5, s7;
	[sflag:s6] =	ssyncadd.s32 @!p0 $0xFFFFFFFF  }
0xb3: {  	s25 =	simm.s32 $0x1B8E;
	s24 =	sld [smem:$0x3FFE];
	[sflag:s5] =	ssyncadd.remote.s32 @!p0 $0x1  }
0xb4: {  	s26 =	simm.s32 $execute0_lowered;
	[smem:$0x3FD2] =	sst s25  }
0xb5: {  	s6 =	sshll.u32 s26, $0x1;
	_ =	strace $0x8000004C;
	[dreg:$0x1] =	wrdreg $0xFFFFFFFF  }
0xb6: {  	s28 =	simm.s32 $_size_execute0_lowered;
	s4 =	sadd.s32 s4, s6;
	[dreg:$0x0] =	wrdreg $0x0  }
0xb7: {  	s6 =	sshll.u32 s28, $0x1;
	[dreg:$0x2] =	wrdreg s4  }
0xb8: {  	[dreg:$0x3] =	wrdreg s6  }
0xb9: {  	[dreg:$0x4] =	wrdreg $0xC0  }
0xba: {  	_ =	task [dreg:s22], $0x5FFFF  }
0xbb: {  	[dreg:$0x1] =	wrdreg $0xFFFFFFFF  }
0xbc: {  	[dreg:$0x0] =	wrdreg $0x60  }
0xbd: {  	[dreg:$0x2] =	wrdreg s24  }
0xbe: {  	[dreg:$0x3] =	wrdreg s18  }
0xbf: {  	[dreg:$0x4] =	wrdreg $0xB  }
0xc0: {  	_ =	task.clear_ibuf [dreg:s22], $0x5FFFF;
	_ =	strace $0x9000004C  }
0xc1: {  	s29 =	simm.s32 $0xB;
	_ =	strace $0x8000004E  }
0xc2: {  	_ =	swait.ge [sflag:s29], $0x1  }
0xc3: {  	[sflag:s29] =	ssyncadd.s32 $0xFFFFFFFF  }
0xc4: {  	_ =	strace $0x9000004E  }
0xc5: {  	_ =	sfence  }
0xc6: {  	s30 =	sld [smem:$0x0];
	_ =	sdelay $0x2  }
0xc7: {  	s31 =	sshll.u32 s1, $0xD;
	s1 =	sshrl.u32 s1, $0x2  }
0xc8: {  	s4 =	sand.u32 $0x4000, s31;
	s1 =	sadd.s32 s1, s30  }
0xc9: {  	s0 =	sor.u32 s4, s0;
	s1 =	sshll.u32 s1, $0x11  }
0xca: {  	s0 =	sor.u32 s1, s0  }
0xcb: {  	s0 =	sadd.s32 $0x8F2B, s0  }
0xcc: {  	[sflag:s0] =	ssyncadd.remote.s32 $0x1  }
0xcd: {  	_ =	sfence.sel $0xFFFF  }
0xce: {  	[dreg:$0x0] =	wrdreg $0xFFFFFFFF;
	(pc) =	sbr.abs _section_cstart, $3  }
0xcf: {  	[dreg:$0x1] =	wrdreg $0xFFFFFFFF  }
0xd0: {  	_ =	task.clear_ibuf [dreg:s22], $0x2FFFF;
	_ =	strace $0x9FFFFFFF  }
0xd1: {  	(tm) =	ssettm $0x7FFFFFFF  }
tec
execute0_lowered:
.L_overlay_start_1:
0x0: {  	(tag) =	ssettag $0x1  }
0x1: {  	s1 =	srdreg.scid;
	s0 =	stileid.u32  }
0x2: {  	s21 =	sand.u32 $0x1, s1;
	s30 =	sshll.u32 s0, $0x1  }
0x3: {  	s13 =	sor.u32 s21, s30  }
0x4: {  	s12 =	rddreg [dreg:$0x0];
	s4 =	smul.u32 $0xA0, s13  }
0x5: {  	s2 =	rddreg [dreg:$0x1];
	s3 =	simm.s32 $0x0  }
0x6: {  	s5 =	simm.s32 $0x7;
	[smem:$0x7FF] =	sst s3;
	s4 =	sadd.s32 s4, s12  }
0x7: {  	s1 =	rddreg [dreg:$0x2];
	_ =	strace $0x8000004D;
	s4 =	sadd.s32 $0x5200, s4  }
0x8: {  	[tilespmem:s3], [sflag:$0x7] =	stream.linear.gather [hbm4b:s4+s3], $0x500, $0x38;
	[tilespmem:$0x1E500] =	vst v63  }
0x9: {  	_ =	swait.ge [sflag:s5], $0x500  }
0xa: {  	[sflag:s5] =	ssyncset.done $0x0  }
0xb: {  	s6 =	simm.s32 $0x140;
	s7 =	simm.s32 $0x500;
	[sflag:s5] =	ssyncadd.s32 $0xFFFFFB00  }
0xc: {  	[tilespmem:s7], [sflag:$0x1] =	stream.indirect.gather [hbm4b:s2+s6], $0x80, s3, s6, $0xb8;
	[tilespmem:$0x1E500] =	vst v63  }
0xd: {  	s8 =	simm.s32 $0xA500  }
0xe: {  	[tilespmem:s8], [sflag:$0x2] =	stream.indirect.gather [hbm4b:s2+s6], $0x80, s6, s6, $0xb8;
	[tilespmem:$0x1E500] =	vst v63  }
0xf: {  	s9 =	simm.s32 $0x280;
	s10 =	simm.s32 $0x14500;
	s11 =	simm.s32 $0x1  }
0x10: {  	[tilespmem:s10], [sflag:$0x3] =	stream.indirect.gather [hbm4b:s2+s6], $0x80, s9, s6, $0xb8;
	[tilespmem:$0x1E500] =	vst v63  }
0x11: {  	s14 =	smul.u32 $0x5000, s13;
	_ =	swait.ge [sflag:s11], $0xA000  }
0x12: {  	s15 =	sadd.s32 $0xA8E00, s12;
	s31 =	smul.u32 $0x28000, s13;
	[sflag:s11] =	ssyncset.done $0x0  }
0x13: {  	s13 =	simm.s32 $0x2;
	s12 =	sadd.s32 s15, s14;
	[sflag:s11] =	ssyncadd.s32 $0xFFFF6000  }
0x14: {  	[hbm4b:s12+s3] =	stream.linear.scatter [tilespmem:s7], [sflag:$0x4], $0xA000, $0x38;
	[tilespmem:$0x1E500] =	vst v63  }
0x15: {  	s14 =	sshrl.u32 s31, $0x3;
	_ =	swait.ge [sflag:s13], $0xA000  }
0x16: {  	s19 =	sadd.s32 s15, s14;
	[sflag:s13] =	ssyncset.done $0x0  }
0x17: {  	s14 =	simm.s32 $0x4;
	s15 =	sadd.s32 $0x1400, s19;
	[sflag:s13] =	ssyncadd.s32 $0xFFFF6000  }
0x18: {  	[hbm4b:s15+s3] =	stream.linear.scatter [tilespmem:s8], [sflag:$0x5], $0xA000, $0x38;
	[tilespmem:$0x1E500] =	vst v63  }
0x19: {  	_ =	swait.ge [sflag:s14], $0xA000  }
0x1a: {  	[sflag:s14] =	ssyncset.done $0x0  }
0x1b: {  	s16 =	simm.s32 $0x3C0;
	s17 =	simm.s32 $0x3;
	[sflag:s14] =	ssyncadd.s32 $0xFFFF6000  }
0x1c: {  	[tilespmem:s7], [sflag:$0x1] =	stream.indirect.gather [hbm4b:s2+s6], $0x80, s16, s6, $0xb8;
	[tilespmem:$0x1E500] =	vst v63  }
0x1d: {  	_ =	swait.ge [sflag:s17], $0xA000  }
0x1e: {  	[sflag:s17] =	ssyncset.done $0x0  }
0x1f: {  	s18 =	sadd.s32 $0x2800, s19;
	[sflag:s17] =	ssyncadd.s32 $0xFFFF6000  }
0x20: {  	[hbm4b:s18+s3] =	stream.linear.scatter [tilespmem:s10], [sflag:$0x6], $0xA000, $0x38;
	[tilespmem:$0x1E500] =	vst v63  }
0x21: {  	_ =	swait.ge [sflag:s11], $0xA000  }
0x22: {  	s20 =	simm.s32 $0x5;
	s22 =	ssub.s32 $0x2, s21;
	[sflag:s11] =	ssyncset.done $0x0  }
0x23: {  	s23 =	sshrl.u32 s22, $0x1;
	s19 =	sadd.s32 $0x3C00, s19;
	[sflag:s11] =	ssyncadd.s32 $0xFFFF6000  }
0x24: {  	[hbm4b:s19+s3] =	stream.linear.scatter [tilespmem:s7], [sflag:$0x4], $0xA000, $0x38;
	[tilespmem:$0x1E500] =	vst v63  }
0x25: {  	s22 =	ssub.s32 s22, s23;
	_ =	swait.ge [sflag:s20], $0xA000  }
0x26: {  	s22 =	smax.u32 s22, $0x1;
	[sflag:s20] =	ssyncset.done $0x0  }
0x27: {  	s21 =	simm.s32 $0x6;
	p0 =	sne.s32 s22, $0x1;
	[sflag:s20] =	ssyncadd.s32 $0xFFFF6000  }
.Ltmp0:
0x28: {  	_ =	swait.ge [sflag:s21], $0xA000;
	(pc) =	sbr.rel @!p0 .LBB2_2-.Ltmp0, $4  }
0x29: {  	[sflag:s21] =	ssyncset.done $0x0  }
0x2a: {  	[sflag:s21] =	ssyncadd.s32 $0xFFFF6000  }
0x2b: {  	_ =	swait.ge [sflag:s14], $0xA000  }
0x2c: {  	s22 =	sadd.s32 $0xFFFFFFFF, s22;
	[sflag:s14] =	ssyncset.done $0x0  }
.LBB2_1:
0x2d: {  	p0 =	sne.s32 s22, $0x1;
	s22 =	sadd.s32 $0xFFFFFFFF, s22;
	[sflag:s14] =	ssyncadd.s32 $0xFFFF6000  }
0x2e: {  	[tilespmem:s3], [sflag:$0x7] =	stream.linear.gather [hbm4b:s4+s3], $0x500, $0x38;
	[tilespmem:$0x1E500] =	vst v63  }
0x2f: {  	_ =	swait.ge [sflag:s5], $0x500  }
0x30: {  	[sflag:s5] =	ssyncset.done $0x0  }
0x31: {  	[sflag:s5] =	ssyncadd.s32 $0xFFFFFB00  }
0x32: {  	[tilespmem:s7], [sflag:$0x1] =	stream.indirect.gather [hbm4b:s2+s6], $0x80, s3, s6, $0xb8;
	[tilespmem:$0x1E500] =	vst v63  }
0x33: {  	_ = 	snop  }
0x34: {  	[tilespmem:s8], [sflag:$0x2] =	stream.indirect.gather [hbm4b:s2+s6], $0x80, s6, s6, $0xb8;
	[tilespmem:$0x1E500] =	vst v63  }
0x35: {  	_ = 	snop  }
0x36: {  	[tilespmem:s10], [sflag:$0x3] =	stream.indirect.gather [hbm4b:s2+s6], $0x80, s9, s6, $0xb8;
	[tilespmem:$0x1E500] =	vst v63  }
0x37: {  	_ =	swait.ge [sflag:s11], $0xA000  }
0x38: {  	[sflag:s11] =	ssyncset.done $0x0  }
0x39: {  	[sflag:s11] =	ssyncadd.s32 $0xFFFF6000  }
0x3a: {  	[hbm4b:s12+s3] =	stream.linear.scatter [tilespmem:s7], [sflag:$0x4], $0xA000, $0x38;
	[tilespmem:$0x1E500] =	vst v63  }
0x3b: {  	_ =	swait.ge [sflag:s13], $0xA000  }
0x3c: {  	[sflag:s13] =	ssyncset.done $0x0  }
0x3d: {  	[sflag:s13] =	ssyncadd.s32 $0xFFFF6000  }
0x3e: {  	[hbm4b:s15+s3] =	stream.linear.scatter [tilespmem:s8], [sflag:$0x5], $0xA000, $0x38;
	[tilespmem:$0x1E500] =	vst v63  }
0x3f: {  	_ =	swait.ge [sflag:s14], $0xA000  }
0x40: {  	[sflag:s14] =	ssyncset.done $0x0  }
0x41: {  	[sflag:s14] =	ssyncadd.s32 $0xFFFF6000  }
0x42: {  	[tilespmem:s7], [sflag:$0x1] =	stream.indirect.gather [hbm4b:s2+s6], $0x80, s16, s6, $0xb8;
	[tilespmem:$0x1E500] =	vst v63  }
0x43: {  	_ =	swait.ge [sflag:s17], $0xA000  }
0x44: {  	[sflag:s17] =	ssyncset.done $0x0  }
0x45: {  	[sflag:s17] =	ssyncadd.s32 $0xFFFF6000  }
0x46: {  	[hbm4b:s18+s3] =	stream.linear.scatter [tilespmem:s10], [sflag:$0x6], $0xA000, $0x38;
	[tilespmem:$0x1E500] =	vst v63  }
0x47: {  	_ =	swait.ge [sflag:s11], $0xA000  }
0x48: {  	[sflag:s11] =	ssyncset.done $0x0  }
0x49: {  	[sflag:s11] =	ssyncadd.s32 $0xFFFF6000  }
0x4a: {  	[hbm4b:s19+s3] =	stream.linear.scatter [tilespmem:s7], [sflag:$0x4], $0xA000, $0x38;
	[tilespmem:$0x1E500] =	vst v63  }
0x4b: {  	_ =	swait.ge [sflag:s20], $0xA000  }
0x4c: {  	[sflag:s20] =	ssyncset.done $0x0  }
0x4d: {  	[sflag:s20] =	ssyncadd.s32 $0xFFFF6000  }
.Ltmp1:
0x4e: {  	_ =	swait.ge [sflag:s21], $0xA000;
	(pc) =	sbr.rel @p0 .LBB2_1-.Ltmp1, $4  }
0x4f: {  	[sflag:s21] =	ssyncset.done $0x0  }
0x50: {  	[sflag:s21] =	ssyncadd.s32 $0xFFFF6000  }
0x51: {  	_ =	swait.ge [sflag:s14], $0xA000  }
0x52: {  	[sflag:s14] =	ssyncset.done $0x0  }
.LBB2_2:
0x53: {  	[sflag:s14] =	ssyncadd.s32 $0xFFFF6000  }
0x54: {  	_ =	sfence.sel $0x180000  }
0x55: {  	[bflag:$0x0] =	sbarrier.arrive $0xFFFF  }
0x56: {  	p0 =	sne.s32 s0, $0x0;
	_ =	strace $0x9000004D  }
0x57: {  	s0 =	sadd.s32 @!p0 $0x100000, s1;
	[bflag:$0x2] =	sbarrier.arrive $0xFFFF  }
0x58: {  	[sflag:s0] =	ssyncadd.tile.s32 @!p0 $0x1;
	_ =	shalt  }
.Lfunc_end2:
_tile_overlayer_lowered:
.L_overlay_start_2:
0x59: {  	(tag) =	ssettag $0x2  }
0x5a: {  	s0 =	rddreg [dreg:$0x0];
	s2 =	stileid.u32  }
0x5b: {  	s1 =	rddreg [dreg:$0x1];
	p0 =	sne.s32 s2, $0x0  }
0x5c: {  	s3 =	rddreg [dreg:$0x2];
	[bflag:$0x3] =	sbarrier.arrive $0xFFFF;
	s2 =	simm.s32 @!p0 $0x1C07  }
0x5d: {  	[timem:s3], [sflag:s2] =	dma.local @!p0 [hbm:s0], s1  }
0x5e: {  	s0 =	simm.s32 @!p0 $0x7  }
0x5f: {  	_ =	swait.ge @!p0 [sflag:s0], s1  }
0x60: {  	s1 =	ssub.s32 @!p0 $0x0, s1;
	[sflag:s0] =	ssyncset.done @!p0 $0x0  }
0x61: {  	[sflag:s0] =	ssyncadd.s32 @!p0 s1  }
0x62: {  	[bflag:$0x3] =	sbarrier.arrive $0xFFFF  }
0x63: {  	_ =	shalt  }

// kernel: kernel.21.cloned.1.call-start
scs
__scs_entry_jumppad:
0x0: {  	(pc) =	sbr.rel $0x88, $3  }
0x1: {  	(tag) =	ssettag $0x0;
	lr =	simm.s32 $0x1  }
0x2: {  	[smem:$0x3F9B] =	sst lr;
	_ =	strace $0xD0000000  }
0x3: {  	_ = 	snop  }
0x4: {  	_ = 	snop  }
0x5: {  	_ = 	snop  }
0x6: {  	_ = 	snop  }
0x7: {  	_ = 	snop  }
__scs_overlays_trampoline_lowered:
0x8: {  	[smem:$0x3FAA] =	sst s0  }
0x9: {  	[smem:$0x3FAB] =	sst s1  }
0xa: {  	[smem:$0x3FAC] =	sst s2  }
0xb: {  	[smem:$0x3FAD] =	sst s3  }
0xc: {  	[smem:$0x3FAE] =	sst s4  }
0xd: {  	[smem:$0x3FAF] =	sst s5  }
0xe: {  	[smem:$0x3FB0] =	sst s6  }
0xf: {  	[smem:$0x3FB1] =	sst s7  }
0x10: {  	[smem:$0x3FB2] =	sst s8  }
0x11: {  	[smem:$0x3FB3] =	sst s9;
	s0 =	simm.s32 @!p0 $0x0  }
0x12: {  	s1 =	sld [smem:$0x3F99];
	s0 =	simm.s32 @p0 $0x1  }
0x13: {  	[smem:$0x3FB4] =	sst s0;
	s0 =	simm.s32 @!p1 $0x0  }
0x14: {  	s2 =	sld [smem:$0x3F98];
	s0 =	simm.s32 @p1 $0x1  }
0x15: {  	[smem:$0x3FB5] =	sst s0;
	s0 =	simm.s32 @!p2 $0x0  }
0x16: {  	s3 =	sld [smem:$0x3FDB];
	s0 =	simm.s32 @p2 $0x1  }
0x17: {  	s4 =	simm.s32 $0x1BF5;
	[smem:$0x3FB7] =	sst s0  }
0x18: {  	s0 =	sld [smem:$0x3F9A];
	_ =	swait.ge [sflag:s4], $0x0  }
0x19: {  	s7 =	sld [smem:$0x3F9B]  }
0x1a: {  	s8 =	sadd.s32 $0xFFFFE003, lr  }
0x1b: {  	s9 =	sadd.s32 $0xFFFFFEF7, lr;
	s5 =	simm.s32 $0xFFFFFFFF;
	p2 =	slt.u32 s8, $0xFFFFF086  }
0x1c: {  	p1 =	slt.u32 s9, $0xF7A;
	s5 =	simm.s32 @!p2 $0x0  }
0x1d: {  	s5 =	simm.s32 @p1 $0x1;
	p0 =	seq.s32 s7, s2  }
0x1e: {  	s7 =	smul.u32 @!p0 $0xF7A, s2;
	p2 =	seq.s32 @!p0 s5, $0x0  }
0x1f: {  	s9 =	smul.u32 $0xF7A, s1;
	s8 =	simm.s32 @!p0 $0x1BF5;
	p2 =	por !p2, p0  }
0x20: {  	[sflag:s8] =	ssyncset.s32 @!p0 $0xFFFFF086;
	s6 =	sadd.s32 @!p0 s3, s7;
	s7 =	simm.s32 @!p0 $0x108  }
0x21: {  	s3 =	sadd.s32 s3, s9;
	s6 =	sadd.s32 @!p0 $0x88, s6;
	s7 =	simm.s32 @p2 $0x1082  }
0x22: {  	[simem:s7], [sflag:s8] =	dma.local @!p0 [hbm:s6], $0xF7A  }
0x23: {  	s9 =	sor.u32 $0xD0000000, s2;
	s6 =	simm.s32 $0x108;
	_ =	swait.ge @!p0 [sflag:s8], $0x0  }
0x24: {  	s3 =	sadd.s32 $0x88, s3;
	s6 =	simm.s32 @!p1 $0x1082;
	[sflag:s4] =	ssyncset.s32 $0xFFFFF086  }
0x25: {  	[simem:s6], [sflag:s4] =	dma.local [hbm:s3], $0xF7A  }
0x26: {  	[smem:$0x3F9B] =	sst s1;
	(tag) =	ssettag s2;
	_ =	strace s9  }
0x27: {  	s1 =	sld [smem:$0x3FAB]  }
0x28: {  	s2 =	sld [smem:$0x3FAC]  }
0x29: {  	s4 =	sld [smem:$0x3FAE]  }
0x2a: {  	p0 =	seq.s32 s5, $0x0;
	s5 =	sld [smem:$0x3FAF]  }
0x2b: {  	s6 =	sld [smem:$0x3FB0]  }
0x2c: {  	s7 =	sld [smem:$0x3FB1]  }
0x2d: {  	s3 =	simm.s32 $0x108;
	s8 =	sld [smem:$0x3FB2]  }
0x2e: {  	s3 =	simm.s32 @!p0 $0x1082;
	s9 =	sld [smem:$0x3FB3]  }
0x2f: {  	lr =	sadd.s32 s0, s3;
	s0 =	sld [smem:$0x3FAA]  }
0x30: {  	s3 =	sld [smem:$0x3FAD]  }
0x31: {  	[smem:$0x3FB6] =	sst s10  }
0x32: {  	s10 =	sld [smem:$0x3FB4];
	_ =	sdelay $0x3  }
0x33: {  	p0 =	seq.s32 s10, $0x1;
	s10 =	sld [smem:$0x3FB6];
	_ =	sdelay $0x3  }
0x34: {  	[smem:$0x3FB6] =	sst s10  }
0x35: {  	s10 =	sld [smem:$0x3FB5];
	_ =	sdelay $0x3  }
0x36: {  	p1 =	seq.s32 s10, $0x1;
	s10 =	sld [smem:$0x3FB6];
	_ =	sdelay $0x3  }
0x37: {  	[smem:$0x3FB6] =	sst s10  }
0x38: {  	s10 =	sld [smem:$0x3FB7]  }
0x39: {  	_ = 	snop;
	(pc) =	sbr.ind lr, $3  }
0x3a: {  	_ = 	snop  }
0x3b: {  	_ = 	snop  }
0x3c: {  	p2 =	seq.s32 s10, $0x1;
	s10 =	sld [smem:$0x3FB6]  }
0x3d: {  	_ =	shalt  }
0x3e: {  	_ =	shalt  }
0x3f: {  	_ =	shalt  }
0x40: {  	_ =	shalt  }
0x41: {  	_ =	shalt  }
0x42: {  	_ =	shalt  }
0x43: {  	_ =	shalt  }
0x44: {  	_ =	shalt  }
0x45: {  	_ =	shalt  }
0x46: {  	_ =	shalt  }
0x47: {  	_ =	shalt  }
0x48: {  	_ =	shalt  }
0x49: {  	_ =	shalt  }
0x4a: {  	_ =	shalt  }
0x4b: {  	_ =	shalt  }
0x4c: {  	_ =	shalt  }
0x4d: {  	_ =	shalt  }
0x4e: {  	_ =	shalt  }
0x4f: {  	_ =	shalt  }
0x50: {  	_ =	shalt  }
0x51: {  	_ =	shalt  }
0x52: {  	_ =	shalt  }
0x53: {  	_ =	shalt  }
0x54: {  	_ =	shalt  }
0x55: {  	_ =	shalt  }
0x56: {  	_ =	shalt  }
0x57: {  	_ =	shalt  }
0x58: {  	_ =	shalt  }
0x59: {  	_ =	shalt  }
0x5a: {  	_ =	shalt  }
0x5b: {  	_ =	shalt  }
0x5c: {  	_ =	shalt  }
0x5d: {  	_ =	shalt  }
0x5e: {  	_ =	shalt  }
0x5f: {  	_ =	shalt  }
0x60: {  	_ =	shalt  }
0x61: {  	_ =	shalt  }
0x62: {  	_ =	shalt  }
0x63: {  	_ =	shalt  }
0x64: {  	_ =	shalt  }
0x65: {  	_ =	shalt  }
0x66: {  	_ =	shalt  }
0x67: {  	_ =	shalt  }
0x68: {  	_ =	shalt  }
0x69: {  	_ =	shalt  }
0x6a: {  	_ =	shalt  }
0x6b: {  	_ =	shalt  }
0x6c: {  	_ =	shalt  }
0x6d: {  	_ =	shalt  }
0x6e: {  	_ =	shalt  }
0x6f: {  	_ =	shalt  }
0x70: {  	_ =	shalt  }
0x71: {  	_ =	shalt  }
0x72: {  	_ =	shalt  }
0x73: {  	_ =	shalt  }
0x74: {  	_ =	shalt  }
0x75: {  	_ =	shalt  }
0x76: {  	_ =	shalt  }
0x77: {  	_ =	shalt  }
0x78: {  	_ =	shalt  }
0x79: {  	_ =	shalt  }
0x7a: {  	_ =	shalt  }
0x7b: {  	_ =	shalt  }
0x7c: {  	_ =	shalt  }
0x7d: {  	_ =	shalt  }
0x7e: {  	_ =	shalt  }
0x7f: {  	_ =	shalt  }
0x80: {  	_ =	shalt  }
0x81: {  	_ =	shalt  }
0x82: {  	_ =	shalt  }
0x83: {  	_ =	shalt  }
0x84: {  	_ =	shalt  }
0x85: {  	_ =	shalt  }
0x86: {  	_ =	shalt  }
0x87: {  	_ =	shalt  }
.Lfunc_end0:
.L_simem_size_0:
called_computation.3_lowered:
.L_overlay_start_0:
0x88: {  	s2 =	sld [smem:$0x3FD9]  }
0x89: {  	s3 =	sld [smem:$0x3FFE];
	_ =	sdelay $0x1  }
0x8a: {  	s1 =	srdreg.scid  }
0x8b: {  	s0 =	sand.u32 $0x1, s1  }
0x8c: {  	s17 =	sshll.u32 s0, $0xA;
	s2 =	sadd.s32 s3, s2  }
0x8d: {  	s2 =	sadd.s32 s2, s17  }
0x8e: {  	[smem:$0x3FC2] =	sst s2  }
0x8f: {  	_ = 	snop  }
0x90: {  	s18 =	sld [smem:$0x3FC8];
	(tm) =	ssettm $0x1  }
0x91: {  	s19 =	sld [smem:$0x3FFB];
	_ =	sdelay $0x3  }
0x92: {  	_ =	strace s19  }
0x93: {  	s2 =	sld [smem:$0x3FFC];
	_ =	sdelay $0x3  }
0x94: {  	_ =	strace s2  }
0x95: {  	s2 =	sld [smem:$0x3FFD];
	_ =	sdelay $0x3  }
0x96: {  	_ =	strace s2  }
0x97: {  	_ =	strace $0x8FFFFFFF  }
0x98: {  	s20 =	sld [smem:$0x3FDB];
	_ =	sdelay $0x1  }
0x99: {  	s4 =	simm.s32 $_scs_section_size  }
0x9a: {  	s5 =	simm.s32 $_size__tile_overlayer_lowered;
	s6 =	simm.s32 $_tile_overlayer_lowered  }
0x9b: {  	s7 =	simm.s32 $0x1BFF;
	s21 =	sshll.u32 s6, $0x1;
	s4 =	sadd.s32 s4, s20  }
0x9c: {  	s22 =	simm.s32 $0x0;
	s5 =	sshll.u32 s5, $0x1;
	s6 =	sadd.s32 s21, s4  }
0x9d: {  	[timem:s22], [sflag:s7] =	dma.local [hbm:s6], s5  }
0x9e: {  	_ =	swait.ge [sflag:s7], s5  }
0x9f: {  	s5 =	ssub.s32 $0x0, s5;
	[sflag:s7] =	ssyncset.done $0x0  }
0xa0: {  	[sflag:s7] =	ssyncadd.s32 s5;
	_ =	sdelay $0x1  }
0xa1: {  	s23 =	simm.s32 $0x1B8B  }
0xa2: {  	_ =	swait.ge [sflag:s23], $0x1  }
0xa3: {  	[sflag:s23] =	ssyncset.done $0x0  }
0xa4: {  	[sflag:s23] =	ssyncadd.s32 $0xFFFFFFFF  }
0xa5: {  	s5 =	sld [smem:$0x0]  }
0xa6: {  	s6 =	sand.u32 $0xFFFFFFFE, s1  }
0xa7: {  	p0 =	sne.s32 s1, s6  }
0xa8: {  	s6 =	sshll.u32 @p0 s6, $0xE  }
0xa9: {  	s6 =	sadd.s32 @p0 $0x11B8D, s6;
	s7 =	sshll.u32 @p0 s5, $0x11  }
0xaa: {  	s6 =	sor.u32 @p0 s7, s6  }
0xab: {  	[sflag:s6] =	ssyncadd.remote.s32 @p0 $0x1;
	_ =	sdelay $0x1  }
0xac: {  	s6 =	simm.s32 @p0 $0x1B8D  }
0xad: {  	_ =	swait.eq @p0 [sflag:s6], $0x1  }
0xae: {  	[sflag:s6] =	ssyncadd.s32 @p0 $0xFFFFFFFF  }
0xaf: {  	s7 =	sshll.u32 @!p0 s1, $0xE  }
0xb0: {  	s7 =	sor.u32 @!p0 $0x4000, s7;
	s6 =	simm.s32 @!p0 $0x1B8D  }
0xb1: {  	s5 =	sshll.u32 @!p0 s5, $0x11;
	s7 =	sadd.s32 @!p0 $0x11B8D, s7;
	_ =	swait.eq @!p0 [sflag:s6], $0x1  }
0xb2: {  	s5 =	sor.u32 @!p0 s5, s7;
	[sflag:s6] =	ssyncadd.s32 @!p0 $0xFFFFFFFF  }
0xb3: {  	s25 =	simm.s32 $0x1B8E;
	s24 =	sld [smem:$0x3FFE];
	[sflag:s5] =	ssyncadd.remote.s32 @!p0 $0x1  }
0xb4: {  	s26 =	simm.s32 $execute0_lowered;
	[smem:$0x3FD2] =	sst s25  }
0xb5: {  	s6 =	sshll.u32 s26, $0x1;
	_ =	strace $0x8000004F;
	[dreg:$0x1] =	wrdreg $0xFFFFFFFF  }
0xb6: {  	s28 =	simm.s32 $_size_execute0_lowered;
	s4 =	sadd.s32 s4, s6;
	[dreg:$0x0] =	wrdreg $0x0  }
0xb7: {  	s6 =	sshll.u32 s28, $0x1;
	[dreg:$0x2] =	wrdreg s4  }
0xb8: {  	[dreg:$0x3] =	wrdreg s6  }
0xb9: {  	[dreg:$0x4] =	wrdreg $0xC0  }
0xba: {  	_ =	task [dreg:s22], $0x5FFFF  }
0xbb: {  	[dreg:$0x1] =	wrdreg $0xFFFFFFFF  }
0xbc: {  	[dreg:$0x0] =	wrdreg $0x60  }
0xbd: {  	[dreg:$0x2] =	wrdreg s24  }
0xbe: {  	[dreg:$0x3] =	wrdreg s18  }
0xbf: {  	[dreg:$0x4] =	wrdreg $0xC  }
0xc0: {  	_ =	task.clear_ibuf [dreg:s22], $0x5FFFF;
	_ =	strace $0x9000004F  }
0xc1: {  	s29 =	simm.s32 $0xC;
	_ =	strace $0x80000051  }
0xc2: {  	_ =	swait.ge [sflag:s29], $0x1  }
0xc3: {  	[sflag:s29] =	ssyncadd.s32 $0xFFFFFFFF  }
0xc4: {  	_ =	strace $0x90000051  }
0xc5: {  	_ =	sfence  }
0xc6: {  	s30 =	sld [smem:$0x0];
	_ =	sdelay $0x2  }
0xc7: {  	s31 =	sshll.u32 s1, $0xD;
	s1 =	sshrl.u32 s1, $0x2  }
0xc8: {  	s4 =	sand.u32 $0x4000, s31;
	s1 =	sadd.s32 s1, s30  }
0xc9: {  	s0 =	sor.u32 s4, s0;
	s1 =	sshll.u32 s1, $0x11  }
0xca: {  	s0 =	sor.u32 s1, s0  }
0xcb: {  	s0 =	sadd.s32 $0x8F2B, s0  }
0xcc: {  	[sflag:s0] =	ssyncadd.remote.s32 $0x1  }
0xcd: {  	_ =	sfence.sel $0xFFFF  }
0xce: {  	[dreg:$0x0] =	wrdreg $0xFFFFFFFF;
	(pc) =	sbr.abs _section_cstart, $3  }
0xcf: {  	[dreg:$0x1] =	wrdreg $0xFFFFFFFF  }
0xd0: {  	_ =	task.clear_ibuf [dreg:s22], $0x2FFFF;
	_ =	strace $0x9FFFFFFF  }
0xd1: {  	(tm) =	ssettm $0x7FFFFFFF  }
tec
execute0_lowered:
.L_overlay_start_1:
0x0: {  	(tag) =	ssettag $0x1  }
0x1: {  	s1 =	srdreg.scid;
	s0 =	stileid.u32  }
0x2: {  	s21 =	sand.u32 $0x1, s1;
	s30 =	sshll.u32 s0, $0x1  }
0x3: {  	s13 =	sor.u32 s21, s30  }
0x4: {  	s12 =	rddreg [dreg:$0x0];
	s4 =	smul.u32 $0xA0, s13  }
0x5: {  	s2 =	rddreg [dreg:$0x1];
	s3 =	simm.s32 $0x0  }
0x6: {  	s5 =	simm.s32 $0x7;
	[smem:$0x7FF] =	sst s3;
	s4 =	sadd.s32 s4, s12  }
0x7: {  	s1 =	rddreg [dreg:$0x2];
	_ =	strace $0x80000050;
	s4 =	sadd.s32 $0x6600, s4  }
0x8: {  	[tilespmem:s3], [sflag:$0x7] =	stream.linear.gather [hbm4b:s4+s3], $0x500, $0x38;
	[tilespmem:$0x1E500] =	vst v63  }
0x9: {  	_ =	swait.ge [sflag:s5], $0x500  }
0xa: {  	[sflag:s5] =	ssyncset.done $0x0  }
0xb: {  	s6 =	simm.s32 $0x140;
	s7 =	simm.s32 $0x500;
	[sflag:s5] =	ssyncadd.s32 $0xFFFFFB00  }
0xc: {  	[tilespmem:s7], [sflag:$0x1] =	stream.indirect.gather [hbm4b:s2+s6], $0x80, s3, s6, $0xb8;
	[tilespmem:$0x1E500] =	vst v63  }
0xd: {  	s8 =	simm.s32 $0xA500  }
0xe: {  	[tilespmem:s8], [sflag:$0x2] =	stream.indirect.gather [hbm4b:s2+s6], $0x80, s6, s6, $0xb8;
	[tilespmem:$0x1E500] =	vst v63  }
0xf: {  	s9 =	simm.s32 $0x280;
	s10 =	simm.s32 $0x14500;
	s11 =	simm.s32 $0x1  }
0x10: {  	[tilespmem:s10], [sflag:$0x3] =	stream.indirect.gather [hbm4b:s2+s6], $0x80, s9, s6, $0xb8;
	[tilespmem:$0x1E500] =	vst v63  }
0x11: {  	s14 =	smul.u32 $0x5000, s13;
	_ =	swait.ge [sflag:s11], $0xA000  }
0x12: {  	s15 =	sadd.s32 $0x148E00, s12;
	s31 =	smul.u32 $0x28000, s13;
	[sflag:s11] =	ssyncset.done $0x0  }
0x13: {  	s13 =	simm.s32 $0x2;
	s12 =	sadd.s32 s15, s14;
	[sflag:s11] =	ssyncadd.s32 $0xFFFF6000  }
0x14: {  	[hbm4b:s12+s3] =	stream.linear.scatter [tilespmem:s7], [sflag:$0x4], $0xA000, $0x38;
	[tilespmem:$0x1E500] =	vst v63  }
0x15: {  	s14 =	sshrl.u32 s31, $0x3;
	_ =	swait.ge [sflag:s13], $0xA000  }
0x16: {  	s19 =	sadd.s32 s15, s14;
	[sflag:s13] =	ssyncset.done $0x0  }
0x17: {  	s14 =	simm.s32 $0x4;
	s15 =	sadd.s32 $0x1400, s19;
	[sflag:s13] =	ssyncadd.s32 $0xFFFF6000  }
0x18: {  	[hbm4b:s15+s3] =	stream.linear.scatter [tilespmem:s8], [sflag:$0x5], $0xA000, $0x38;
	[tilespmem:$0x1E500] =	vst v63  }
0x19: {  	_ =	swait.ge [sflag:s14], $0xA000  }
0x1a: {  	[sflag:s14] =	ssyncset.done $0x0  }
0x1b: {  	s16 =	simm.s32 $0x3C0;
	s17 =	simm.s32 $0x3;
	[sflag:s14] =	ssyncadd.s32 $0xFFFF6000  }
0x1c: {  	[tilespmem:s7], [sflag:$0x1] =	stream.indirect.gather [hbm4b:s2+s6], $0x80, s16, s6, $0xb8;
	[tilespmem:$0x1E500] =	vst v63  }
0x1d: {  	_ =	swait.ge [sflag:s17], $0xA000  }
0x1e: {  	[sflag:s17] =	ssyncset.done $0x0  }
0x1f: {  	s18 =	sadd.s32 $0x2800, s19;
	[sflag:s17] =	ssyncadd.s32 $0xFFFF6000  }
0x20: {  	[hbm4b:s18+s3] =	stream.linear.scatter [tilespmem:s10], [sflag:$0x6], $0xA000, $0x38;
	[tilespmem:$0x1E500] =	vst v63  }
0x21: {  	_ =	swait.ge [sflag:s11], $0xA000  }
0x22: {  	s20 =	simm.s32 $0x5;
	s22 =	ssub.s32 $0x2, s21;
	[sflag:s11] =	ssyncset.done $0x0  }
0x23: {  	s23 =	sshrl.u32 s22, $0x1;
	s19 =	sadd.s32 $0x3C00, s19;
	[sflag:s11] =	ssyncadd.s32 $0xFFFF6000  }
0x24: {  	[hbm4b:s19+s3] =	stream.linear.scatter [tilespmem:s7], [sflag:$0x4], $0xA000, $0x38;
	[tilespmem:$0x1E500] =	vst v63  }
0x25: {  	s22 =	ssub.s32 s22, s23;
	_ =	swait.ge [sflag:s20], $0xA000  }
0x26: {  	s22 =	smax.u32 s22, $0x1;
	[sflag:s20] =	ssyncset.done $0x0  }
0x27: {  	s21 =	simm.s32 $0x6;
	p0 =	sne.s32 s22, $0x1;
	[sflag:s20] =	ssyncadd.s32 $0xFFFF6000  }
.Ltmp0:
0x28: {  	_ =	swait.ge [sflag:s21], $0xA000;
	(pc) =	sbr.rel @!p0 .LBB2_2-.Ltmp0, $4  }
0x29: {  	[sflag:s21] =	ssyncset.done $0x0  }
0x2a: {  	[sflag:s21] =	ssyncadd.s32 $0xFFFF6000  }
0x2b: {  	_ =	swait.ge [sflag:s14], $0xA000  }
0x2c: {  	s22 =	sadd.s32 $0xFFFFFFFF, s22;
	[sflag:s14] =	ssyncset.done $0x0  }
.LBB2_1:
0x2d: {  	p0 =	sne.s32 s22, $0x1;
	s22 =	sadd.s32 $0xFFFFFFFF, s22;
	[sflag:s14] =	ssyncadd.s32 $0xFFFF6000  }
0x2e: {  	[tilespmem:s3], [sflag:$0x7] =	stream.linear.gather [hbm4b:s4+s3], $0x500, $0x38;
	[tilespmem:$0x1E500] =	vst v63  }
0x2f: {  	_ =	swait.ge [sflag:s5], $0x500  }
0x30: {  	[sflag:s5] =	ssyncset.done $0x0  }
0x31: {  	[sflag:s5] =	ssyncadd.s32 $0xFFFFFB00  }
0x32: {  	[tilespmem:s7], [sflag:$0x1] =	stream.indirect.gather [hbm4b:s2+s6], $0x80, s3, s6, $0xb8;
	[tilespmem:$0x1E500] =	vst v63  }
0x33: {  	_ = 	snop  }
0x34: {  	[tilespmem:s8], [sflag:$0x2] =	stream.indirect.gather [hbm4b:s2+s6], $0x80, s6, s6, $0xb8;
	[tilespmem:$0x1E500] =	vst v63  }
0x35: {  	_ = 	snop  }
0x36: {  	[tilespmem:s10], [sflag:$0x3] =	stream.indirect.gather [hbm4b:s2+s6], $0x80, s9, s6, $0xb8;
	[tilespmem:$0x1E500] =	vst v63  }
0x37: {  	_ =	swait.ge [sflag:s11], $0xA000  }
0x38: {  	[sflag:s11] =	ssyncset.done $0x0  }
0x39: {  	[sflag:s11] =	ssyncadd.s32 $0xFFFF6000  }
0x3a: {  	[hbm4b:s12+s3] =	stream.linear.scatter [tilespmem:s7], [sflag:$0x4], $0xA000, $0x38;
	[tilespmem:$0x1E500] =	vst v63  }
0x3b: {  	_ =	swait.ge [sflag:s13], $0xA000  }
0x3c: {  	[sflag:s13] =	ssyncset.done $0x0  }
0x3d: {  	[sflag:s13] =	ssyncadd.s32 $0xFFFF6000  }
0x3e: {  	[hbm4b:s15+s3] =	stream.linear.scatter [tilespmem:s8], [sflag:$0x5], $0xA000, $0x38;
	[tilespmem:$0x1E500] =	vst v63  }
0x3f: {  	_ =	swait.ge [sflag:s14], $0xA000  }
0x40: {  	[sflag:s14] =	ssyncset.done $0x0  }
0x41: {  	[sflag:s14] =	ssyncadd.s32 $0xFFFF6000  }
0x42: {  	[tilespmem:s7], [sflag:$0x1] =	stream.indirect.gather [hbm4b:s2+s6], $0x80, s16, s6, $0xb8;
	[tilespmem:$0x1E500] =	vst v63  }
0x43: {  	_ =	swait.ge [sflag:s17], $0xA000  }
0x44: {  	[sflag:s17] =	ssyncset.done $0x0  }
0x45: {  	[sflag:s17] =	ssyncadd.s32 $0xFFFF6000  }
0x46: {  	[hbm4b:s18+s3] =	stream.linear.scatter [tilespmem:s10], [sflag:$0x6], $0xA000, $0x38;
	[tilespmem:$0x1E500] =	vst v63  }
0x47: {  	_ =	swait.ge [sflag:s11], $0xA000  }
0x48: {  	[sflag:s11] =	ssyncset.done $0x0  }
0x49: {  	[sflag:s11] =	ssyncadd.s32 $0xFFFF6000  }
0x4a: {  	[hbm4b:s19+s3] =	stream.linear.scatter [tilespmem:s7], [sflag:$0x4], $0xA000, $0x38;
	[tilespmem:$0x1E500] =	vst v63  }
0x4b: {  	_ =	swait.ge [sflag:s20], $0xA000  }
0x4c: {  	[sflag:s20] =	ssyncset.done $0x0  }
0x4d: {  	[sflag:s20] =	ssyncadd.s32 $0xFFFF6000  }
.Ltmp1:
0x4e: {  	_ =	swait.ge [sflag:s21], $0xA000;
	(pc) =	sbr.rel @p0 .LBB2_1-.Ltmp1, $4  }
0x4f: {  	[sflag:s21] =	ssyncset.done $0x0  }
0x50: {  	[sflag:s21] =	ssyncadd.s32 $0xFFFF6000  }
0x51: {  	_ =	swait.ge [sflag:s14], $0xA000  }
0x52: {  	[sflag:s14] =	ssyncset.done $0x0  }
.LBB2_2:
0x53: {  	[sflag:s14] =	ssyncadd.s32 $0xFFFF6000  }
0x54: {  	_ =	sfence.sel $0x180000  }
0x55: {  	[bflag:$0x0] =	sbarrier.arrive $0xFFFF  }
0x56: {  	p0 =	sne.s32 s0, $0x0;
	_ =	strace $0x90000050  }
0x57: {  	s0 =	sadd.s32 @!p0 $0x100000, s1;
	[bflag:$0x2] =	sbarrier.arrive $0xFFFF  }
0x58: {  	[sflag:s0] =	ssyncadd.tile.s32 @!p0 $0x1;
	_ =	shalt  }
.Lfunc_end2:
_tile_overlayer_lowered:
.L_overlay_start_2:
0x59: {  	(tag) =	ssettag $0x2  }
0x5a: {  	s0 =	rddreg [dreg:$0x0];
	s2 =	stileid.u32  }
0x5b: {  	s1 =	rddreg [dreg:$0x1];
	p0 =	sne.s32 s2, $0x0  }
0x5c: {  	s3 =	rddreg [dreg:$0x2];
	[bflag:$0x3] =	sbarrier.arrive $0xFFFF;
	s2 =	simm.s32 @!p0 $0x1C07  }
0x5d: {  	[timem:s3], [sflag:s2] =	dma.local @!p0 [hbm:s0], s1  }
0x5e: {  	s0 =	simm.s32 @!p0 $0x7  }
0x5f: {  	_ =	swait.ge @!p0 [sflag:s0], s1  }
0x60: {  	s1 =	ssub.s32 @!p0 $0x0, s1;
	[sflag:s0] =	ssyncset.done @!p0 $0x0  }
0x61: {  	[sflag:s0] =	ssyncadd.s32 @!p0 s1  }
0x62: {  	[bflag:$0x3] =	sbarrier.arrive $0xFFFF  }
0x63: {  	_ =	shalt  }

// kernel: kernel.24.cloned.1.call-start
scs
__scs_entry_jumppad:
0x0: {  	(pc) =	sbr.rel $0x88, $3  }
0x1: {  	(tag) =	ssettag $0x0;
	lr =	simm.s32 $0x1  }
0x2: {  	[smem:$0x3F9B] =	sst lr;
	_ =	strace $0xD0000000  }
0x3: {  	_ = 	snop  }
0x4: {  	_ = 	snop  }
0x5: {  	_ = 	snop  }
0x6: {  	_ = 	snop  }
0x7: {  	_ = 	snop  }
__scs_overlays_trampoline_lowered:
0x8: {  	[smem:$0x3FAA] =	sst s0  }
0x9: {  	[smem:$0x3FAB] =	sst s1  }
0xa: {  	[smem:$0x3FAC] =	sst s2  }
0xb: {  	[smem:$0x3FAD] =	sst s3  }
0xc: {  	[smem:$0x3FAE] =	sst s4  }
0xd: {  	[smem:$0x3FAF] =	sst s5  }
0xe: {  	[smem:$0x3FB0] =	sst s6  }
0xf: {  	[smem:$0x3FB1] =	sst s7  }
0x10: {  	[smem:$0x3FB2] =	sst s8  }
0x11: {  	[smem:$0x3FB3] =	sst s9;
	s0 =	simm.s32 @!p0 $0x0  }
0x12: {  	s1 =	sld [smem:$0x3F99];
	s0 =	simm.s32 @p0 $0x1  }
0x13: {  	[smem:$0x3FB4] =	sst s0;
	s0 =	simm.s32 @!p1 $0x0  }
0x14: {  	s2 =	sld [smem:$0x3F98];
	s0 =	simm.s32 @p1 $0x1  }
0x15: {  	[smem:$0x3FB5] =	sst s0;
	s0 =	simm.s32 @!p2 $0x0  }
0x16: {  	s3 =	sld [smem:$0x3FDB];
	s0 =	simm.s32 @p2 $0x1  }
0x17: {  	s4 =	simm.s32 $0x1BF5;
	[smem:$0x3FB7] =	sst s0  }
0x18: {  	s0 =	sld [smem:$0x3F9A];
	_ =	swait.ge [sflag:s4], $0x0  }
0x19: {  	s7 =	sld [smem:$0x3F9B]  }
0x1a: {  	s8 =	sadd.s32 $0xFFFFE003, lr  }
0x1b: {  	s9 =	sadd.s32 $0xFFFFFEF7, lr;
	s5 =	simm.s32 $0xFFFFFFFF;
	p2 =	slt.u32 s8, $0xFFFFF086  }
0x1c: {  	p1 =	slt.u32 s9, $0xF7A;
	s5 =	simm.s32 @!p2 $0x0  }
0x1d: {  	s5 =	simm.s32 @p1 $0x1;
	p0 =	seq.s32 s7, s2  }
0x1e: {  	s7 =	smul.u32 @!p0 $0xF7A, s2;
	p2 =	seq.s32 @!p0 s5, $0x0  }
0x1f: {  	s9 =	smul.u32 $0xF7A, s1;
	s8 =	simm.s32 @!p0 $0x1BF5;
	p2 =	por !p2, p0  }
0x20: {  	[sflag:s8] =	ssyncset.s32 @!p0 $0xFFFFF086;
	s6 =	sadd.s32 @!p0 s3, s7;
	s7 =	simm.s32 @!p0 $0x108  }
0x21: {  	s3 =	sadd.s32 s3, s9;
	s6 =	sadd.s32 @!p0 $0x88, s6;
	s7 =	simm.s32 @p2 $0x1082  }
0x22: {  	[simem:s7], [sflag:s8] =	dma.local @!p0 [hbm:s6], $0xF7A  }
0x23: {  	s9 =	sor.u32 $0xD0000000, s2;
	s6 =	simm.s32 $0x108;
	_ =	swait.ge @!p0 [sflag:s8], $0x0  }
0x24: {  	s3 =	sadd.s32 $0x88, s3;
	s6 =	simm.s32 @!p1 $0x1082;
	[sflag:s4] =	ssyncset.s32 $0xFFFFF086  }
0x25: {  	[simem:s6], [sflag:s4] =	dma.local [hbm:s3], $0xF7A  }
0x26: {  	[smem:$0x3F9B] =	sst s1;
	(tag) =	ssettag s2;
	_ =	strace s9  }
0x27: {  	s1 =	sld [smem:$0x3FAB]  }
0x28: {  	s2 =	sld [smem:$0x3FAC]  }
0x29: {  	s4 =	sld [smem:$0x3FAE]  }
0x2a: {  	p0 =	seq.s32 s5, $0x0;
	s5 =	sld [smem:$0x3FAF]  }
0x2b: {  	s6 =	sld [smem:$0x3FB0]  }
0x2c: {  	s7 =	sld [smem:$0x3FB1]  }
0x2d: {  	s3 =	simm.s32 $0x108;
	s8 =	sld [smem:$0x3FB2]  }
0x2e: {  	s3 =	simm.s32 @!p0 $0x1082;
	s9 =	sld [smem:$0x3FB3]  }
0x2f: {  	lr =	sadd.s32 s0, s3;
	s0 =	sld [smem:$0x3FAA]  }
0x30: {  	s3 =	sld [smem:$0x3FAD]  }
0x31: {  	[smem:$0x3FB6] =	sst s10  }
0x32: {  	s10 =	sld [smem:$0x3FB4];
	_ =	sdelay $0x3  }
0x33: {  	p0 =	seq.s32 s10, $0x1;
	s10 =	sld [smem:$0x3FB6];
	_ =	sdelay $0x3  }
0x34: {  	[smem:$0x3FB6] =	sst s10  }
0x35: {  	s10 =	sld [smem:$0x3FB5];
	_ =	sdelay $0x3  }
0x36: {  	p1 =	seq.s32 s10, $0x1;
	s10 =	sld [smem:$0x3FB6];
	_ =	sdelay $0x3  }
0x37: {  	[smem:$0x3FB6] =	sst s10  }
0x38: {  	s10 =	sld [smem:$0x3FB7]  }
0x39: {  	_ = 	snop;
	(pc) =	sbr.ind lr, $3  }
0x3a: {  	_ = 	snop  }
0x3b: {  	_ = 	snop  }
0x3c: {  	p2 =	seq.s32 s10, $0x1;
	s10 =	sld [smem:$0x3FB6]  }
0x3d: {  	_ =	shalt  }
0x3e: {  	_ =	shalt  }
0x3f: {  	_ =	shalt  }
0x40: {  	_ =	shalt  }
0x41: {  	_ =	shalt  }
0x42: {  	_ =	shalt  }
0x43: {  	_ =	shalt  }
0x44: {  	_ =	shalt  }
0x45: {  	_ =	shalt  }
0x46: {  	_ =	shalt  }
0x47: {  	_ =	shalt  }
0x48: {  	_ =	shalt  }
0x49: {  	_ =	shalt  }
0x4a: {  	_ =	shalt  }
0x4b: {  	_ =	shalt  }
0x4c: {  	_ =	shalt  }
0x4d: {  	_ =	shalt  }
0x4e: {  	_ =	shalt  }
0x4f: {  	_ =	shalt  }
0x50: {  	_ =	shalt  }
0x51: {  	_ =	shalt  }
0x52: {  	_ =	shalt  }
0x53: {  	_ =	shalt  }
0x54: {  	_ =	shalt  }
0x55: {  	_ =	shalt  }
0x56: {  	_ =	shalt  }
0x57: {  	_ =	shalt  }
0x58: {  	_ =	shalt  }
0x59: {  	_ =	shalt  }
0x5a: {  	_ =	shalt  }
0x5b: {  	_ =	shalt  }
0x5c: {  	_ =	shalt  }
0x5d: {  	_ =	shalt  }
0x5e: {  	_ =	shalt  }
0x5f: {  	_ =	shalt  }
0x60: {  	_ =	shalt  }
0x61: {  	_ =	shalt  }
0x62: {  	_ =	shalt  }
0x63: {  	_ =	shalt  }
0x64: {  	_ =	shalt  }
0x65: {  	_ =	shalt  }
0x66: {  	_ =	shalt  }
0x67: {  	_ =	shalt  }
0x68: {  	_ =	shalt  }
0x69: {  	_ =	shalt  }
0x6a: {  	_ =	shalt  }
0x6b: {  	_ =	shalt  }
0x6c: {  	_ =	shalt  }
0x6d: {  	_ =	shalt  }
0x6e: {  	_ =	shalt  }
0x6f: {  	_ =	shalt  }
0x70: {  	_ =	shalt  }
0x71: {  	_ =	shalt  }
0x72: {  	_ =	shalt  }
0x73: {  	_ =	shalt  }
0x74: {  	_ =	shalt  }
0x75: {  	_ =	shalt  }
0x76: {  	_ =	shalt  }
0x77: {  	_ =	shalt  }
0x78: {  	_ =	shalt  }
0x79: {  	_ =	shalt  }
0x7a: {  	_ =	shalt  }
0x7b: {  	_ =	shalt  }
0x7c: {  	_ =	shalt  }
0x7d: {  	_ =	shalt  }
0x7e: {  	_ =	shalt  }
0x7f: {  	_ =	shalt  }
0x80: {  	_ =	shalt  }
0x81: {  	_ =	shalt  }
0x82: {  	_ =	shalt  }
0x83: {  	_ =	shalt  }
0x84: {  	_ =	shalt  }
0x85: {  	_ =	shalt  }
0x86: {  	_ =	shalt  }
0x87: {  	_ =	shalt  }
.Lfunc_end0:
.L_simem_size_0:
called_computation.4_lowered:
.L_overlay_start_0:
0x88: {  	s2 =	sld [smem:$0x3FD9]  }
0x89: {  	s3 =	sld [smem:$0x3FFE];
	_ =	sdelay $0x1  }
0x8a: {  	s1 =	srdreg.scid  }
0x8b: {  	s0 =	sand.u32 $0x1, s1  }
0x8c: {  	s17 =	sshll.u32 s0, $0xA;
	s2 =	sadd.s32 s3, s2  }
0x8d: {  	s2 =	sadd.s32 s2, s17  }
0x8e: {  	[smem:$0x3FC2] =	sst s2  }
0x8f: {  	_ = 	snop  }
0x90: {  	s18 =	sld [smem:$0x3FC8];
	(tm) =	ssettm $0x1  }
0x91: {  	s19 =	sld [smem:$0x3FFB];
	_ =	sdelay $0x3  }
0x92: {  	_ =	strace s19  }
0x93: {  	s2 =	sld [smem:$0x3FFC];
	_ =	sdelay $0x3  }
0x94: {  	_ =	strace s2  }
0x95: {  	s2 =	sld [smem:$0x3FFD];
	_ =	sdelay $0x3  }
0x96: {  	_ =	strace s2  }
0x97: {  	_ =	strace $0x8FFFFFFF  }
0x98: {  	s20 =	sld [smem:$0x3FDB];
	_ =	sdelay $0x1  }
0x99: {  	s4 =	simm.s32 $_scs_section_size  }
0x9a: {  	s5 =	simm.s32 $_size__tile_overlayer_lowered;
	s6 =	simm.s32 $_tile_overlayer_lowered  }
0x9b: {  	s7 =	simm.s32 $0x1BFF;
	s21 =	sshll.u32 s6, $0x1;
	s4 =	sadd.s32 s4, s20  }
0x9c: {  	s22 =	simm.s32 $0x0;
	s5 =	sshll.u32 s5, $0x1;
	s6 =	sadd.s32 s21, s4  }
0x9d: {  	[timem:s22], [sflag:s7] =	dma.local [hbm:s6], s5  }
0x9e: {  	_ =	swait.ge [sflag:s7], s5  }
0x9f: {  	s5 =	ssub.s32 $0x0, s5;
	[sflag:s7] =	ssyncset.done $0x0  }
0xa0: {  	[sflag:s7] =	ssyncadd.s32 s5;
	_ =	sdelay $0x1  }
0xa1: {  	s23 =	simm.s32 $0x1B8B  }
0xa2: {  	_ =	swait.ge [sflag:s23], $0x1  }
0xa3: {  	[sflag:s23] =	ssyncset.done $0x0  }
0xa4: {  	[sflag:s23] =	ssyncadd.s32 $0xFFFFFFFF  }
0xa5: {  	s5 =	sld [smem:$0x0]  }
0xa6: {  	s6 =	sand.u32 $0xFFFFFFFE, s1  }
0xa7: {  	p0 =	sne.s32 s1, s6  }
0xa8: {  	s6 =	sshll.u32 @p0 s6, $0xE  }
0xa9: {  	s6 =	sadd.s32 @p0 $0x11B8D, s6;
	s7 =	sshll.u32 @p0 s5, $0x11  }
0xaa: {  	s6 =	sor.u32 @p0 s7, s6  }
0xab: {  	[sflag:s6] =	ssyncadd.remote.s32 @p0 $0x1;
	_ =	sdelay $0x1  }
0xac: {  	s6 =	simm.s32 @p0 $0x1B8D  }
0xad: {  	_ =	swait.eq @p0 [sflag:s6], $0x1  }
0xae: {  	[sflag:s6] =	ssyncadd.s32 @p0 $0xFFFFFFFF  }
0xaf: {  	s7 =	sshll.u32 @!p0 s1, $0xE  }
0xb0: {  	s7 =	sor.u32 @!p0 $0x4000, s7;
	s6 =	simm.s32 @!p0 $0x1B8D  }
0xb1: {  	s5 =	sshll.u32 @!p0 s5, $0x11;
	s7 =	sadd.s32 @!p0 $0x11B8D, s7;
	_ =	swait.eq @!p0 [sflag:s6], $0x1  }
0xb2: {  	s5 =	sor.u32 @!p0 s5, s7;
	[sflag:s6] =	ssyncadd.s32 @!p0 $0xFFFFFFFF  }
0xb3: {  	s25 =	simm.s32 $0x1B8E;
	s24 =	sld [smem:$0x3FFE];
	[sflag:s5] =	ssyncadd.remote.s32 @!p0 $0x1  }
0xb4: {  	s26 =	simm.s32 $execute0_lowered;
	[smem:$0x3FD2] =	sst s25  }
0xb5: {  	s6 =	sshll.u32 s26, $0x1;
	_ =	strace $0x80000052;
	[dreg:$0x1] =	wrdreg $0xFFFFFFFF  }
0xb6: {  	s28 =	simm.s32 $_size_execute0_lowered;
	s4 =	sadd.s32 s4, s6;
	[dreg:$0x0] =	wrdreg $0x0  }
0xb7: {  	s6 =	sshll.u32 s28, $0x1;
	[dreg:$0x2] =	wrdreg s4  }
0xb8: {  	[dreg:$0x3] =	wrdreg s6  }
0xb9: {  	[dreg:$0x4] =	wrdreg $0xC0  }
0xba: {  	_ =	task [dreg:s22], $0x5FFFF  }
0xbb: {  	[dreg:$0x1] =	wrdreg $0xFFFFFFFF  }
0xbc: {  	[dreg:$0x0] =	wrdreg $0x60  }
0xbd: {  	[dreg:$0x2] =	wrdreg s24  }
0xbe: {  	[dreg:$0x3] =	wrdreg s18  }
0xbf: {  	[dreg:$0x4] =	wrdreg $0xD  }
0xc0: {  	_ =	task.clear_ibuf [dreg:s22], $0x5FFFF;
	_ =	strace $0x90000052  }
0xc1: {  	s29 =	simm.s32 $0xD;
	_ =	strace $0x80000054  }
0xc2: {  	_ =	swait.ge [sflag:s29], $0x1  }
0xc3: {  	[sflag:s29] =	ssyncadd.s32 $0xFFFFFFFF  }
0xc4: {  	_ =	strace $0x90000054  }
0xc5: {  	_ =	sfence  }
0xc6: {  	s30 =	sld [smem:$0x0];
	_ =	sdelay $0x2  }
0xc7: {  	s31 =	sshll.u32 s1, $0xD;
	s1 =	sshrl.u32 s1, $0x2  }
0xc8: {  	s4 =	sand.u32 $0x4000, s31;
	s1 =	sadd.s32 s1, s30  }
0xc9: {  	s0 =	sor.u32 s4, s0;
	s1 =	sshll.u32 s1, $0x11  }
0xca: {  	s0 =	sor.u32 s1, s0  }
0xcb: {  	s0 =	sadd.s32 $0x8F2B, s0  }
0xcc: {  	[sflag:s0] =	ssyncadd.remote.s32 $0x1  }
0xcd: {  	_ =	sfence.sel $0xFFFF  }
0xce: {  	[dreg:$0x0] =	wrdreg $0xFFFFFFFF;
	(pc) =	sbr.abs _section_cstart, $3  }
0xcf: {  	[dreg:$0x1] =	wrdreg $0xFFFFFFFF  }
0xd0: {  	_ =	task.clear_ibuf [dreg:s22], $0x2FFFF;
	_ =	strace $0x9FFFFFFF  }
0xd1: {  	(tm) =	ssettm $0x7FFFFFFF  }
tec
execute0_lowered:
.L_overlay_start_1:
0x0: {  	(tag) =	ssettag $0x1  }
0x1: {  	s1 =	srdreg.scid;
	s0 =	stileid.u32  }
0x2: {  	s21 =	sand.u32 $0x1, s1;
	s30 =	sshll.u32 s0, $0x1  }
0x3: {  	s13 =	sor.u32 s21, s30  }
0x4: {  	s12 =	rddreg [dreg:$0x0];
	s4 =	smul.u32 $0xA0, s13  }
0x5: {  	s2 =	rddreg [dreg:$0x1];
	s3 =	simm.s32 $0x0  }
0x6: {  	s5 =	simm.s32 $0x7;
	[smem:$0x7FF] =	sst s3;
	s4 =	sadd.s32 s4, s12  }
0x7: {  	s1 =	rddreg [dreg:$0x2];
	_ =	strace $0x80000053;
	s4 =	sadd.s32 $0x7A00, s4  }
0x8: {  	[tilespmem:s3], [sflag:$0x7] =	stream.linear.gather [hbm4b:s4+s3], $0x500, $0x38;
	[tilespmem:$0x1E500] =	vst v63  }
0x9: {  	_ =	swait.ge [sflag:s5], $0x500  }
0xa: {  	[sflag:s5] =	ssyncset.done $0x0  }
0xb: {  	s6 =	simm.s32 $0x140;
	s7 =	simm.s32 $0x500;
	[sflag:s5] =	ssyncadd.s32 $0xFFFFFB00  }
0xc: {  	[tilespmem:s7], [sflag:$0x1] =	stream.indirect.gather [hbm4b:s2+s6], $0x80, s3, s6, $0xb8;
	[tilespmem:$0x1E500] =	vst v63  }
0xd: {  	s8 =	simm.s32 $0xA500  }
0xe: {  	[tilespmem:s8], [sflag:$0x2] =	stream.indirect.gather [hbm4b:s2+s6], $0x80, s6, s6, $0xb8;
	[tilespmem:$0x1E500] =	vst v63  }
0xf: {  	s9 =	simm.s32 $0x280;
	s10 =	simm.s32 $0x14500;
	s11 =	simm.s32 $0x1  }
0x10: {  	[tilespmem:s10], [sflag:$0x3] =	stream.indirect.gather [hbm4b:s2+s6], $0x80, s9, s6, $0xb8;
	[tilespmem:$0x1E500] =	vst v63  }
0x11: {  	s14 =	smul.u32 $0x5000, s13;
	_ =	swait.ge [sflag:s11], $0xA000  }
0x12: {  	s15 =	sadd.s32 $0x1E8E00, s12;
	s31 =	smul.u32 $0x28000, s13;
	[sflag:s11] =	ssyncset.done $0x0  }
0x13: {  	s13 =	simm.s32 $0x2;
	s12 =	sadd.s32 s15, s14;
	[sflag:s11] =	ssyncadd.s32 $0xFFFF6000  }
0x14: {  	[hbm4b:s12+s3] =	stream.linear.scatter [tilespmem:s7], [sflag:$0x4], $0xA000, $0x38;
	[tilespmem:$0x1E500] =	vst v63  }
0x15: {  	s14 =	sshrl.u32 s31, $0x3;
	_ =	swait.ge [sflag:s13], $0xA000  }
0x16: {  	s19 =	sadd.s32 s15, s14;
	[sflag:s13] =	ssyncset.done $0x0  }
0x17: {  	s14 =	simm.s32 $0x4;
	s15 =	sadd.s32 $0x1400, s19;
	[sflag:s13] =	ssyncadd.s32 $0xFFFF6000  }
0x18: {  	[hbm4b:s15+s3] =	stream.linear.scatter [tilespmem:s8], [sflag:$0x5], $0xA000, $0x38;
	[tilespmem:$0x1E500] =	vst v63  }
0x19: {  	_ =	swait.ge [sflag:s14], $0xA000  }
0x1a: {  	[sflag:s14] =	ssyncset.done $0x0  }
0x1b: {  	s16 =	simm.s32 $0x3C0;
	s17 =	simm.s32 $0x3;
	[sflag:s14] =	ssyncadd.s32 $0xFFFF6000  }
0x1c: {  	[tilespmem:s7], [sflag:$0x1] =	stream.indirect.gather [hbm4b:s2+s6], $0x80, s16, s6, $0xb8;
	[tilespmem:$0x1E500] =	vst v63  }
0x1d: {  	_ =	swait.ge [sflag:s17], $0xA000  }
0x1e: {  	[sflag:s17] =	ssyncset.done $0x0  }
0x1f: {  	s18 =	sadd.s32 $0x2800, s19;
	[sflag:s17] =	ssyncadd.s32 $0xFFFF6000  }
0x20: {  	[hbm4b:s18+s3] =	stream.linear.scatter [tilespmem:s10], [sflag:$0x6], $0xA000, $0x38;
	[tilespmem:$0x1E500] =	vst v63  }
0x21: {  	_ =	swait.ge [sflag:s11], $0xA000  }
0x22: {  	s20 =	simm.s32 $0x5;
	s22 =	ssub.s32 $0x2, s21;
	[sflag:s11] =	ssyncset.done $0x0  }
0x23: {  	s23 =	sshrl.u32 s22, $0x1;
	s19 =	sadd.s32 $0x3C00, s19;
	[sflag:s11] =	ssyncadd.s32 $0xFFFF6000  }
0x24: {  	[hbm4b:s19+s3] =	stream.linear.scatter [tilespmem:s7], [sflag:$0x4], $0xA000, $0x38;
	[tilespmem:$0x1E500] =	vst v63  }
0x25: {  	s22 =	ssub.s32 s22, s23;
	_ =	swait.ge [sflag:s20], $0xA000  }
0x26: {  	s22 =	smax.u32 s22, $0x1;
	[sflag:s20] =	ssyncset.done $0x0  }
0x27: {  	s21 =	simm.s32 $0x6;
	p0 =	sne.s32 s22, $0x1;
	[sflag:s20] =	ssyncadd.s32 $0xFFFF6000  }
.Ltmp0:
0x28: {  	_ =	swait.ge [sflag:s21], $0xA000;
	(pc) =	sbr.rel @!p0 .LBB2_2-.Ltmp0, $4  }
0x29: {  	[sflag:s21] =	ssyncset.done $0x0  }
0x2a: {  	[sflag:s21] =	ssyncadd.s32 $0xFFFF6000  }
0x2b: {  	_ =	swait.ge [sflag:s14], $0xA000  }
0x2c: {  	s22 =	sadd.s32 $0xFFFFFFFF, s22;
	[sflag:s14] =	ssyncset.done $0x0  }
.LBB2_1:
0x2d: {  	p0 =	sne.s32 s22, $0x1;
	s22 =	sadd.s32 $0xFFFFFFFF, s22;
	[sflag:s14] =	ssyncadd.s32 $0xFFFF6000  }
0x2e: {  	[tilespmem:s3], [sflag:$0x7] =	stream.linear.gather [hbm4b:s4+s3], $0x500, $0x38;
	[tilespmem:$0x1E500] =	vst v63  }
0x2f: {  	_ =	swait.ge [sflag:s5], $0x500  }
0x30: {  	[sflag:s5] =	ssyncset.done $0x0  }
0x31: {  	[sflag:s5] =	ssyncadd.s32 $0xFFFFFB00  }
0x32: {  	[tilespmem:s7], [sflag:$0x1] =	stream.indirect.gather [hbm4b:s2+s6], $0x80, s3, s6, $0xb8;
	[tilespmem:$0x1E500] =	vst v63  }
0x33: {  	_ = 	snop  }
0x34: {  	[tilespmem:s8], [sflag:$0x2] =	stream.indirect.gather [hbm4b:s2+s6], $0x80, s6, s6, $0xb8;
	[tilespmem:$0x1E500] =	vst v63  }
0x35: {  	_ = 	snop  }
0x36: {  	[tilespmem:s10], [sflag:$0x3] =	stream.indirect.gather [hbm4b:s2+s6], $0x80, s9, s6, $0xb8;
	[tilespmem:$0x1E500] =	vst v63  }
0x37: {  	_ =	swait.ge [sflag:s11], $0xA000  }
0x38: {  	[sflag:s11] =	ssyncset.done $0x0  }
0x39: {  	[sflag:s11] =	ssyncadd.s32 $0xFFFF6000  }
0x3a: {  	[hbm4b:s12+s3] =	stream.linear.scatter [tilespmem:s7], [sflag:$0x4], $0xA000, $0x38;
	[tilespmem:$0x1E500] =	vst v63  }
0x3b: {  	_ =	swait.ge [sflag:s13], $0xA000  }
0x3c: {  	[sflag:s13] =	ssyncset.done $0x0  }
0x3d: {  	[sflag:s13] =	ssyncadd.s32 $0xFFFF6000  }
0x3e: {  	[hbm4b:s15+s3] =	stream.linear.scatter [tilespmem:s8], [sflag:$0x5], $0xA000, $0x38;
	[tilespmem:$0x1E500] =	vst v63  }
0x3f: {  	_ =	swait.ge [sflag:s14], $0xA000  }
0x40: {  	[sflag:s14] =	ssyncset.done $0x0  }
0x41: {  	[sflag:s14] =	ssyncadd.s32 $0xFFFF6000  }
0x42: {  	[tilespmem:s7], [sflag:$0x1] =	stream.indirect.gather [hbm4b:s2+s6], $0x80, s16, s6, $0xb8;
	[tilespmem:$0x1E500] =	vst v63  }
0x43: {  	_ =	swait.ge [sflag:s17], $0xA000  }
0x44: {  	[sflag:s17] =	ssyncset.done $0x0  }
0x45: {  	[sflag:s17] =	ssyncadd.s32 $0xFFFF6000  }
0x46: {  	[hbm4b:s18+s3] =	stream.linear.scatter [tilespmem:s10], [sflag:$0x6], $0xA000, $0x38;
	[tilespmem:$0x1E500] =	vst v63  }
0x47: {  	_ =	swait.ge [sflag:s11], $0xA000  }
0x48: {  	[sflag:s11] =	ssyncset.done $0x0  }
0x49: {  	[sflag:s11] =	ssyncadd.s32 $0xFFFF6000  }
0x4a: {  	[hbm4b:s19+s3] =	stream.linear.scatter [tilespmem:s7], [sflag:$0x4], $0xA000, $0x38;
	[tilespmem:$0x1E500] =	vst v63  }
0x4b: {  	_ =	swait.ge [sflag:s20], $0xA000  }
0x4c: {  	[sflag:s20] =	ssyncset.done $0x0  }
0x4d: {  	[sflag:s20] =	ssyncadd.s32 $0xFFFF6000  }
.Ltmp1:
0x4e: {  	_ =	swait.ge [sflag:s21], $0xA000;
	(pc) =	sbr.rel @p0 .LBB2_1-.Ltmp1, $4  }
0x4f: {  	[sflag:s21] =	ssyncset.done $0x0  }
0x50: {  	[sflag:s21] =	ssyncadd.s32 $0xFFFF6000  }
0x51: {  	_ =	swait.ge [sflag:s14], $0xA000  }
0x52: {  	[sflag:s14] =	ssyncset.done $0x0  }
.LBB2_2:
0x53: {  	[sflag:s14] =	ssyncadd.s32 $0xFFFF6000  }
0x54: {  	_ =	sfence.sel $0x180000  }
0x55: {  	[bflag:$0x0] =	sbarrier.arrive $0xFFFF  }
0x56: {  	p0 =	sne.s32 s0, $0x0;
	_ =	strace $0x90000053  }
0x57: {  	s0 =	sadd.s32 @!p0 $0x100000, s1;
	[bflag:$0x2] =	sbarrier.arrive $0xFFFF  }
0x58: {  	[sflag:s0] =	ssyncadd.tile.s32 @!p0 $0x1;
	_ =	shalt  }
.Lfunc_end2:
_tile_overlayer_lowered:
.L_overlay_start_2:
0x59: {  	(tag) =	ssettag $0x2  }
0x5a: {  	s0 =	rddreg [dreg:$0x0];
	s2 =	stileid.u32  }
0x5b: {  	s1 =	rddreg [dreg:$0x1];
	p0 =	sne.s32 s2, $0x0  }
0x5c: {  	s3 =	rddreg [dreg:$0x2];
	[bflag:$0x3] =	sbarrier.arrive $0xFFFF;
	s2 =	simm.s32 @!p0 $0x1C07  }
0x5d: {  	[timem:s3], [sflag:s2] =	dma.local @!p0 [hbm:s0], s1  }
0x5e: {  	s0 =	simm.s32 @!p0 $0x7  }
0x5f: {  	_ =	swait.ge @!p0 [sflag:s0], s1  }
0x60: {  	s1 =	ssub.s32 @!p0 $0x0, s1;
	[sflag:s0] =	ssyncset.done @!p0 $0x0  }
0x61: {  	[sflag:s0] =	ssyncadd.s32 @!p0 s1  }
0x62: {  	[bflag:$0x3] =	sbarrier.arrive $0xFFFF  }
0x63: {  	_ =	shalt  }

</sc_bundles>
